<compile_context>
chip_gen: v7x
topology: tpu7x:2x2x1
jax: 0.10.2.dev20260603
libtpu: 0.0.44.dev20260713+nightly
codegen_flags: <defaults>
</compile_context>

<pallas_src>
import functools

import jax
import jax.numpy as jnp
from jax import lax
from jax.experimental import pallas as pl
from jax.experimental.pallas import tpu as pltpu
from jax.experimental.pallas import tpu_sc as plsc

D_MODEL = 64
NUM_ROWS = 1000000
F_DIM = 26
G_B = 8


def _gather_call(idx, table_p, n_b):
    info = plsc.get_sparse_core_info()
    nw = info.num_cores * info.num_subcores
    b_per_w = n_b // nw
    chunk = G_B * F_DIM
    n_chunks = b_per_w // G_B
    n_pairs = n_chunks // 2
    mesh = plsc.VectorSubcoreMesh(core_axis_name="c", subcore_axis_name="s")

    @functools.partial(
        pl.kernel,
        mesh=mesh,
        out_type=jax.ShapeDtypeStruct((n_b, F_DIM, D_MODEL), jnp.float32),
        scratch_types=[
            pltpu.VMEM((chunk,), jnp.int32),
            pltpu.VMEM((chunk,), jnp.int32),
            pltpu.VMEM((chunk, 128), jnp.float32),
            pltpu.VMEM((chunk, 128), jnp.float32),
            pltpu.VMEM((chunk, D_MODEL), jnp.float32),
            pltpu.VMEM((chunk, D_MODEL), jnp.float32),
            pltpu.SemaphoreType.DMA,
            pltpu.SemaphoreType.DMA,
            pltpu.SemaphoreType.DMA,
            pltpu.SemaphoreType.DMA,
        ],
    )
    def k(idx_hbm, tbl_hbm, out_hbm, q0, q1, r0, r1, p0, p1, g0, g1, w0, w1):
        qb = (q0, q1)
        rows = (r0, r1)
        packed = (p0, p1)
        gsem = (g0, g1)
        wsem = (w0, w1)
        wid = lax.axis_index("s") * info.num_cores + lax.axis_index("c")
        b_base = wid * b_per_w

        def prep(c, b):
            off = (b_base + c * G_B) * F_DIM
            pltpu.sync_copy(idx_hbm.at[pl.ds(off, chunk)], qb[b])

        def gather_start(b):
            pltpu.make_async_copy(tbl_hbm.at[qb[b]], rows[b], gsem[b]).start()

        def gather_wait(b):
            pltpu.make_async_copy(tbl_hbm.at[qb[b]], rows[b], gsem[b]).wait()

        def select(b):
            def group_body(i, carry):
                for j in range(4):
                    sl = pl.ds(j * 16, 16)
                    packed[b][i, sl] = rows[b][i, sl]
                return carry
            lax.fori_loop(0, chunk, group_body, 0, unroll=8)

        def write_starts(c, b):
            b0 = b_base + c * G_B
            for g in range(G_B):
                pltpu.make_async_copy(
                    packed[b].at[pl.ds(g * F_DIM, F_DIM)],
                    out_hbm.at[b0 + g],
                    wsem[b],
                ).start()

        def write_waits(c, b):
            b0 = b_base + c * G_B
            for g in range(G_B):
                pltpu.make_async_copy(
                    packed[b].at[pl.ds(g * F_DIM, F_DIM)],
                    out_hbm.at[b0 + g],
                    wsem[b],
                ).wait()

        for b in range(2):
            prep(b, b)
            gather_start(b)

        def pair_body(rr, carry):
            for b in range(2):
                c = rr * 2 + b

                gather_wait(b)

                @pl.when(rr > 0)
                def _():
                    write_waits(c, b)

                select(b)
                write_starts(c, b)

                @pl.when(rr < n_pairs - 1)
                def _():
                    prep(c + 2, b)
                    gather_start(b)
            return carry

        lax.fori_loop(0, n_pairs, pair_body, 0)

        for b in range(2):
            write_waits(0, b)

    return k(idx, table_p)


def kernel(x, table):
    n_b, f, _ = x.shape
    idx = x.reshape(n_b * f)
    table_p = jnp.pad(table[:NUM_ROWS], ((0, 0), (0, 128 - D_MODEL)))
    out = _gather_call(idx, table_p, n_b)
    return out.reshape(n_b, f, 1, D_MODEL)

# --- scband reference (transcript-rebuilt; emitter-appended) ---
"""Pipeline reference for scband-discrete-encoder-33947421508459 (READ-ONLY COPY).

The authoritative reference and input builder live on the scoring server;
editing this copy changes nothing except your own understanding.
"""

import jax, jax.numpy as jnp
import numpy as np

D_MODEL = 64
NUM_CLASSES = 1000000

def setup_inputs(seed: int = 0) -> dict:
    key = jax.random.key(seed)
    k1, k2 = jax.random.split(key)
    x = jax.random.randint(k1, (16384, 26, 1), 0, NUM_CLASSES, dtype=jnp.int64 if jax.config.jax_enable_x64 else jnp.int32).astype(jnp.int32)
    # Embedding table with num_classes+1 rows; padding row (index num_classes) zeroed,
    # matching nn.Embedding(num_classes+1, d, padding_idx=num_classes) with zeroed pad row.
    table = jax.random.normal(k2, (NUM_CLASSES + 1, D_MODEL), dtype=jnp.float32)
    table = table.at[NUM_CLASSES].set(0.0)
    return {"x": x, "table": table}

def reference(x, table):
    idx = jnp.squeeze(x, axis=-1)            # x.long().squeeze(-1) -> [B, F]
    out = jnp.take(table, idx, axis=0)        # embedding lookup -> [B, F, D]
    return out[:, :, None, :]                 # unsqueeze(2) -> [B, F, 1, D]

if __name__ == "__main__":
    import jax
    _d = setup_inputs()
    print(jax.jit(kernel)(*tuple(_d.values())))

</pallas_src>

<mosaic_0001>
#map = affine_map<(d0, d1) -> (0)>
#map1 = affine_map<(d0, d1) -> (0, 0)>
#map2 = affine_map<(d0, d1) -> (0, 0, 0)>
module attributes {stable_mosaic.version = 14 : i64} {
  func.func @k(%arg0: i32, %arg1: i32, %arg2: memref<425984xi32, #tpu.memory_space<hbm>>, %arg3: memref<1000000x128xf32, #tpu.memory_space<hbm>>, %arg4: memref<16384x26x64xf32, #tpu.memory_space<hbm>>, %arg5: memref<208xi32, #tpu.memory_space<vmem>>, %arg6: memref<208xi32, #tpu.memory_space<vmem>>, %arg7: memref<208x128xf32, #tpu.memory_space<vmem>>, %arg8: memref<208x128xf32, #tpu.memory_space<vmem>>, %arg9: memref<208x64xf32, #tpu.memory_space<vmem>>, %arg10: memref<208x64xf32, #tpu.memory_space<vmem>>, %arg11: memref<!tpu.dma_semaphore, #tpu.memory_space<semaphore_mem>>, %arg12: memref<!tpu.dma_semaphore, #tpu.memory_space<semaphore_mem>>, %arg13: memref<!tpu.dma_semaphore, #tpu.memory_space<semaphore_mem>>, %arg14: memref<!tpu.dma_semaphore, #tpu.memory_space<semaphore_mem>>) attributes {dimension_semantics = [#tpu.dimension_semantics<core_parallel>, #tpu.dimension_semantics<subcore_parallel>], iteration_bounds = array<i64: 2, 16>, scalar_prefetch = 0 : i64, scratch_operands = 10 : i64, tpu.core_type = #tpu.core_type<sc_vector_subcore>, window_params = [{transform_indices = #map}, {transform_indices = #map1}, {transform_indices = #map2}]} {
    %mul3A = arith.constant 2 : i32
    %mul3A_0 = arith.muli %arg1, %mul3A : i32
    %add3A = arith.addi %mul3A_0, %arg0 : i32
    %mul3A_1 = arith.constant 512 : i32
    %mul3A_2 = arith.muli %add3A, %mul3A_1 : i32
    %add3A_3 = arith.constant 0 : i32
    %add3A_4 = arith.addi %mul3A_2, %add3A_3 : i32
    %mul3A_5 = arith.constant 26 : i32
    %mul3A_6 = arith.muli %add3A_4, %mul3A_5 : i32
    "tpu.region"() ({
      %run_scoped3A = tpu.sem_alloc : memref<!tpu.dma_semaphore, #tpu.memory_space<semaphore_mem>>
      %dma_start3A_280 = tpu.memref_slice %arg2[%mul3A_6] : memref<425984xi32, #tpu.memory_space<hbm>> -> memref<208xi32, #tpu.memory_space<hbm>>
      %dma_start3A_281 = tpu.memref_slice %arg2[%mul3A_6] : memref<425984xi32, #tpu.memory_space<hbm>> -> memref<208xi32, #tpu.memory_space<hbm>>
      tpu.enqueue_dma source(%dma_start3A_281 : memref<208xi32, #tpu.memory_space<hbm>>) target(%arg5 : memref<208xi32, #tpu.memory_space<vmem>>) target_semaphore(%run_scoped3A : memref<!tpu.dma_semaphore, #tpu.memory_space<semaphore_mem>>)
      %dma_wait3A_282 = tpu.memref_slice %arg2[%mul3A_6] : memref<425984xi32, #tpu.memory_space<hbm>> -> memref<208xi32, #tpu.memory_space<hbm>>
      %dma_wait3A_283 = tpu.memref_slice %arg2[%mul3A_6] : memref<425984xi32, #tpu.memory_space<hbm>> -> memref<208xi32, #tpu.memory_space<hbm>>
      tpu.wait_dma2 semaphore(%run_scoped3A : memref<!tpu.dma_semaphore, #tpu.memory_space<semaphore_mem>>) src(%dma_wait3A_283 : memref<208xi32, #tpu.memory_space<hbm>>) dst(%arg5 : memref<208xi32, #tpu.memory_space<vmem>>)
      tpu.yield
    }) : () -> ()
    %dma_start3A = arith.constant 0 : i32
    %dma_start3A_7 = arith.constant 0 : i32
    %dma_start3A_8 = tpu.memref_slice %arg3[%dma_start3A, %dma_start3A_7] : memref<1000000x128xf32, #tpu.memory_space<hbm>> -> memref<1000000x128xf32, #tpu.memory_space<hbm>>
    tpu.enqueue_indirect_dma source(%dma_start3A_8 : memref<1000000x128xf32, #tpu.memory_space<hbm>>) target(%arg7 : memref<208x128xf32, #tpu.memory_space<vmem>>) offsets(%arg5 : memref<208xi32, #tpu.memory_space<vmem>>) semaphore(%arg11 : memref<!tpu.dma_semaphore, #tpu.memory_space<semaphore_mem>>)
    %add3A_9 = arith.constant 8 : i32
    %add3A_10 = arith.addi %mul3A_2, %add3A_9 : i32
    %mul3A_11 = arith.constant 26 : i32
    %mul3A_12 = arith.muli %add3A_10, %mul3A_11 : i32
    "tpu.region"() ({
      %run_scoped3A = tpu.sem_alloc : memref<!tpu.dma_semaphore, #tpu.memory_space<semaphore_mem>>
      %dma_start3A_280 = tpu.memref_slice %arg2[%mul3A_12] : memref<425984xi32, #tpu.memory_space<hbm>> -> memref<208xi32, #tpu.memory_space<hbm>>
      %dma_start3A_281 = tpu.memref_slice %arg2[%mul3A_12] : memref<425984xi32, #tpu.memory_space<hbm>> -> memref<208xi32, #tpu.memory_space<hbm>>
      tpu.enqueue_dma source(%dma_start3A_281 : memref<208xi32, #tpu.memory_space<hbm>>) target(%arg6 : memref<208xi32, #tpu.memory_space<vmem>>) target_semaphore(%run_scoped3A : memref<!tpu.dma_semaphore, #tpu.memory_space<semaphore_mem>>)
      %dma_wait3A_282 = tpu.memref_slice %arg2[%mul3A_12] : memref<425984xi32, #tpu.memory_space<hbm>> -> memref<208xi32, #tpu.memory_space<hbm>>
      %dma_wait3A_283 = tpu.memref_slice %arg2[%mul3A_12] : memref<425984xi32, #tpu.memory_space<hbm>> -> memref<208xi32, #tpu.memory_space<hbm>>
      tpu.wait_dma2 semaphore(%run_scoped3A : memref<!tpu.dma_semaphore, #tpu.memory_space<semaphore_mem>>) src(%dma_wait3A_283 : memref<208xi32, #tpu.memory_space<hbm>>) dst(%arg6 : memref<208xi32, #tpu.memory_space<vmem>>)
      tpu.yield
    }) : () -> ()
    %dma_start3A_13 = arith.constant 0 : i32
    %dma_start3A_14 = arith.constant 0 : i32
    %dma_start3A_15 = tpu.memref_slice %arg3[%dma_start3A_13, %dma_start3A_14] : memref<1000000x128xf32, #tpu.memory_space<hbm>> -> memref<1000000x128xf32, #tpu.memory_space<hbm>>
    tpu.enqueue_indirect_dma source(%dma_start3A_15 : memref<1000000x128xf32, #tpu.memory_space<hbm>>) target(%arg8 : memref<208x128xf32, #tpu.memory_space<vmem>>) offsets(%arg6 : memref<208xi32, #tpu.memory_space<vmem>>) semaphore(%arg12 : memref<!tpu.dma_semaphore, #tpu.memory_space<semaphore_mem>>)
    %scan3A = arith.constant 0 : i32
    %scan3A_16 = arith.constant 0 : i32
    %scan3A_17 = arith.constant 32 : i32
    %scan3A_18 = arith.addi %scan3A_16, %scan3A_17 : i32
    %scan3A_19 = arith.constant 1 : i32
    scf.for %scan3A_280 = %scan3A_16 to %scan3A_18 step %scan3A_19  : i32 {
      %mul3A_281 = arith.constant 2 : i32
      %mul3A_282 = arith.muli %scan3A_280, %mul3A_281 : i32
      %add3A_283 = arith.constant 0 : i32
      %add3A_284 = arith.addi %mul3A_282, %add3A_283 : i32
      %dma_wait3A_285 = arith.constant 0 : i32
      %dma_wait3A_286 = arith.constant 0 : i32
      %dma_wait3A_287 = tpu.memref_slice %arg3[%dma_wait3A_285, %dma_wait3A_286] : memref<1000000x128xf32, #tpu.memory_space<hbm>> -> memref<1000000x128xf32, #tpu.memory_space<hbm>>
      tpu.wait_indirect_dma semaphore(%arg11 : memref<!tpu.dma_semaphore, #tpu.memory_space<semaphore_mem>>) src(%dma_wait3A_287 : memref<1000000x128xf32, #tpu.memory_space<hbm>>) dst(%arg7 : memref<208x128xf32, #tpu.memory_space<vmem>>)
      %gt3A = arith.constant 0 : i32
      %gt3A_288 = arith.cmpi sgt, %scan3A_280, %gt3A : i32
      %convert_element_type3A = arith.extui %gt3A_288 : i1 to i32
      %cond3A = arith.constant 0 : i32
      %cond3A_289 = arith.cmpi ne, %convert_element_type3A, %cond3A : i32
      scf.if %cond3A_289 {
        %mul3A_585 = arith.constant 8 : i32
        %mul3A_586 = arith.muli %add3A_284, %mul3A_585 : i32
        %add3A_587 = arith.addi %mul3A_2, %mul3A_586 : i32
        %add3A_588 = arith.constant 0 : i32
        %add3A_589 = arith.addi %add3A_587, %add3A_588 : i32
        %dma_wait3A_590 = arith.constant 0 : i32
        %dma_wait3A_591 = arith.constant 0 : i32
        %dma_wait3A_592 = tpu.memref_slice %arg9[%dma_wait3A_590, %dma_wait3A_591] : memref<208x64xf32, #tpu.memory_space<vmem>> -> memref<26x64xf32, #tpu.memory_space<vmem>>
        %dma_wait3A_593 = arith.constant 0 : i32
        %dma_wait3A_594 = arith.constant 0 : i32
        %dma_wait3A_595 = tpu.memref_slice %arg4[%add3A_589, %dma_wait3A_593, %dma_wait3A_594] : memref<16384x26x64xf32, #tpu.memory_space<hbm>> -> memref<1x26x64xf32, #tpu.memory_space<hbm>>
        %dma_wait3A_596 = tpu.memref_squeeze %dma_wait3A_595 : memref<1x26x64xf32, #tpu.memory_space<hbm>> -> memref<26x64xf32, #tpu.memory_space<hbm>>
        %dma_wait3A_597 = arith.constant 0 : i32
        %dma_wait3A_598 = arith.constant 0 : i32
        %dma_wait3A_599 = tpu.memref_slice %arg4[%add3A_589, %dma_wait3A_597, %dma_wait3A_598] : memref<16384x26x64xf32, #tpu.memory_space<hbm>> -> memref<1x26x64xf32, #tpu.memory_space<hbm>>
        %dma_wait3A_600 = tpu.memref_squeeze %dma_wait3A_599 : memref<1x26x64xf32, #tpu.memory_space<hbm>> -> memref<26x64xf32, #tpu.memory_space<hbm>>
        %dma_wait3A_601 = arith.constant 0 : i32
        %dma_wait3A_602 = arith.constant 0 : i32
        %dma_wait3A_603 = tpu.memref_slice %arg9[%dma_wait3A_601, %dma_wait3A_602] : memref<208x64xf32, #tpu.memory_space<vmem>> -> memref<26x64xf32, #tpu.memory_space<vmem>>
        tpu.wait_dma2 semaphore(%arg13 : memref<!tpu.dma_semaphore, #tpu.memory_space<semaphore_mem>>) src(%dma_wait3A_603 : memref<26x64xf32, #tpu.memory_space<vmem>>) dst(%dma_wait3A_600 : memref<26x64xf32, #tpu.memory_space<hbm>>)
        %add3A_604 = arith.constant 1 : i32
        %add3A_605 = arith.addi %add3A_587, %add3A_604 : i32
        %dma_wait3A_606 = arith.constant 26 : i32
        %dma_wait3A_607 = arith.constant 0 : i32
        %dma_wait3A_608 = tpu.memref_slice %arg9[%dma_wait3A_606, %dma_wait3A_607] : memref<208x64xf32, #tpu.memory_space<vmem>> -> memref<26x64xf32, #tpu.memory_space<vmem>>
        %dma_wait3A_609 = arith.constant 0 : i32
        %dma_wait3A_610 = arith.constant 0 : i32
        %dma_wait3A_611 = tpu.memref_slice %arg4[%add3A_605, %dma_wait3A_609, %dma_wait3A_610] : memref<16384x26x64xf32, #tpu.memory_space<hbm>> -> memref<1x26x64xf32, #tpu.memory_space<hbm>>
        %dma_wait3A_612 = tpu.memref_squeeze %dma_wait3A_611 : memref<1x26x64xf32, #tpu.memory_space<hbm>> -> memref<26x64xf32, #tpu.memory_space<hbm>>
        %dma_wait3A_613 = arith.constant 0 : i32
        %dma_wait3A_614 = arith.constant 0 : i32
        %dma_wait3A_615 = tpu.memref_slice %arg4[%add3A_605, %dma_wait3A_613, %dma_wait3A_614] : memref<16384x26x64xf32, #tpu.memory_space<hbm>> -> memref<1x26x64xf32, #tpu.memory_space<hbm>>
        %dma_wait3A_616 = tpu.memref_squeeze %dma_wait3A_615 : memref<1x26x64xf32, #tpu.memory_space<hbm>> -> memref<26x64xf32, #tpu.memory_space<hbm>>
        %dma_wait3A_617 = arith.constant 26 : i32
        %dma_wait3A_618 = arith.constant 0 : i32
        %dma_wait3A_619 = tpu.memref_slice %arg9[%dma_wait3A_617, %dma_wait3A_618] : memref<208x64xf32, #tpu.memory_space<vmem>> -> memref<26x64xf32, #tpu.memory_space<vmem>>
        tpu.wait_dma2 semaphore(%arg13 : memref<!tpu.dma_semaphore, #tpu.memory_space<semaphore_mem>>) src(%dma_wait3A_619 : memref<26x64xf32, #tpu.memory_space<vmem>>) dst(%dma_wait3A_616 : memref<26x64xf32, #tpu.memory_space<hbm>>)
        %add3A_620 = arith.constant 2 : i32
        %add3A_621 = arith.addi %add3A_587, %add3A_620 : i32
        %dma_wait3A_622 = arith.constant 52 : i32
        %dma_wait3A_623 = arith.constant 0 : i32
        %dma_wait3A_624 = tpu.memref_slice %arg9[%dma_wait3A_622, %dma_wait3A_623] : memref<208x64xf32, #tpu.memory_space<vmem>> -> memref<26x64xf32, #tpu.memory_space<vmem>>
        %dma_wait3A_625 = arith.constant 0 : i32
        %dma_wait3A_626 = arith.constant 0 : i32
        %dma_wait3A_627 = tpu.memref_slice %arg4[%add3A_621, %dma_wait3A_625, %dma_wait3A_626] : memref<16384x26x64xf32, #tpu.memory_space<hbm>> -> memref<1x26x64xf32, #tpu.memory_space<hbm>>
        %dma_wait3A_628 = tpu.memref_squeeze %dma_wait3A_627 : memref<1x26x64xf32, #tpu.memory_space<hbm>> -> memref<26x64xf32, #tpu.memory_space<hbm>>
        %dma_wait3A_629 = arith.constant 0 : i32
        %dma_wait3A_630 = arith.constant 0 : i32
        %dma_wait3A_631 = tpu.memref_slice %arg4[%add3A_621, %dma_wait3A_629, %dma_wait3A_630] : memref<16384x26x64xf32, #tpu.memory_space<hbm>> -> memref<1x26x64xf32, #tpu.memory_space<hbm>>
        %dma_wait3A_632 = tpu.memref_squeeze %dma_wait3A_631 : memref<1x26x64xf32, #tpu.memory_space<hbm>> -> memref<26x64xf32, #tpu.memory_space<hbm>>
        %dma_wait3A_633 = arith.constant 52 : i32
        %dma_wait3A_634 = arith.constant 0 : i32
        %dma_wait3A_635 = tpu.memref_slice %arg9[%dma_wait3A_633, %dma_wait3A_634] : memref<208x64xf32, #tpu.memory_space<vmem>> -> memref<26x64xf32, #tpu.memory_space<vmem>>
        tpu.wait_dma2 semaphore(%arg13 : memref<!tpu.dma_semaphore, #tpu.memory_space<semaphore_mem>>) src(%dma_wait3A_635 : memref<26x64xf32, #tpu.memory_space<vmem>>) dst(%dma_wait3A_632 : memref<26x64xf32, #tpu.memory_space<hbm>>)
        %add3A_636 = arith.constant 3 : i32
        %add3A_637 = arith.addi %add3A_587, %add3A_636 : i32
        %dma_wait3A_638 = arith.constant 78 : i32
        %dma_wait3A_639 = arith.constant 0 : i32
        %dma_wait3A_640 = tpu.memref_slice %arg9[%dma_wait3A_638, %dma_wait3A_639] : memref<208x64xf32, #tpu.memory_space<vmem>> -> memref<26x64xf32, #tpu.memory_space<vmem>>
        %dma_wait3A_641 = arith.constant 0 : i32
        %dma_wait3A_642 = arith.constant 0 : i32
        %dma_wait3A_643 = tpu.memref_slice %arg4[%add3A_637, %dma_wait3A_641, %dma_wait3A_642] : memref<16384x26x64xf32, #tpu.memory_space<hbm>> -> memref<1x26x64xf32, #tpu.memory_space<hbm>>
        %dma_wait3A_644 = tpu.memref_squeeze %dma_wait3A_643 : memref<1x26x64xf32, #tpu.memory_space<hbm>> -> memref<26x64xf32, #tpu.memory_space<hbm>>
        %dma_wait3A_645 = arith.constant 0 : i32
        %dma_wait3A_646 = arith.constant 0 : i32
        %dma_wait3A_647 = tpu.memref_slice %arg4[%add3A_637, %dma_wait3A_645, %dma_wait3A_646] : memref<16384x26x64xf32, #tpu.memory_space<hbm>> -> memref<1x26x64xf32, #tpu.memory_space<hbm>>
        %dma_wait3A_648 = tpu.memref_squeeze %dma_wait3A_647 : memref<1x26x64xf32, #tpu.memory_space<hbm>> -> memref<26x64xf32, #tpu.memory_space<hbm>>
        %dma_wait3A_649 = arith.constant 78 : i32
        %dma_wait3A_650 = arith.constant 0 : i32
        %dma_wait3A_651 = tpu.memref_slice %arg9[%dma_wait3A_649, %dma_wait3A_650] : memref<208x64xf32, #tpu.memory_space<vmem>> -> memref<26x64xf32, #tpu.memory_space<vmem>>
        tpu.wait_dma2 semaphore(%arg13 : memref<!tpu.dma_semaphore, #tpu.memory_space<semaphore_mem>>) src(%dma_wait3A_651 : memref<26x64xf32, #tpu.memory_space<vmem>>) dst(%dma_wait3A_648 : memref<26x64xf32, #tpu.memory_space<hbm>>)
        %add3A_652 = arith.constant 4 : i32
        %add3A_653 = arith.addi %add3A_587, %add3A_652 : i32
        %dma_wait3A_654 = arith.constant 104 : i32
        %dma_wait3A_655 = arith.constant 0 : i32
        %dma_wait3A_656 = tpu.memref_slice %arg9[%dma_wait3A_654, %dma_wait3A_655] : memref<208x64xf32, #tpu.memory_space<vmem>> -> memref<26x64xf32, #tpu.memory_space<vmem>>
        %dma_wait3A_657 = arith.constant 0 : i32
        %dma_wait3A_658 = arith.constant 0 : i32
        %dma_wait3A_659 = tpu.memref_slice %arg4[%add3A_653, %dma_wait3A_657, %dma_wait3A_658] : memref<16384x26x64xf32, #tpu.memory_space<hbm>> -> memref<1x26x64xf32, #tpu.memory_space<hbm>>
        %dma_wait3A_660 = tpu.memref_squeeze %dma_wait3A_659 : memref<1x26x64xf32, #tpu.memory_space<hbm>> -> memref<26x64xf32, #tpu.memory_space<hbm>>
        %dma_wait3A_661 = arith.constant 0 : i32
        %dma_wait3A_662 = arith.constant 0 : i32
        %dma_wait3A_663 = tpu.memref_slice %arg4[%add3A_653, %dma_wait3A_661, %dma_wait3A_662] : memref<16384x26x64xf32, #tpu.memory_space<hbm>> -> memref<1x26x64xf32, #tpu.memory_space<hbm>>
        %dma_wait3A_664 = tpu.memref_squeeze %dma_wait3A_663 : memref<1x26x64xf32, #tpu.memory_space<hbm>> -> memref<26x64xf32, #tpu.memory_space<hbm>>
        %dma_wait3A_665 = arith.constant 104 : i32
        %dma_wait3A_666 = arith.constant 0 : i32
        %dma_wait3A_667 = tpu.memref_slice %arg9[%dma_wait3A_665, %dma_wait3A_666] : memref<208x64xf32, #tpu.memory_space<vmem>> -> memref<26x64xf32, #tpu.memory_space<vmem>>
        tpu.wait_dma2 semaphore(%arg13 : memref<!tpu.dma_semaphore, #tpu.memory_space<semaphore_mem>>) src(%dma_wait3A_667 : memref<26x64xf32, #tpu.memory_space<vmem>>) dst(%dma_wait3A_664 : memref<26x64xf32, #tpu.memory_space<hbm>>)
        %add3A_668 = arith.constant 5 : i32
        %add3A_669 = arith.addi %add3A_587, %add3A_668 : i32
        %dma_wait3A_670 = arith.constant 130 : i32
        %dma_wait3A_671 = arith.constant 0 : i32
        %dma_wait3A_672 = tpu.memref_slice %arg9[%dma_wait3A_670, %dma_wait3A_671] : memref<208x64xf32, #tpu.memory_space<vmem>> -> memref<26x64xf32, #tpu.memory_space<vmem>>
        %dma_wait3A_673 = arith.constant 0 : i32
        %dma_wait3A_674 = arith.constant 0 : i32
        %dma_wait3A_675 = tpu.memref_slice %arg4[%add3A_669, %dma_wait3A_673, %dma_wait3A_674] : memref<16384x26x64xf32, #tpu.memory_space<hbm>> -> memref<1x26x64xf32, #tpu.memory_space<hbm>>
        %dma_wait3A_676 = tpu.memref_squeeze %dma_wait3A_675 : memref<1x26x64xf32, #tpu.memory_space<hbm>> -> memref<26x64xf32, #tpu.memory_space<hbm>>
        %dma_wait3A_677 = arith.constant 0 : i32
        %dma_wait3A_678 = arith.constant 0 : i32
        %dma_wait3A_679 = tpu.memref_slice %arg4[%add3A_669, %dma_wait3A_677, %dma_wait3A_678] : memref<16384x26x64xf32, #tpu.memory_space<hbm>> -> memref<1x26x64xf32, #tpu.memory_space<hbm>>
        %dma_wait3A_680 = tpu.memref_squeeze %dma_wait3A_679 : memref<1x26x64xf32, #tpu.memory_space<hbm>> -> memref<26x64xf32, #tpu.memory_space<hbm>>
        %dma_wait3A_681 = arith.constant 130 : i32
        %dma_wait3A_682 = arith.constant 0 : i32
        %dma_wait3A_683 = tpu.memref_slice %arg9[%dma_wait3A_681, %dma_wait3A_682] : memref<208x64xf32, #tpu.memory_space<vmem>> -> memref<26x64xf32, #tpu.memory_space<vmem>>
        tpu.wait_dma2 semaphore(%arg13 : memref<!tpu.dma_semaphore, #tpu.memory_space<semaphore_mem>>) src(%dma_wait3A_683 : memref<26x64xf32, #tpu.memory_space<vmem>>) dst(%dma_wait3A_680 : memref<26x64xf32, #tpu.memory_space<hbm>>)
        %add3A_684 = arith.constant 6 : i32
        %add3A_685 = arith.addi %add3A_587, %add3A_684 : i32
        %dma_wait3A_686 = arith.constant 156 : i32
        %dma_wait3A_687 = arith.constant 0 : i32
        %dma_wait3A_688 = tpu.memref_slice %arg9[%dma_wait3A_686, %dma_wait3A_687] : memref<208x64xf32, #tpu.memory_space<vmem>> -> memref<26x64xf32, #tpu.memory_space<vmem>>
        %dma_wait3A_689 = arith.constant 0 : i32
        %dma_wait3A_690 = arith.constant 0 : i32
        %dma_wait3A_691 = tpu.memref_slice %arg4[%add3A_685, %dma_wait3A_689, %dma_wait3A_690] : memref<16384x26x64xf32, #tpu.memory_space<hbm>> -> memref<1x26x64xf32, #tpu.memory_space<hbm>>
        %dma_wait3A_692 = tpu.memref_squeeze %dma_wait3A_691 : memref<1x26x64xf32, #tpu.memory_space<hbm>> -> memref<26x64xf32, #tpu.memory_space<hbm>>
        %dma_wait3A_693 = arith.constant 0 : i32
        %dma_wait3A_694 = arith.constant 0 : i32
        %dma_wait3A_695 = tpu.memref_slice %arg4[%add3A_685, %dma_wait3A_693, %dma_wait3A_694] : memref<16384x26x64xf32, #tpu.memory_space<hbm>> -> memref<1x26x64xf32, #tpu.memory_space<hbm>>
        %dma_wait3A_696 = tpu.memref_squeeze %dma_wait3A_695 : memref<1x26x64xf32, #tpu.memory_space<hbm>> -> memref<26x64xf32, #tpu.memory_space<hbm>>
        %dma_wait3A_697 = arith.constant 156 : i32
        %dma_wait3A_698 = arith.constant 0 : i32
        %dma_wait3A_699 = tpu.memref_slice %arg9[%dma_wait3A_697, %dma_wait3A_698] : memref<208x64xf32, #tpu.memory_space<vmem>> -> memref<26x64xf32, #tpu.memory_space<vmem>>
        tpu.wait_dma2 semaphore(%arg13 : memref<!tpu.dma_semaphore, #tpu.memory_space<semaphore_mem>>) src(%dma_wait3A_699 : memref<26x64xf32, #tpu.memory_space<vmem>>) dst(%dma_wait3A_696 : memref<26x64xf32, #tpu.memory_space<hbm>>)
        %add3A_700 = arith.constant 7 : i32
        %add3A_701 = arith.addi %add3A_587, %add3A_700 : i32
        %dma_wait3A_702 = arith.constant 182 : i32
        %dma_wait3A_703 = arith.constant 0 : i32
        %dma_wait3A_704 = tpu.memref_slice %arg9[%dma_wait3A_702, %dma_wait3A_703] : memref<208x64xf32, #tpu.memory_space<vmem>> -> memref<26x64xf32, #tpu.memory_space<vmem>>
        %dma_wait3A_705 = arith.constant 0 : i32
        %dma_wait3A_706 = arith.constant 0 : i32
        %dma_wait3A_707 = tpu.memref_slice %arg4[%add3A_701, %dma_wait3A_705, %dma_wait3A_706] : memref<16384x26x64xf32, #tpu.memory_space<hbm>> -> memref<1x26x64xf32, #tpu.memory_space<hbm>>
        %dma_wait3A_708 = tpu.memref_squeeze %dma_wait3A_707 : memref<1x26x64xf32, #tpu.memory_space<hbm>> -> memref<26x64xf32, #tpu.memory_space<hbm>>
        %dma_wait3A_709 = arith.constant 0 : i32
        %dma_wait3A_710 = arith.constant 0 : i32
        %dma_wait3A_711 = tpu.memref_slice %arg4[%add3A_701, %dma_wait3A_709, %dma_wait3A_710] : memref<16384x26x64xf32, #tpu.memory_space<hbm>> -> memref<1x26x64xf32, #tpu.memory_space<hbm>>
        %dma_wait3A_712 = tpu.memref_squeeze %dma_wait3A_711 : memref<1x26x64xf32, #tpu.memory_space<hbm>> -> memref<26x64xf32, #tpu.memory_space<hbm>>
        %dma_wait3A_713 = arith.constant 182 : i32
        %dma_wait3A_714 = arith.constant 0 : i32
        %dma_wait3A_715 = tpu.memref_slice %arg9[%dma_wait3A_713, %dma_wait3A_714] : memref<208x64xf32, #tpu.memory_space<vmem>> -> memref<26x64xf32, #tpu.memory_space<vmem>>
        tpu.wait_dma2 semaphore(%arg13 : memref<!tpu.dma_semaphore, #tpu.memory_space<semaphore_mem>>) src(%dma_wait3A_715 : memref<26x64xf32, #tpu.memory_space<vmem>>) dst(%dma_wait3A_712 : memref<26x64xf32, #tpu.memory_space<hbm>>)
      } else {
      }
      %scan3A_290 = arith.constant 0 : i32
      %scan3A_291 = arith.constant 0 : i32
      %scan3A_292 = arith.constant 208 : i32
      %scan3A_293 = arith.addi %scan3A_291, %scan3A_292 : i32
      %scan3A_294 = arith.constant 8 : i32
      scf.for %scan3A_585 = %scan3A_291 to %scan3A_293 step %scan3A_294  : i32 {
        %get3A = arith.index_cast %scan3A_585 : i32 to index
        %get3A_586 = arith.constant 0 : index
        %get3A_587 = tpu.vector_load %arg7[%get3A, %get3A_586] {strides = array<i32>} : memref<208x128xf32, #tpu.memory_space<vmem>>, vector<1x16xf32>,
        %get3A_588 = vector.shape_cast %get3A_587 : vector<1x16xf32> to vector<16xf32>
        %swap3A = arith.index_cast %scan3A_585 : i32 to index
        %swap3A_589 = arith.constant 0 : index
        %swap3A_590 = tpu.vector_load %arg9[%swap3A, %swap3A_589] {strides = array<i32>} : memref<208x64xf32, #tpu.memory_space<vmem>>, vector<1x16xf32>,
        %swap3A_591 = vector.shape_cast %swap3A_590 : vector<1x16xf32> to vector<16xf32>
        %swap3A_592 = vector.shape_cast %get3A_588 : vector<16xf32> to vector<1x16xf32>
        tpu.vector_store %arg9[%swap3A, %swap3A_589], %swap3A_592 {strides = array<i32>} : memref<208x64xf32, #tpu.memory_space<vmem>>, vector<1x16xf32>,
        %get3A_593 = arith.index_cast %scan3A_585 : i32 to index
        %get3A_594 = arith.constant 16 : index
        %get3A_595 = tpu.vector_load %arg7[%get3A_593, %get3A_594] {strides = array<i32>} : memref<208x128xf32, #tpu.memory_space<vmem>>, vector<1x16xf32>,
        %get3A_596 = vector.shape_cast %get3A_595 : vector<1x16xf32> to vector<16xf32>
        %swap3A_597 = arith.index_cast %scan3A_585 : i32 to index
        %swap3A_598 = arith.constant 16 : index
        %swap3A_599 = tpu.vector_load %arg9[%swap3A_597, %swap3A_598] {strides = array<i32>} : memref<208x64xf32, #tpu.memory_space<vmem>>, vector<1x16xf32>,
        %swap3A_600 = vector.shape_cast %swap3A_599 : vector<1x16xf32> to vector<16xf32>
        %swap3A_601 = vector.shape_cast %get3A_596 : vector<16xf32> to vector<1x16xf32>
        tpu.vector_store %arg9[%swap3A_597, %swap3A_598], %swap3A_601 {strides = array<i32>} : memref<208x64xf32, #tpu.memory_space<vmem>>, vector<1x16xf32>,
        %get3A_602 = arith.index_cast %scan3A_585 : i32 to index
        %get3A_603 = arith.constant 32 : index
        %get3A_604 = tpu.vector_load %arg7[%get3A_602, %get3A_603] {strides = array<i32>} : memref<208x128xf32, #tpu.memory_space<vmem>>, vector<1x16xf32>,
        %get3A_605 = vector.shape_cast %get3A_604 : vector<1x16xf32> to vector<16xf32>
        %swap3A_606 = arith.index_cast %scan3A_585 : i32 to index
        %swap3A_607 = arith.constant 32 : index
        %swap3A_608 = tpu.vector_load %arg9[%swap3A_606, %swap3A_607] {strides = array<i32>} : memref<208x64xf32, #tpu.memory_space<vmem>>, vector<1x16xf32>,
        %swap3A_609 = vector.shape_cast %swap3A_608 : vector<1x16xf32> to vector<16xf32>
        %swap3A_610 = vector.shape_cast %get3A_605 : vector<16xf32> to vector<1x16xf32>
        tpu.vector_store %arg9[%swap3A_606, %swap3A_607], %swap3A_610 {strides = array<i32>} : memref<208x64xf32, #tpu.memory_space<vmem>>, vector<1x16xf32>,
        %get3A_611 = arith.index_cast %scan3A_585 : i32 to index
        %get3A_612 = arith.constant 48 : index
        %get3A_613 = tpu.vector_load %arg7[%get3A_611, %get3A_612] {strides = array<i32>} : memref<208x128xf32, #tpu.memory_space<vmem>>, vector<1x16xf32>,
        %get3A_614 = vector.shape_cast %get3A_613 : vector<1x16xf32> to vector<16xf32>
        %swap3A_615 = arith.index_cast %scan3A_585 : i32 to index
        %swap3A_616 = arith.constant 48 : index
        %swap3A_617 = tpu.vector_load %arg9[%swap3A_615, %swap3A_616] {strides = array<i32>} : memref<208x64xf32, #tpu.memory_space<vmem>>, vector<1x16xf32>,
        %swap3A_618 = vector.shape_cast %swap3A_617 : vector<1x16xf32> to vector<16xf32>
        %swap3A_619 = vector.shape_cast %get3A_614 : vector<16xf32> to vector<1x16xf32>
        tpu.vector_store %arg9[%swap3A_615, %swap3A_616], %swap3A_619 {strides = array<i32>} : memref<208x64xf32, #tpu.memory_space<vmem>>, vector<1x16xf32>,
        %scan3A_620 = arith.constant 1 : i32
        %scan3A_621 = arith.addi %scan3A_585, %scan3A_620 : i32
        %get3A_622 = arith.index_cast %scan3A_621 : i32 to index
        %get3A_623 = arith.constant 0 : index
        %get3A_624 = tpu.vector_load %arg7[%get3A_622, %get3A_623] {strides = array<i32>} : memref<208x128xf32, #tpu.memory_space<vmem>>, vector<1x16xf32>,
        %get3A_625 = vector.shape_cast %get3A_624 : vector<1x16xf32> to vector<16xf32>
        %swap3A_626 = arith.index_cast %scan3A_621 : i32 to index
        %swap3A_627 = arith.constant 0 : index
        %swap3A_628 = tpu.vector_load %arg9[%swap3A_626, %swap3A_627] {strides = array<i32>} : memref<208x64xf32, #tpu.memory_space<vmem>>, vector<1x16xf32>,
        %swap3A_629 = vector.shape_cast %swap3A_628 : vector<1x16xf32> to vector<16xf32>
        %swap3A_630 = vector.shape_cast %get3A_625 : vector<16xf32> to vector<1x16xf32>
        tpu.vector_store %arg9[%swap3A_626, %swap3A_627], %swap3A_630 {strides = array<i32>} : memref<208x64xf32, #tpu.memory_space<vmem>>, vector<1x16xf32>,
        %get3A_631 = arith.index_cast %scan3A_621 : i32 to index
        %get3A_632 = arith.constant 16 : index
        %get3A_633 = tpu.vector_load %arg7[%get3A_631, %get3A_632] {strides = array<i32>} : memref<208x128xf32, #tpu.memory_space<vmem>>, vector<1x16xf32>,
        %get3A_634 = vector.shape_cast %get3A_633 : vector<1x16xf32> to vector<16xf32>
        %swap3A_635 = arith.index_cast %scan3A_621 : i32 to index
        %swap3A_636 = arith.constant 16 : index
        %swap3A_637 = tpu.vector_load %arg9[%swap3A_635, %swap3A_636] {strides = array<i32>} : memref<208x64xf32, #tpu.memory_space<vmem>>, vector<1x16xf32>,
        %swap3A_638 = vector.shape_cast %swap3A_637 : vector<1x16xf32> to vector<16xf32>
        %swap3A_639 = vector.shape_cast %get3A_634 : vector<16xf32> to vector<1x16xf32>
        tpu.vector_store %arg9[%swap3A_635, %swap3A_636], %swap3A_639 {strides = array<i32>} : memref<208x64xf32, #tpu.memory_space<vmem>>, vector<1x16xf32>,
        %get3A_640 = arith.index_cast %scan3A_621 : i32 to index
        %get3A_641 = arith.constant 32 : index
        %get3A_642 = tpu.vector_load %arg7[%get3A_640, %get3A_641] {strides = array<i32>} : memref<208x128xf32, #tpu.memory_space<vmem>>, vector<1x16xf32>,
        %get3A_643 = vector.shape_cast %get3A_642 : vector<1x16xf32> to vector<16xf32>
        %swap3A_644 = arith.index_cast %scan3A_621 : i32 to index
        %swap3A_645 = arith.constant 32 : index
        %swap3A_646 = tpu.vector_load %arg9[%swap3A_644, %swap3A_645] {strides = array<i32>} : memref<208x64xf32, #tpu.memory_space<vmem>>, vector<1x16xf32>,
        %swap3A_647 = vector.shape_cast %swap3A_646 : vector<1x16xf32> to vector<16xf32>
        %swap3A_648 = vector.shape_cast %get3A_643 : vector<16xf32> to vector<1x16xf32>
        tpu.vector_store %arg9[%swap3A_644, %swap3A_645], %swap3A_648 {strides = array<i32>} : memref<208x64xf32, #tpu.memory_space<vmem>>, vector<1x16xf32>,
        %get3A_649 = arith.index_cast %scan3A_621 : i32 to index
        %get3A_650 = arith.constant 48 : index
        %get3A_651 = tpu.vector_load %arg7[%get3A_649, %get3A_650] {strides = array<i32>} : memref<208x128xf32, #tpu.memory_space<vmem>>, vector<1x16xf32>,
        %get3A_652 = vector.shape_cast %get3A_651 : vector<1x16xf32> to vector<16xf32>
        %swap3A_653 = arith.index_cast %scan3A_621 : i32 to index
        %swap3A_654 = arith.constant 48 : index
        %swap3A_655 = tpu.vector_load %arg9[%swap3A_653, %swap3A_654] {strides = array<i32>} : memref<208x64xf32, #tpu.memory_space<vmem>>, vector<1x16xf32>,
        %swap3A_656 = vector.shape_cast %swap3A_655 : vector<1x16xf32> to vector<16xf32>
        %swap3A_657 = vector.shape_cast %get3A_652 : vector<16xf32> to vector<1x16xf32>
        tpu.vector_store %arg9[%swap3A_653, %swap3A_654], %swap3A_657 {strides = array<i32>} : memref<208x64xf32, #tpu.memory_space<vmem>>, vector<1x16xf32>,
        %scan3A_658 = arith.constant 2 : i32
        %scan3A_659 = arith.addi %scan3A_585, %scan3A_658 : i32
        %get3A_660 = arith.index_cast %scan3A_659 : i32 to index
        %get3A_661 = arith.constant 0 : index
        %get3A_662 = tpu.vector_load %arg7[%get3A_660, %get3A_661] {strides = array<i32>} : memref<208x128xf32, #tpu.memory_space<vmem>>, vector<1x16xf32>,
        %get3A_663 = vector.shape_cast %get3A_662 : vector<1x16xf32> to vector<16xf32>
        %swap3A_664 = arith.index_cast %scan3A_659 : i32 to index
        %swap3A_665 = arith.constant 0 : index
        %swap3A_666 = tpu.vector_load %arg9[%swap3A_664, %swap3A_665] {strides = array<i32>} : memref<208x64xf32, #tpu.memory_space<vmem>>, vector<1x16xf32>,
        %swap3A_667 = vector.shape_cast %swap3A_666 : vector<1x16xf32> to vector<16xf32>
        %swap3A_668 = vector.shape_cast %get3A_663 : vector<16xf32> to vector<1x16xf32>
        tpu.vector_store %arg9[%swap3A_664, %swap3A_665], %swap3A_668 {strides = array<i32>} : memref<208x64xf32, #tpu.memory_space<vmem>>, vector<1x16xf32>,
        %get3A_669 = arith.index_cast %scan3A_659 : i32 to index
        %get3A_670 = arith.constant 16 : index
        %get3A_671 = tpu.vector_load %arg7[%get3A_669, %get3A_670] {strides = array<i32>} : memref<208x128xf32, #tpu.memory_space<vmem>>, vector<1x16xf32>,
        %get3A_672 = vector.shape_cast %get3A_671 : vector<1x16xf32> to vector<16xf32>
        %swap3A_673 = arith.index_cast %scan3A_659 : i32 to index
        %swap3A_674 = arith.constant 16 : index
        %swap3A_675 = tpu.vector_load %arg9[%swap3A_673, %swap3A_674] {strides = array<i32>} : memref<208x64xf32, #tpu.memory_space<vmem>>, vector<1x16xf32>,
        %swap3A_676 = vector.shape_cast %swap3A_675 : vector<1x16xf32> to vector<16xf32>
        %swap3A_677 = vector.shape_cast %get3A_672 : vector<16xf32> to vector<1x16xf32>
        tpu.vector_store %arg9[%swap3A_673, %swap3A_674], %swap3A_677 {strides = array<i32>} : memref<208x64xf32, #tpu.memory_space<vmem>>, vector<1x16xf32>,
        %get3A_678 = arith.index_cast %scan3A_659 : i32 to index
        %get3A_679 = arith.constant 32 : index
        %get3A_680 = tpu.vector_load %arg7[%get3A_678, %get3A_679] {strides = array<i32>} : memref<208x128xf32, #tpu.memory_space<vmem>>, vector<1x16xf32>,
        %get3A_681 = vector.shape_cast %get3A_680 : vector<1x16xf32> to vector<16xf32>
        %swap3A_682 = arith.index_cast %scan3A_659 : i32 to index
        %swap3A_683 = arith.constant 32 : index
        %swap3A_684 = tpu.vector_load %arg9[%swap3A_682, %swap3A_683] {strides = array<i32>} : memref<208x64xf32, #tpu.memory_space<vmem>>, vector<1x16xf32>,
        %swap3A_685 = vector.shape_cast %swap3A_684 : vector<1x16xf32> to vector<16xf32>
        %swap3A_686 = vector.shape_cast %get3A_681 : vector<16xf32> to vector<1x16xf32>
        tpu.vector_store %arg9[%swap3A_682, %swap3A_683], %swap3A_686 {strides = array<i32>} : memref<208x64xf32, #tpu.memory_space<vmem>>, vector<1x16xf32>,
        %get3A_687 = arith.index_cast %scan3A_659 : i32 to index
        %get3A_688 = arith.constant 48 : index
        %get3A_689 = tpu.vector_load %arg7[%get3A_687, %get3A_688] {strides = array<i32>} : memref<208x128xf32, #tpu.memory_space<vmem>>, vector<1x16xf32>,
        %get3A_690 = vector.shape_cast %get3A_689 : vector<1x16xf32> to vector<16xf32>
        %swap3A_691 = arith.index_cast %scan3A_659 : i32 to index
        %swap3A_692 = arith.constant 48 : index
        %swap3A_693 = tpu.vector_load %arg9[%swap3A_691, %swap3A_692] {strides = array<i32>} : memref<208x64xf32, #tpu.memory_space<vmem>>, vector<1x16xf32>,
        %swap3A_694 = vector.shape_cast %swap3A_693 : vector<1x16xf32> to vector<16xf32>
        %swap3A_695 = vector.shape_cast %get3A_690 : vector<16xf32> to vector<1x16xf32>
        tpu.vector_store %arg9[%swap3A_691, %swap3A_692], %swap3A_695 {strides = array<i32>} : memref<208x64xf32, #tpu.memory_space<vmem>>, vector<1x16xf32>,
        %scan3A_696 = arith.constant 3 : i32
        %scan3A_697 = arith.addi %scan3A_585, %scan3A_696 : i32
        %get3A_698 = arith.index_cast %scan3A_697 : i32 to index
        %get3A_699 = arith.constant 0 : index
        %get3A_700 = tpu.vector_load %arg7[%get3A_698, %get3A_699] {strides = array<i32>} : memref<208x128xf32, #tpu.memory_space<vmem>>, vector<1x16xf32>,
        %get3A_701 = vector.shape_cast %get3A_700 : vector<1x16xf32> to vector<16xf32>
        %swap3A_702 = arith.index_cast %scan3A_697 : i32 to index
        %swap3A_703 = arith.constant 0 : index
        %swap3A_704 = tpu.vector_load %arg9[%swap3A_702, %swap3A_703] {strides = array<i32>} : memref<208x64xf32, #tpu.memory_space<vmem>>, vector<1x16xf32>,
        %swap3A_705 = vector.shape_cast %swap3A_704 : vector<1x16xf32> to vector<16xf32>
        %swap3A_706 = vector.shape_cast %get3A_701 : vector<16xf32> to vector<1x16xf32>
        tpu.vector_store %arg9[%swap3A_702, %swap3A_703], %swap3A_706 {strides = array<i32>} : memref<208x64xf32, #tpu.memory_space<vmem>>, vector<1x16xf32>,
        %get3A_707 = arith.index_cast %scan3A_697 : i32 to index
        %get3A_708 = arith.constant 16 : index
        %get3A_709 = tpu.vector_load %arg7[%get3A_707, %get3A_708] {strides = array<i32>} : memref<208x128xf32, #tpu.memory_space<vmem>>, vector<1x16xf32>,
        %get3A_710 = vector.shape_cast %get3A_709 : vector<1x16xf32> to vector<16xf32>
        %swap3A_711 = arith.index_cast %scan3A_697 : i32 to index
        %swap3A_712 = arith.constant 16 : index
        %swap3A_713 = tpu.vector_load %arg9[%swap3A_711, %swap3A_712] {strides = array<i32>} : memref<208x64xf32, #tpu.memory_space<vmem>>, vector<1x16xf32>,
        %swap3A_714 = vector.shape_cast %swap3A_713 : vector<1x16xf32> to vector<16xf32>
        %swap3A_715 = vector.shape_cast %get3A_710 : vector<16xf32> to vector<1x16xf32>
        tpu.vector_store %arg9[%swap3A_711, %swap3A_712], %swap3A_715 {strides = array<i32>} : memref<208x64xf32, #tpu.memory_space<vmem>>, vector<1x16xf32>,
        %get3A_716 = arith.index_cast %scan3A_697 : i32 to index
        %get3A_717 = arith.constant 32 : index
        %get3A_718 = tpu.vector_load %arg7[%get3A_716, %get3A_717] {strides = array<i32>} : memref<208x128xf32, #tpu.memory_space<vmem>>, vector<1x16xf32>,
        %get3A_719 = vector.shape_cast %get3A_718 : vector<1x16xf32> to vector<16xf32>
        %swap3A_720 = arith.index_cast %scan3A_697 : i32 to index
        %swap3A_721 = arith.constant 32 : index
        %swap3A_722 = tpu.vector_load %arg9[%swap3A_720, %swap3A_721] {strides = array<i32>} : memref<208x64xf32, #tpu.memory_space<vmem>>, vector<1x16xf32>,
        %swap3A_723 = vector.shape_cast %swap3A_722 : vector<1x16xf32> to vector<16xf32>
        %swap3A_724 = vector.shape_cast %get3A_719 : vector<16xf32> to vector<1x16xf32>
        tpu.vector_store %arg9[%swap3A_720, %swap3A_721], %swap3A_724 {strides = array<i32>} : memref<208x64xf32, #tpu.memory_space<vmem>>, vector<1x16xf32>,
        %get3A_725 = arith.index_cast %scan3A_697 : i32 to index
        %get3A_726 = arith.constant 48 : index
        %get3A_727 = tpu.vector_load %arg7[%get3A_725, %get3A_726] {strides = array<i32>} : memref<208x128xf32, #tpu.memory_space<vmem>>, vector<1x16xf32>,
        %get3A_728 = vector.shape_cast %get3A_727 : vector<1x16xf32> to vector<16xf32>
        %swap3A_729 = arith.index_cast %scan3A_697 : i32 to index
        %swap3A_730 = arith.constant 48 : index
        %swap3A_731 = tpu.vector_load %arg9[%swap3A_729, %swap3A_730] {strides = array<i32>} : memref<208x64xf32, #tpu.memory_space<vmem>>, vector<1x16xf32>,
        %swap3A_732 = vector.shape_cast %swap3A_731 : vector<1x16xf32> to vector<16xf32>
        %swap3A_733 = vector.shape_cast %get3A_728 : vector<16xf32> to vector<1x16xf32>
        tpu.vector_store %arg9[%swap3A_729, %swap3A_730], %swap3A_733 {strides = array<i32>} : memref<208x64xf32, #tpu.memory_space<vmem>>, vector<1x16xf32>,
        %scan3A_734 = arith.constant 4 : i32
        %scan3A_735 = arith.addi %scan3A_585, %scan3A_734 : i32
        %get3A_736 = arith.index_cast %scan3A_735 : i32 to index
        %get3A_737 = arith.constant 0 : index
        %get3A_738 = tpu.vector_load %arg7[%get3A_736, %get3A_737] {strides = array<i32>} : memref<208x128xf32, #tpu.memory_space<vmem>>, vector<1x16xf32>,
        %get3A_739 = vector.shape_cast %get3A_738 : vector<1x16xf32> to vector<16xf32>
        %swap3A_740 = arith.index_cast %scan3A_735 : i32 to index
        %swap3A_741 = arith.constant 0 : index
        %swap3A_742 = tpu.vector_load %arg9[%swap3A_740, %swap3A_741] {strides = array<i32>} : memref<208x64xf32, #tpu.memory_space<vmem>>, vector<1x16xf32>,
        %swap3A_743 = vector.shape_cast %swap3A_742 : vector<1x16xf32> to vector<16xf32>
        %swap3A_744 = vector.shape_cast %get3A_739 : vector<16xf32> to vector<1x16xf32>
        tpu.vector_store %arg9[%swap3A_740, %swap3A_741], %swap3A_744 {strides = array<i32>} : memref<208x64xf32, #tpu.memory_space<vmem>>, vector<1x16xf32>,
        %get3A_745 = arith.index_cast %scan3A_735 : i32 to index
        %get3A_746 = arith.constant 16 : index
        %get3A_747 = tpu.vector_load %arg7[%get3A_745, %get3A_746] {strides = array<i32>} : memref<208x128xf32, #tpu.memory_space<vmem>>, vector<1x16xf32>,
        %get3A_748 = vector.shape_cast %get3A_747 : vector<1x16xf32> to vector<16xf32>
        %swap3A_749 = arith.index_cast %scan3A_735 : i32 to index
        %swap3A_750 = arith.constant 16 : index
        %swap3A_751 = tpu.vector_load %arg9[%swap3A_749, %swap3A_750] {strides = array<i32>} : memref<208x64xf32, #tpu.memory_space<vmem>>, vector<1x16xf32>,
        %swap3A_752 = vector.shape_cast %swap3A_751 : vector<1x16xf32> to vector<16xf32>
        %swap3A_753 = vector.shape_cast %get3A_748 : vector<16xf32> to vector<1x16xf32>
        tpu.vector_store %arg9[%swap3A_749, %swap3A_750], %swap3A_753 {strides = array<i32>} : memref<208x64xf32, #tpu.memory_space<vmem>>, vector<1x16xf32>,
        %get3A_754 = arith.index_cast %scan3A_735 : i32 to index
        %get3A_755 = arith.constant 32 : index
        %get3A_756 = tpu.vector_load %arg7[%get3A_754, %get3A_755] {strides = array<i32>} : memref<208x128xf32, #tpu.memory_space<vmem>>, vector<1x16xf32>,
        %get3A_757 = vector.shape_cast %get3A_756 : vector<1x16xf32> to vector<16xf32>
        %swap3A_758 = arith.index_cast %scan3A_735 : i32 to index
        %swap3A_759 = arith.constant 32 : index
        %swap3A_760 = tpu.vector_load %arg9[%swap3A_758, %swap3A_759] {strides = array<i32>} : memref<208x64xf32, #tpu.memory_space<vmem>>, vector<1x16xf32>,
        %swap3A_761 = vector.shape_cast %swap3A_760 : vector<1x16xf32> to vector<16xf32>
        %swap3A_762 = vector.shape_cast %get3A_757 : vector<16xf32> to vector<1x16xf32>
        tpu.vector_store %arg9[%swap3A_758, %swap3A_759], %swap3A_762 {strides = array<i32>} : memref<208x64xf32, #tpu.memory_space<vmem>>, vector<1x16xf32>,
        %get3A_763 = arith.index_cast %scan3A_735 : i32 to index
        %get3A_764 = arith.constant 48 : index
        %get3A_765 = tpu.vector_load %arg7[%get3A_763, %get3A_764] {strides = array<i32>} : memref<208x128xf32, #tpu.memory_space<vmem>>, vector<1x16xf32>,
        %get3A_766 = vector.shape_cast %get3A_765 : vector<1x16xf32> to vector<16xf32>
        %swap3A_767 = arith.index_cast %scan3A_735 : i32 to index
        %swap3A_768 = arith.constant 48 : index
        %swap3A_769 = tpu.vector_load %arg9[%swap3A_767, %swap3A_768] {strides = array<i32>} : memref<208x64xf32, #tpu.memory_space<vmem>>, vector<1x16xf32>,
        %swap3A_770 = vector.shape_cast %swap3A_769 : vector<1x16xf32> to vector<16xf32>
        %swap3A_771 = vector.shape_cast %get3A_766 : vector<16xf32> to vector<1x16xf32>
        tpu.vector_store %arg9[%swap3A_767, %swap3A_768], %swap3A_771 {strides = array<i32>} : memref<208x64xf32, #tpu.memory_space<vmem>>, vector<1x16xf32>,
        %scan3A_772 = arith.constant 5 : i32
        %scan3A_773 = arith.addi %scan3A_585, %scan3A_772 : i32
        %get3A_774 = arith.index_cast %scan3A_773 : i32 to index
        %get3A_775 = arith.constant 0 : index
        %get3A_776 = tpu.vector_load %arg7[%get3A_774, %get3A_775] {strides = array<i32>} : memref<208x128xf32, #tpu.memory_space<vmem>>, vector<1x16xf32>,
        %get3A_777 = vector.shape_cast %get3A_776 : vector<1x16xf32> to vector<16xf32>
        %swap3A_778 = arith.index_cast %scan3A_773 : i32 to index
        %swap3A_779 = arith.constant 0 : index
        %swap3A_780 = tpu.vector_load %arg9[%swap3A_778, %swap3A_779] {strides = array<i32>} : memref<208x64xf32, #tpu.memory_space<vmem>>, vector<1x16xf32>,
        %swap3A_781 = vector.shape_cast %swap3A_780 : vector<1x16xf32> to vector<16xf32>
        %swap3A_782 = vector.shape_cast %get3A_777 : vector<16xf32> to vector<1x16xf32>
        tpu.vector_store %arg9[%swap3A_778, %swap3A_779], %swap3A_782 {strides = array<i32>} : memref<208x64xf32, #tpu.memory_space<vmem>>, vector<1x16xf32>,
        %get3A_783 = arith.index_cast %scan3A_773 : i32 to index
        %get3A_784 = arith.constant 16 : index
        %get3A_785 = tpu.vector_load %arg7[%get3A_783, %get3A_784] {strides = array<i32>} : memref<208x128xf32, #tpu.memory_space<vmem>>, vector<1x16xf32>,
        %get3A_786 = vector.shape_cast %get3A_785 : vector<1x16xf32> to vector<16xf32>
        %swap3A_787 = arith.index_cast %scan3A_773 : i32 to index
        %swap3A_788 = arith.constant 16 : index
        %swap3A_789 = tpu.vector_load %arg9[%swap3A_787, %swap3A_788] {strides = array<i32>} : memref<208x64xf32, #tpu.memory_space<vmem>>, vector<1x16xf32>,
        %swap3A_790 = vector.shape_cast %swap3A_789 : vector<1x16xf32> to vector<16xf32>
        %swap3A_791 = vector.shape_cast %get3A_786 : vector<16xf32> to vector<1x16xf32>
        tpu.vector_store %arg9[%swap3A_787, %swap3A_788], %swap3A_791 {strides = array<i32>} : memref<208x64xf32, #tpu.memory_space<vmem>>, vector<1x16xf32>,
        %get3A_792 = arith.index_cast %scan3A_773 : i32 to index
        %get3A_793 = arith.constant 32 : index
        %get3A_794 = tpu.vector_load %arg7[%get3A_792, %get3A_793] {strides = array<i32>} : memref<208x128xf32, #tpu.memory_space<vmem>>, vector<1x16xf32>,
        %get3A_795 = vector.shape_cast %get3A_794 : vector<1x16xf32> to vector<16xf32>
        %swap3A_796 = arith.index_cast %scan3A_773 : i32 to index
        %swap3A_797 = arith.constant 32 : index
        %swap3A_798 = tpu.vector_load %arg9[%swap3A_796, %swap3A_797] {strides = array<i32>} : memref<208x64xf32, #tpu.memory_space<vmem>>, vector<1x16xf32>,
        %swap3A_799 = vector.shape_cast %swap3A_798 : vector<1x16xf32> to vector<16xf32>
        %swap3A_800 = vector.shape_cast %get3A_795 : vector<16xf32> to vector<1x16xf32>
        tpu.vector_store %arg9[%swap3A_796, %swap3A_797], %swap3A_800 {strides = array<i32>} : memref<208x64xf32, #tpu.memory_space<vmem>>, vector<1x16xf32>,
        %get3A_801 = arith.index_cast %scan3A_773 : i32 to index
        %get3A_802 = arith.constant 48 : index
        %get3A_803 = tpu.vector_load %arg7[%get3A_801, %get3A_802] {strides = array<i32>} : memref<208x128xf32, #tpu.memory_space<vmem>>, vector<1x16xf32>,
        %get3A_804 = vector.shape_cast %get3A_803 : vector<1x16xf32> to vector<16xf32>
        %swap3A_805 = arith.index_cast %scan3A_773 : i32 to index
        %swap3A_806 = arith.constant 48 : index
        %swap3A_807 = tpu.vector_load %arg9[%swap3A_805, %swap3A_806] {strides = array<i32>} : memref<208x64xf32, #tpu.memory_space<vmem>>, vector<1x16xf32>,
        %swap3A_808 = vector.shape_cast %swap3A_807 : vector<1x16xf32> to vector<16xf32>
        %swap3A_809 = vector.shape_cast %get3A_804 : vector<16xf32> to vector<1x16xf32>
        tpu.vector_store %arg9[%swap3A_805, %swap3A_806], %swap3A_809 {strides = array<i32>} : memref<208x64xf32, #tpu.memory_space<vmem>>, vector<1x16xf32>,
        %scan3A_810 = arith.constant 6 : i32
        %scan3A_811 = arith.addi %scan3A_585, %scan3A_810 : i32
        %get3A_812 = arith.index_cast %scan3A_811 : i32 to index
        %get3A_813 = arith.constant 0 : index
        %get3A_814 = tpu.vector_load %arg7[%get3A_812, %get3A_813] {strides = array<i32>} : memref<208x128xf32, #tpu.memory_space<vmem>>, vector<1x16xf32>,
        %get3A_815 = vector.shape_cast %get3A_814 : vector<1x16xf32> to vector<16xf32>
        %swap3A_816 = arith.index_cast %scan3A_811 : i32 to index
        %swap3A_817 = arith.constant 0 : index
        %swap3A_818 = tpu.vector_load %arg9[%swap3A_816, %swap3A_817] {strides = array<i32>} : memref<208x64xf32, #tpu.memory_space<vmem>>, vector<1x16xf32>,
        %swap3A_819 = vector.shape_cast %swap3A_818 : vector<1x16xf32> to vector<16xf32>
        %swap3A_820 = vector.shape_cast %get3A_815 : vector<16xf32> to vector<1x16xf32>
        tpu.vector_store %arg9[%swap3A_816, %swap3A_817], %swap3A_820 {strides = array<i32>} : memref<208x64xf32, #tpu.memory_space<vmem>>, vector<1x16xf32>,
        %get3A_821 = arith.index_cast %scan3A_811 : i32 to index
        %get3A_822 = arith.constant 16 : index
        %get3A_823 = tpu.vector_load %arg7[%get3A_821, %get3A_822] {strides = array<i32>} : memref<208x128xf32, #tpu.memory_space<vmem>>, vector<1x16xf32>,
        %get3A_824 = vector.shape_cast %get3A_823 : vector<1x16xf32> to vector<16xf32>
        %swap3A_825 = arith.index_cast %scan3A_811 : i32 to index
        %swap3A_826 = arith.constant 16 : index
        %swap3A_827 = tpu.vector_load %arg9[%swap3A_825, %swap3A_826] {strides = array<i32>} : memref<208x64xf32, #tpu.memory_space<vmem>>, vector<1x16xf32>,
        %swap3A_828 = vector.shape_cast %swap3A_827 : vector<1x16xf32> to vector<16xf32>
        %swap3A_829 = vector.shape_cast %get3A_824 : vector<16xf32> to vector<1x16xf32>
        tpu.vector_store %arg9[%swap3A_825, %swap3A_826], %swap3A_829 {strides = array<i32>} : memref<208x64xf32, #tpu.memory_space<vmem>>, vector<1x16xf32>,
        %get3A_830 = arith.index_cast %scan3A_811 : i32 to index
        %get3A_831 = arith.constant 32 : index
        %get3A_832 = tpu.vector_load %arg7[%get3A_830, %get3A_831] {strides = array<i32>} : memref<208x128xf32, #tpu.memory_space<vmem>>, vector<1x16xf32>,
        %get3A_833 = vector.shape_cast %get3A_832 : vector<1x16xf32> to vector<16xf32>
        %swap3A_834 = arith.index_cast %scan3A_811 : i32 to index
        %swap3A_835 = arith.constant 32 : index
        %swap3A_836 = tpu.vector_load %arg9[%swap3A_834, %swap3A_835] {strides = array<i32>} : memref<208x64xf32, #tpu.memory_space<vmem>>, vector<1x16xf32>,
        %swap3A_837 = vector.shape_cast %swap3A_836 : vector<1x16xf32> to vector<16xf32>
        %swap3A_838 = vector.shape_cast %get3A_833 : vector<16xf32> to vector<1x16xf32>
        tpu.vector_store %arg9[%swap3A_834, %swap3A_835], %swap3A_838 {strides = array<i32>} : memref<208x64xf32, #tpu.memory_space<vmem>>, vector<1x16xf32>,
        %get3A_839 = arith.index_cast %scan3A_811 : i32 to index
        %get3A_840 = arith.constant 48 : index
        %get3A_841 = tpu.vector_load %arg7[%get3A_839, %get3A_840] {strides = array<i32>} : memref<208x128xf32, #tpu.memory_space<vmem>>, vector<1x16xf32>,
        %get3A_842 = vector.shape_cast %get3A_841 : vector<1x16xf32> to vector<16xf32>
        %swap3A_843 = arith.index_cast %scan3A_811 : i32 to index
        %swap3A_844 = arith.constant 48 : index
        %swap3A_845 = tpu.vector_load %arg9[%swap3A_843, %swap3A_844] {strides = array<i32>} : memref<208x64xf32, #tpu.memory_space<vmem>>, vector<1x16xf32>,
        %swap3A_846 = vector.shape_cast %swap3A_845 : vector<1x16xf32> to vector<16xf32>
        %swap3A_847 = vector.shape_cast %get3A_842 : vector<16xf32> to vector<1x16xf32>
        tpu.vector_store %arg9[%swap3A_843, %swap3A_844], %swap3A_847 {strides = array<i32>} : memref<208x64xf32, #tpu.memory_space<vmem>>, vector<1x16xf32>,
        %scan3A_848 = arith.constant 7 : i32
        %scan3A_849 = arith.addi %scan3A_585, %scan3A_848 : i32
        %get3A_850 = arith.index_cast %scan3A_849 : i32 to index
        %get3A_851 = arith.constant 0 : index
        %get3A_852 = tpu.vector_load %arg7[%get3A_850, %get3A_851] {strides = array<i32>} : memref<208x128xf32, #tpu.memory_space<vmem>>, vector<1x16xf32>,
        %get3A_853 = vector.shape_cast %get3A_852 : vector<1x16xf32> to vector<16xf32>
        %swap3A_854 = arith.index_cast %scan3A_849 : i32 to index
        %swap3A_855 = arith.constant 0 : index
        %swap3A_856 = tpu.vector_load %arg9[%swap3A_854, %swap3A_855] {strides = array<i32>} : memref<208x64xf32, #tpu.memory_space<vmem>>, vector<1x16xf32>,
        %swap3A_857 = vector.shape_cast %swap3A_856 : vector<1x16xf32> to vector<16xf32>
        %swap3A_858 = vector.shape_cast %get3A_853 : vector<16xf32> to vector<1x16xf32>
        tpu.vector_store %arg9[%swap3A_854, %swap3A_855], %swap3A_858 {strides = array<i32>} : memref<208x64xf32, #tpu.memory_space<vmem>>, vector<1x16xf32>,
        %get3A_859 = arith.index_cast %scan3A_849 : i32 to index
        %get3A_860 = arith.constant 16 : index
        %get3A_861 = tpu.vector_load %arg7[%get3A_859, %get3A_860] {strides = array<i32>} : memref<208x128xf32, #tpu.memory_space<vmem>>, vector<1x16xf32>,
        %get3A_862 = vector.shape_cast %get3A_861 : vector<1x16xf32> to vector<16xf32>
        %swap3A_863 = arith.index_cast %scan3A_849 : i32 to index
        %swap3A_864 = arith.constant 16 : index
        %swap3A_865 = tpu.vector_load %arg9[%swap3A_863, %swap3A_864] {strides = array<i32>} : memref<208x64xf32, #tpu.memory_space<vmem>>, vector<1x16xf32>,
        %swap3A_866 = vector.shape_cast %swap3A_865 : vector<1x16xf32> to vector<16xf32>
        %swap3A_867 = vector.shape_cast %get3A_862 : vector<16xf32> to vector<1x16xf32>
        tpu.vector_store %arg9[%swap3A_863, %swap3A_864], %swap3A_867 {strides = array<i32>} : memref<208x64xf32, #tpu.memory_space<vmem>>, vector<1x16xf32>,
        %get3A_868 = arith.index_cast %scan3A_849 : i32 to index
        %get3A_869 = arith.constant 32 : index
        %get3A_870 = tpu.vector_load %arg7[%get3A_868, %get3A_869] {strides = array<i32>} : memref<208x128xf32, #tpu.memory_space<vmem>>, vector<1x16xf32>,
        %get3A_871 = vector.shape_cast %get3A_870 : vector<1x16xf32> to vector<16xf32>
        %swap3A_872 = arith.index_cast %scan3A_849 : i32 to index
        %swap3A_873 = arith.constant 32 : index
        %swap3A_874 = tpu.vector_load %arg9[%swap3A_872, %swap3A_873] {strides = array<i32>} : memref<208x64xf32, #tpu.memory_space<vmem>>, vector<1x16xf32>,
        %swap3A_875 = vector.shape_cast %swap3A_874 : vector<1x16xf32> to vector<16xf32>
        %swap3A_876 = vector.shape_cast %get3A_871 : vector<16xf32> to vector<1x16xf32>
        tpu.vector_store %arg9[%swap3A_872, %swap3A_873], %swap3A_876 {strides = array<i32>} : memref<208x64xf32, #tpu.memory_space<vmem>>, vector<1x16xf32>,
        %get3A_877 = arith.index_cast %scan3A_849 : i32 to index
        %get3A_878 = arith.constant 48 : index
        %get3A_879 = tpu.vector_load %arg7[%get3A_877, %get3A_878] {strides = array<i32>} : memref<208x128xf32, #tpu.memory_space<vmem>>, vector<1x16xf32>,
        %get3A_880 = vector.shape_cast %get3A_879 : vector<1x16xf32> to vector<16xf32>
        %swap3A_881 = arith.index_cast %scan3A_849 : i32 to index
        %swap3A_882 = arith.constant 48 : index
        %swap3A_883 = tpu.vector_load %arg9[%swap3A_881, %swap3A_882] {strides = array<i32>} : memref<208x64xf32, #tpu.memory_space<vmem>>, vector<1x16xf32>,
        %swap3A_884 = vector.shape_cast %swap3A_883 : vector<1x16xf32> to vector<16xf32>
        %swap3A_885 = vector.shape_cast %get3A_880 : vector<16xf32> to vector<1x16xf32>
        tpu.vector_store %arg9[%swap3A_881, %swap3A_882], %swap3A_885 {strides = array<i32>} : memref<208x64xf32, #tpu.memory_space<vmem>>, vector<1x16xf32>,
      }
      %scan3A_295 = arith.constant 208 : i32
      %mul3A_296 = arith.constant 8 : i32
      %mul3A_297 = arith.muli %add3A_284, %mul3A_296 : i32
      %add3A_298 = arith.addi %mul3A_2, %mul3A_297 : i32
      %add3A_299 = arith.constant 0 : i32
      %add3A_300 = arith.addi %add3A_298, %add3A_299 : i32
      %dma_start3A_301 = arith.constant 0 : i32
      %dma_start3A_302 = arith.constant 0 : i32
      %dma_start3A_303 = tpu.memref_slice %arg9[%dma_start3A_301, %dma_start3A_302] : memref<208x64xf32, #tpu.memory_space<vmem>> -> memref<26x64xf32, #tpu.memory_space<vmem>>
      %dma_start3A_304 = arith.constant 0 : i32
      %dma_start3A_305 = arith.constant 0 : i32
      %dma_start3A_306 = tpu.memref_slice %arg4[%add3A_300, %dma_start3A_304, %dma_start3A_305] : memref<16384x26x64xf32, #tpu.memory_space<hbm>> -> memref<1x26x64xf32, #tpu.memory_space<hbm>>
      %dma_start3A_307 = tpu.memref_squeeze %dma_start3A_306 : memref<1x26x64xf32, #tpu.memory_space<hbm>> -> memref<26x64xf32, #tpu.memory_space<hbm>>
      %dma_start3A_308 = arith.constant 0 : i32
      %dma_start3A_309 = arith.constant 0 : i32
      %dma_start3A_310 = tpu.memref_slice %arg4[%add3A_300, %dma_start3A_308, %dma_start3A_309] : memref<16384x26x64xf32, #tpu.memory_space<hbm>> -> memref<1x26x64xf32, #tpu.memory_space<hbm>>
      %dma_start3A_311 = tpu.memref_squeeze %dma_start3A_310 : memref<1x26x64xf32, #tpu.memory_space<hbm>> -> memref<26x64xf32, #tpu.memory_space<hbm>>
      %dma_start3A_312 = arith.constant 0 : i32
      %dma_start3A_313 = arith.constant 0 : i32
      %dma_start3A_314 = tpu.memref_slice %arg9[%dma_start3A_312, %dma_start3A_313] : memref<208x64xf32, #tpu.memory_space<vmem>> -> memref<26x64xf32, #tpu.memory_space<vmem>>
      tpu.enqueue_dma source(%dma_start3A_314 : memref<26x64xf32, #tpu.memory_space<vmem>>) target(%dma_start3A_311 : memref<26x64xf32, #tpu.memory_space<hbm>>) target_semaphore(%arg13 : memref<!tpu.dma_semaphore, #tpu.memory_space<semaphore_mem>>)
      %add3A_315 = arith.constant 1 : i32
      %add3A_316 = arith.addi %add3A_298, %add3A_315 : i32
      %dma_start3A_317 = arith.constant 26 : i32
      %dma_start3A_318 = arith.constant 0 : i32
      %dma_start3A_319 = tpu.memref_slice %arg9[%dma_start3A_317, %dma_start3A_318] : memref<208x64xf32, #tpu.memory_space<vmem>> -> memref<26x64xf32, #tpu.memory_space<vmem>>
      %dma_start3A_320 = arith.constant 0 : i32
      %dma_start3A_321 = arith.constant 0 : i32
      %dma_start3A_322 = tpu.memref_slice %arg4[%add3A_316, %dma_start3A_320, %dma_start3A_321] : memref<16384x26x64xf32, #tpu.memory_space<hbm>> -> memref<1x26x64xf32, #tpu.memory_space<hbm>>
      %dma_start3A_323 = tpu.memref_squeeze %dma_start3A_322 : memref<1x26x64xf32, #tpu.memory_space<hbm>> -> memref<26x64xf32, #tpu.memory_space<hbm>>
      %dma_start3A_324 = arith.constant 0 : i32
      %dma_start3A_325 = arith.constant 0 : i32
      %dma_start3A_326 = tpu.memref_slice %arg4[%add3A_316, %dma_start3A_324, %dma_start3A_325] : memref<16384x26x64xf32, #tpu.memory_space<hbm>> -> memref<1x26x64xf32, #tpu.memory_space<hbm>>
      %dma_start3A_327 = tpu.memref_squeeze %dma_start3A_326 : memref<1x26x64xf32, #tpu.memory_space<hbm>> -> memref<26x64xf32, #tpu.memory_space<hbm>>
      %dma_start3A_328 = arith.constant 26 : i32
      %dma_start3A_329 = arith.constant 0 : i32
      %dma_start3A_330 = tpu.memref_slice %arg9[%dma_start3A_328, %dma_start3A_329] : memref<208x64xf32, #tpu.memory_space<vmem>> -> memref<26x64xf32, #tpu.memory_space<vmem>>
      tpu.enqueue_dma source(%dma_start3A_330 : memref<26x64xf32, #tpu.memory_space<vmem>>) target(%dma_start3A_327 : memref<26x64xf32, #tpu.memory_space<hbm>>) target_semaphore(%arg13 : memref<!tpu.dma_semaphore, #tpu.memory_space<semaphore_mem>>)
      %add3A_331 = arith.constant 2 : i32
      %add3A_332 = arith.addi %add3A_298, %add3A_331 : i32
      %dma_start3A_333 = arith.constant 52 : i32
      %dma_start3A_334 = arith.constant 0 : i32
      %dma_start3A_335 = tpu.memref_slice %arg9[%dma_start3A_333, %dma_start3A_334] : memref<208x64xf32, #tpu.memory_space<vmem>> -> memref<26x64xf32, #tpu.memory_space<vmem>>
      %dma_start3A_336 = arith.constant 0 : i32
      %dma_start3A_337 = arith.constant 0 : i32
      %dma_start3A_338 = tpu.memref_slice %arg4[%add3A_332, %dma_start3A_336, %dma_start3A_337] : memref<16384x26x64xf32, #tpu.memory_space<hbm>> -> memref<1x26x64xf32, #tpu.memory_space<hbm>>
      %dma_start3A_339 = tpu.memref_squeeze %dma_start3A_338 : memref<1x26x64xf32, #tpu.memory_space<hbm>> -> memref<26x64xf32, #tpu.memory_space<hbm>>
      %dma_start3A_340 = arith.constant 0 : i32
      %dma_start3A_341 = arith.constant 0 : i32
      %dma_start3A_342 = tpu.memref_slice %arg4[%add3A_332, %dma_start3A_340, %dma_start3A_341] : memref<16384x26x64xf32, #tpu.memory_space<hbm>> -> memref<1x26x64xf32, #tpu.memory_space<hbm>>
      %dma_start3A_343 = tpu.memref_squeeze %dma_start3A_342 : memref<1x26x64xf32, #tpu.memory_space<hbm>> -> memref<26x64xf32, #tpu.memory_space<hbm>>
      %dma_start3A_344 = arith.constant 52 : i32
      %dma_start3A_345 = arith.constant 0 : i32
      %dma_start3A_346 = tpu.memref_slice %arg9[%dma_start3A_344, %dma_start3A_345] : memref<208x64xf32, #tpu.memory_space<vmem>> -> memref<26x64xf32, #tpu.memory_space<vmem>>
      tpu.enqueue_dma source(%dma_start3A_346 : memref<26x64xf32, #tpu.memory_space<vmem>>) target(%dma_start3A_343 : memref<26x64xf32, #tpu.memory_space<hbm>>) target_semaphore(%arg13 : memref<!tpu.dma_semaphore, #tpu.memory_space<semaphore_mem>>)
      %add3A_347 = arith.constant 3 : i32
      %add3A_348 = arith.addi %add3A_298, %add3A_347 : i32
      %dma_start3A_349 = arith.constant 78 : i32
      %dma_start3A_350 = arith.constant 0 : i32
      %dma_start3A_351 = tpu.memref_slice %arg9[%dma_start3A_349, %dma_start3A_350] : memref<208x64xf32, #tpu.memory_space<vmem>> -> memref<26x64xf32, #tpu.memory_space<vmem>>
      %dma_start3A_352 = arith.constant 0 : i32
      %dma_start3A_353 = arith.constant 0 : i32
      %dma_start3A_354 = tpu.memref_slice %arg4[%add3A_348, %dma_start3A_352, %dma_start3A_353] : memref<16384x26x64xf32, #tpu.memory_space<hbm>> -> memref<1x26x64xf32, #tpu.memory_space<hbm>>
      %dma_start3A_355 = tpu.memref_squeeze %dma_start3A_354 : memref<1x26x64xf32, #tpu.memory_space<hbm>> -> memref<26x64xf32, #tpu.memory_space<hbm>>
      %dma_start3A_356 = arith.constant 0 : i32
      %dma_start3A_357 = arith.constant 0 : i32
      %dma_start3A_358 = tpu.memref_slice %arg4[%add3A_348, %dma_start3A_356, %dma_start3A_357] : memref<16384x26x64xf32, #tpu.memory_space<hbm>> -> memref<1x26x64xf32, #tpu.memory_space<hbm>>
      %dma_start3A_359 = tpu.memref_squeeze %dma_start3A_358 : memref<1x26x64xf32, #tpu.memory_space<hbm>> -> memref<26x64xf32, #tpu.memory_space<hbm>>
      %dma_start3A_360 = arith.constant 78 : i32
      %dma_start3A_361 = arith.constant 0 : i32
      %dma_start3A_362 = tpu.memref_slice %arg9[%dma_start3A_360, %dma_start3A_361] : memref<208x64xf32, #tpu.memory_space<vmem>> -> memref<26x64xf32, #tpu.memory_space<vmem>>
      tpu.enqueue_dma source(%dma_start3A_362 : memref<26x64xf32, #tpu.memory_space<vmem>>) target(%dma_start3A_359 : memref<26x64xf32, #tpu.memory_space<hbm>>) target_semaphore(%arg13 : memref<!tpu.dma_semaphore, #tpu.memory_space<semaphore_mem>>)
      %add3A_363 = arith.constant 4 : i32
      %add3A_364 = arith.addi %add3A_298, %add3A_363 : i32
      %dma_start3A_365 = arith.constant 104 : i32
      %dma_start3A_366 = arith.constant 0 : i32
      %dma_start3A_367 = tpu.memref_slice %arg9[%dma_start3A_365, %dma_start3A_366] : memref<208x64xf32, #tpu.memory_space<vmem>> -> memref<26x64xf32, #tpu.memory_space<vmem>>
      %dma_start3A_368 = arith.constant 0 : i32
      %dma_start3A_369 = arith.constant 0 : i32
      %dma_start3A_370 = tpu.memref_slice %arg4[%add3A_364, %dma_start3A_368, %dma_start3A_369] : memref<16384x26x64xf32, #tpu.memory_space<hbm>> -> memref<1x26x64xf32, #tpu.memory_space<hbm>>
      %dma_start3A_371 = tpu.memref_squeeze %dma_start3A_370 : memref<1x26x64xf32, #tpu.memory_space<hbm>> -> memref<26x64xf32, #tpu.memory_space<hbm>>
      %dma_start3A_372 = arith.constant 0 : i32
      %dma_start3A_373 = arith.constant 0 : i32
      %dma_start3A_374 = tpu.memref_slice %arg4[%add3A_364, %dma_start3A_372, %dma_start3A_373] : memref<16384x26x64xf32, #tpu.memory_space<hbm>> -> memref<1x26x64xf32, #tpu.memory_space<hbm>>
      %dma_start3A_375 = tpu.memref_squeeze %dma_start3A_374 : memref<1x26x64xf32, #tpu.memory_space<hbm>> -> memref<26x64xf32, #tpu.memory_space<hbm>>
      %dma_start3A_376 = arith.constant 104 : i32
      %dma_start3A_377 = arith.constant 0 : i32
      %dma_start3A_378 = tpu.memref_slice %arg9[%dma_start3A_376, %dma_start3A_377] : memref<208x64xf32, #tpu.memory_space<vmem>> -> memref<26x64xf32, #tpu.memory_space<vmem>>
      tpu.enqueue_dma source(%dma_start3A_378 : memref<26x64xf32, #tpu.memory_space<vmem>>) target(%dma_start3A_375 : memref<26x64xf32, #tpu.memory_space<hbm>>) target_semaphore(%arg13 : memref<!tpu.dma_semaphore, #tpu.memory_space<semaphore_mem>>)
      %add3A_379 = arith.constant 5 : i32
      %add3A_380 = arith.addi %add3A_298, %add3A_379 : i32
      %dma_start3A_381 = arith.constant 130 : i32
      %dma_start3A_382 = arith.constant 0 : i32
      %dma_start3A_383 = tpu.memref_slice %arg9[%dma_start3A_381, %dma_start3A_382] : memref<208x64xf32, #tpu.memory_space<vmem>> -> memref<26x64xf32, #tpu.memory_space<vmem>>
      %dma_start3A_384 = arith.constant 0 : i32
      %dma_start3A_385 = arith.constant 0 : i32
      %dma_start3A_386 = tpu.memref_slice %arg4[%add3A_380, %dma_start3A_384, %dma_start3A_385] : memref<16384x26x64xf32, #tpu.memory_space<hbm>> -> memref<1x26x64xf32, #tpu.memory_space<hbm>>
      %dma_start3A_387 = tpu.memref_squeeze %dma_start3A_386 : memref<1x26x64xf32, #tpu.memory_space<hbm>> -> memref<26x64xf32, #tpu.memory_space<hbm>>
      %dma_start3A_388 = arith.constant 0 : i32
      %dma_start3A_389 = arith.constant 0 : i32
      %dma_start3A_390 = tpu.memref_slice %arg4[%add3A_380, %dma_start3A_388, %dma_start3A_389] : memref<16384x26x64xf32, #tpu.memory_space<hbm>> -> memref<1x26x64xf32, #tpu.memory_space<hbm>>
      %dma_start3A_391 = tpu.memref_squeeze %dma_start3A_390 : memref<1x26x64xf32, #tpu.memory_space<hbm>> -> memref<26x64xf32, #tpu.memory_space<hbm>>
      %dma_start3A_392 = arith.constant 130 : i32
      %dma_start3A_393 = arith.constant 0 : i32
      %dma_start3A_394 = tpu.memref_slice %arg9[%dma_start3A_392, %dma_start3A_393] : memref<208x64xf32, #tpu.memory_space<vmem>> -> memref<26x64xf32, #tpu.memory_space<vmem>>
      tpu.enqueue_dma source(%dma_start3A_394 : memref<26x64xf32, #tpu.memory_space<vmem>>) target(%dma_start3A_391 : memref<26x64xf32, #tpu.memory_space<hbm>>) target_semaphore(%arg13 : memref<!tpu.dma_semaphore, #tpu.memory_space<semaphore_mem>>)
      %add3A_395 = arith.constant 6 : i32
      %add3A_396 = arith.addi %add3A_298, %add3A_395 : i32
      %dma_start3A_397 = arith.constant 156 : i32
      %dma_start3A_398 = arith.constant 0 : i32
      %dma_start3A_399 = tpu.memref_slice %arg9[%dma_start3A_397, %dma_start3A_398] : memref<208x64xf32, #tpu.memory_space<vmem>> -> memref<26x64xf32, #tpu.memory_space<vmem>>
      %dma_start3A_400 = arith.constant 0 : i32
      %dma_start3A_401 = arith.constant 0 : i32
      %dma_start3A_402 = tpu.memref_slice %arg4[%add3A_396, %dma_start3A_400, %dma_start3A_401] : memref<16384x26x64xf32, #tpu.memory_space<hbm>> -> memref<1x26x64xf32, #tpu.memory_space<hbm>>
      %dma_start3A_403 = tpu.memref_squeeze %dma_start3A_402 : memref<1x26x64xf32, #tpu.memory_space<hbm>> -> memref<26x64xf32, #tpu.memory_space<hbm>>
      %dma_start3A_404 = arith.constant 0 : i32
      %dma_start3A_405 = arith.constant 0 : i32
      %dma_start3A_406 = tpu.memref_slice %arg4[%add3A_396, %dma_start3A_404, %dma_start3A_405] : memref<16384x26x64xf32, #tpu.memory_space<hbm>> -> memref<1x26x64xf32, #tpu.memory_space<hbm>>
      %dma_start3A_407 = tpu.memref_squeeze %dma_start3A_406 : memref<1x26x64xf32, #tpu.memory_space<hbm>> -> memref<26x64xf32, #tpu.memory_space<hbm>>
      %dma_start3A_408 = arith.constant 156 : i32
      %dma_start3A_409 = arith.constant 0 : i32
      %dma_start3A_410 = tpu.memref_slice %arg9[%dma_start3A_408, %dma_start3A_409] : memref<208x64xf32, #tpu.memory_space<vmem>> -> memref<26x64xf32, #tpu.memory_space<vmem>>
      tpu.enqueue_dma source(%dma_start3A_410 : memref<26x64xf32, #tpu.memory_space<vmem>>) target(%dma_start3A_407 : memref<26x64xf32, #tpu.memory_space<hbm>>) target_semaphore(%arg13 : memref<!tpu.dma_semaphore, #tpu.memory_space<semaphore_mem>>)
      %add3A_411 = arith.constant 7 : i32
      %add3A_412 = arith.addi %add3A_298, %add3A_411 : i32
      %dma_start3A_413 = arith.constant 182 : i32
      %dma_start3A_414 = arith.constant 0 : i32
      %dma_start3A_415 = tpu.memref_slice %arg9[%dma_start3A_413, %dma_start3A_414] : memref<208x64xf32, #tpu.memory_space<vmem>> -> memref<26x64xf32, #tpu.memory_space<vmem>>
      %dma_start3A_416 = arith.constant 0 : i32
      %dma_start3A_417 = arith.constant 0 : i32
      %dma_start3A_418 = tpu.memref_slice %arg4[%add3A_412, %dma_start3A_416, %dma_start3A_417] : memref<16384x26x64xf32, #tpu.memory_space<hbm>> -> memref<1x26x64xf32, #tpu.memory_space<hbm>>
      %dma_start3A_419 = tpu.memref_squeeze %dma_start3A_418 : memref<1x26x64xf32, #tpu.memory_space<hbm>> -> memref<26x64xf32, #tpu.memory_space<hbm>>
      %dma_start3A_420 = arith.constant 0 : i32
      %dma_start3A_421 = arith.constant 0 : i32
      %dma_start3A_422 = tpu.memref_slice %arg4[%add3A_412, %dma_start3A_420, %dma_start3A_421] : memref<16384x26x64xf32, #tpu.memory_space<hbm>> -> memref<1x26x64xf32, #tpu.memory_space<hbm>>
      %dma_start3A_423 = tpu.memref_squeeze %dma_start3A_422 : memref<1x26x64xf32, #tpu.memory_space<hbm>> -> memref<26x64xf32, #tpu.memory_space<hbm>>
      %dma_start3A_424 = arith.constant 182 : i32
      %dma_start3A_425 = arith.constant 0 : i32
      %dma_start3A_426 = tpu.memref_slice %arg9[%dma_start3A_424, %dma_start3A_425] : memref<208x64xf32, #tpu.memory_space<vmem>> -> memref<26x64xf32, #tpu.memory_space<vmem>>
      tpu.enqueue_dma source(%dma_start3A_426 : memref<26x64xf32, #tpu.memory_space<vmem>>) target(%dma_start3A_423 : memref<26x64xf32, #tpu.memory_space<hbm>>) target_semaphore(%arg13 : memref<!tpu.dma_semaphore, #tpu.memory_space<semaphore_mem>>)
      %lt3A = arith.constant 31 : i32
      %lt3A_427 = arith.cmpi slt, %scan3A_280, %lt3A : i32
      %convert_element_type3A_428 = arith.extui %lt3A_427 : i1 to i32
      %cond3A_429 = arith.constant 0 : i32
      %cond3A_430 = arith.cmpi ne, %convert_element_type3A_428, %cond3A_429 : i32
      scf.if %cond3A_430 {
        %add3A_585 = arith.constant 2 : i32
        %add3A_586 = arith.addi %add3A_284, %add3A_585 : i32
        %mul3A_587 = arith.constant 8 : i32
        %mul3A_588 = arith.muli %add3A_586, %mul3A_587 : i32
        %add3A_589 = arith.addi %mul3A_2, %mul3A_588 : i32
        %mul3A_590 = arith.constant 26 : i32
        %mul3A_591 = arith.muli %add3A_589, %mul3A_590 : i32
        "tpu.region"() ({
          %run_scoped3A = tpu.sem_alloc : memref<!tpu.dma_semaphore, #tpu.memory_space<semaphore_mem>>
          %dma_start3A_595 = tpu.memref_slice %arg2[%mul3A_591] : memref<425984xi32, #tpu.memory_space<hbm>> -> memref<208xi32, #tpu.memory_space<hbm>>
          %dma_start3A_596 = tpu.memref_slice %arg2[%mul3A_591] : memref<425984xi32, #tpu.memory_space<hbm>> -> memref<208xi32, #tpu.memory_space<hbm>>
          tpu.enqueue_dma source(%dma_start3A_596 : memref<208xi32, #tpu.memory_space<hbm>>) target(%arg5 : memref<208xi32, #tpu.memory_space<vmem>>) target_semaphore(%run_scoped3A : memref<!tpu.dma_semaphore, #tpu.memory_space<semaphore_mem>>)
          %dma_wait3A_597 = tpu.memref_slice %arg2[%mul3A_591] : memref<425984xi32, #tpu.memory_space<hbm>> -> memref<208xi32, #tpu.memory_space<hbm>>
          %dma_wait3A_598 = tpu.memref_slice %arg2[%mul3A_591] : memref<425984xi32, #tpu.memory_space<hbm>> -> memref<208xi32, #tpu.memory_space<hbm>>
          tpu.wait_dma2 semaphore(%run_scoped3A : memref<!tpu.dma_semaphore, #tpu.memory_space<semaphore_mem>>) src(%dma_wait3A_598 : memref<208xi32, #tpu.memory_space<hbm>>) dst(%arg5 : memref<208xi32, #tpu.memory_space<vmem>>)
          tpu.yield
        }) : () -> ()
        %dma_start3A_592 = arith.constant 0 : i32
        %dma_start3A_593 = arith.constant 0 : i32
        %dma_start3A_594 = tpu.memref_slice %arg3[%dma_start3A_592, %dma_start3A_593] : memref<1000000x128xf32, #tpu.memory_space<hbm>> -> memref<1000000x128xf32, #tpu.memory_space<hbm>>
        tpu.enqueue_indirect_dma source(%dma_start3A_594 : memref<1000000x128xf32, #tpu.memory_space<hbm>>) target(%arg7 : memref<208x128xf32, #tpu.memory_space<vmem>>) offsets(%arg5 : memref<208xi32, #tpu.memory_space<vmem>>) semaphore(%arg11 : memref<!tpu.dma_semaphore, #tpu.memory_space<semaphore_mem>>)
      } else {
      }
      %mul3A_431 = arith.constant 2 : i32
      %mul3A_432 = arith.muli %scan3A_280, %mul3A_431 : i32
      %add3A_433 = arith.constant 1 : i32
      %add3A_434 = arith.addi %mul3A_432, %add3A_433 : i32
      %dma_wait3A_435 = arith.constant 0 : i32
      %dma_wait3A_436 = arith.constant 0 : i32
      %dma_wait3A_437 = tpu.memref_slice %arg3[%dma_wait3A_435, %dma_wait3A_436] : memref<1000000x128xf32, #tpu.memory_space<hbm>> -> memref<1000000x128xf32, #tpu.memory_space<hbm>>
      tpu.wait_indirect_dma semaphore(%arg12 : memref<!tpu.dma_semaphore, #tpu.memory_space<semaphore_mem>>) src(%dma_wait3A_437 : memref<1000000x128xf32, #tpu.memory_space<hbm>>) dst(%arg8 : memref<208x128xf32, #tpu.memory_space<vmem>>)
      %gt3A_438 = arith.constant 0 : i32
      %gt3A_439 = arith.cmpi sgt, %scan3A_280, %gt3A_438 : i32
      %convert_element_type3A_440 = arith.extui %gt3A_439 : i1 to i32
      %cond3A_441 = arith.constant 0 : i32
      %cond3A_442 = arith.cmpi ne, %convert_element_type3A_440, %cond3A_441 : i32
      scf.if %cond3A_442 {
        %mul3A_585 = arith.constant 8 : i32
        %mul3A_586 = arith.muli %add3A_434, %mul3A_585 : i32
        %add3A_587 = arith.addi %mul3A_2, %mul3A_586 : i32
        %add3A_588 = arith.constant 0 : i32
        %add3A_589 = arith.addi %add3A_587, %add3A_588 : i32
        %dma_wait3A_590 = arith.constant 0 : i32
        %dma_wait3A_591 = arith.constant 0 : i32
        %dma_wait3A_592 = tpu.memref_slice %arg10[%dma_wait3A_590, %dma_wait3A_591] : memref<208x64xf32, #tpu.memory_space<vmem>> -> memref<26x64xf32, #tpu.memory_space<vmem>>
        %dma_wait3A_593 = arith.constant 0 : i32
        %dma_wait3A_594 = arith.constant 0 : i32
        %dma_wait3A_595 = tpu.memref_slice %arg4[%add3A_589, %dma_wait3A_593, %dma_wait3A_594] : memref<16384x26x64xf32, #tpu.memory_space<hbm>> -> memref<1x26x64xf32, #tpu.memory_space<hbm>>
        %dma_wait3A_596 = tpu.memref_squeeze %dma_wait3A_595 : memref<1x26x64xf32, #tpu.memory_space<hbm>> -> memref<26x64xf32, #tpu.memory_space<hbm>>
        %dma_wait3A_597 = arith.constant 0 : i32
        %dma_wait3A_598 = arith.constant 0 : i32
        %dma_wait3A_599 = tpu.memref_slice %arg4[%add3A_589, %dma_wait3A_597, %dma_wait3A_598] : memref<16384x26x64xf32, #tpu.memory_space<hbm>> -> memref<1x26x64xf32, #tpu.memory_space<hbm>>
        %dma_wait3A_600 = tpu.memref_squeeze %dma_wait3A_599 : memref<1x26x64xf32, #tpu.memory_space<hbm>> -> memref<26x64xf32, #tpu.memory_space<hbm>>
        %dma_wait3A_601 = arith.constant 0 : i32
        %dma_wait3A_602 = arith.constant 0 : i32
        %dma_wait3A_603 = tpu.memref_slice %arg10[%dma_wait3A_601, %dma_wait3A_602] : memref<208x64xf32, #tpu.memory_space<vmem>> -> memref<26x64xf32, #tpu.memory_space<vmem>>
        tpu.wait_dma2 semaphore(%arg14 : memref<!tpu.dma_semaphore, #tpu.memory_space<semaphore_mem>>) src(%dma_wait3A_603 : memref<26x64xf32, #tpu.memory_space<vmem>>) dst(%dma_wait3A_600 : memref<26x64xf32, #tpu.memory_space<hbm>>)
        %add3A_604 = arith.constant 1 : i32
        %add3A_605 = arith.addi %add3A_587, %add3A_604 : i32
        %dma_wait3A_606 = arith.constant 26 : i32
        %dma_wait3A_607 = arith.constant 0 : i32
        %dma_wait3A_608 = tpu.memref_slice %arg10[%dma_wait3A_606, %dma_wait3A_607] : memref<208x64xf32, #tpu.memory_space<vmem>> -> memref<26x64xf32, #tpu.memory_space<vmem>>
        %dma_wait3A_609 = arith.constant 0 : i32
        %dma_wait3A_610 = arith.constant 0 : i32
        %dma_wait3A_611 = tpu.memref_slice %arg4[%add3A_605, %dma_wait3A_609, %dma_wait3A_610] : memref<16384x26x64xf32, #tpu.memory_space<hbm>> -> memref<1x26x64xf32, #tpu.memory_space<hbm>>
        %dma_wait3A_612 = tpu.memref_squeeze %dma_wait3A_611 : memref<1x26x64xf32, #tpu.memory_space<hbm>> -> memref<26x64xf32, #tpu.memory_space<hbm>>
        %dma_wait3A_613 = arith.constant 0 : i32
        %dma_wait3A_614 = arith.constant 0 : i32
        %dma_wait3A_615 = tpu.memref_slice %arg4[%add3A_605, %dma_wait3A_613, %dma_wait3A_614] : memref<16384x26x64xf32, #tpu.memory_space<hbm>> -> memref<1x26x64xf32, #tpu.memory_space<hbm>>
        %dma_wait3A_616 = tpu.memref_squeeze %dma_wait3A_615 : memref<1x26x64xf32, #tpu.memory_space<hbm>> -> memref<26x64xf32, #tpu.memory_space<hbm>>
        %dma_wait3A_617 = arith.constant 26 : i32
        %dma_wait3A_618 = arith.constant 0 : i32
        %dma_wait3A_619 = tpu.memref_slice %arg10[%dma_wait3A_617, %dma_wait3A_618] : memref<208x64xf32, #tpu.memory_space<vmem>> -> memref<26x64xf32, #tpu.memory_space<vmem>>
        tpu.wait_dma2 semaphore(%arg14 : memref<!tpu.dma_semaphore, #tpu.memory_space<semaphore_mem>>) src(%dma_wait3A_619 : memref<26x64xf32, #tpu.memory_space<vmem>>) dst(%dma_wait3A_616 : memref<26x64xf32, #tpu.memory_space<hbm>>)
        %add3A_620 = arith.constant 2 : i32
        %add3A_621 = arith.addi %add3A_587, %add3A_620 : i32
        %dma_wait3A_622 = arith.constant 52 : i32
        %dma_wait3A_623 = arith.constant 0 : i32
        %dma_wait3A_624 = tpu.memref_slice %arg10[%dma_wait3A_622, %dma_wait3A_623] : memref<208x64xf32, #tpu.memory_space<vmem>> -> memref<26x64xf32, #tpu.memory_space<vmem>>
        %dma_wait3A_625 = arith.constant 0 : i32
        %dma_wait3A_626 = arith.constant 0 : i32
        %dma_wait3A_627 = tpu.memref_slice %arg4[%add3A_621, %dma_wait3A_625, %dma_wait3A_626] : memref<16384x26x64xf32, #tpu.memory_space<hbm>> -> memref<1x26x64xf32, #tpu.memory_space<hbm>>
        %dma_wait3A_628 = tpu.memref_squeeze %dma_wait3A_627 : memref<1x26x64xf32, #tpu.memory_space<hbm>> -> memref<26x64xf32, #tpu.memory_space<hbm>>
        %dma_wait3A_629 = arith.constant 0 : i32
        %dma_wait3A_630 = arith.constant 0 : i32
        %dma_wait3A_631 = tpu.memref_slice %arg4[%add3A_621, %dma_wait3A_629, %dma_wait3A_630] : memref<16384x26x64xf32, #tpu.memory_space<hbm>> -> memref<1x26x64xf32, #tpu.memory_space<hbm>>
        %dma_wait3A_632 = tpu.memref_squeeze %dma_wait3A_631 : memref<1x26x64xf32, #tpu.memory_space<hbm>> -> memref<26x64xf32, #tpu.memory_space<hbm>>
        %dma_wait3A_633 = arith.constant 52 : i32
        %dma_wait3A_634 = arith.constant 0 : i32
        %dma_wait3A_635 = tpu.memref_slice %arg10[%dma_wait3A_633, %dma_wait3A_634] : memref<208x64xf32, #tpu.memory_space<vmem>> -> memref<26x64xf32, #tpu.memory_space<vmem>>
        tpu.wait_dma2 semaphore(%arg14 : memref<!tpu.dma_semaphore, #tpu.memory_space<semaphore_mem>>) src(%dma_wait3A_635 : memref<26x64xf32, #tpu.memory_space<vmem>>) dst(%dma_wait3A_632 : memref<26x64xf32, #tpu.memory_space<hbm>>)
        %add3A_636 = arith.constant 3 : i32
        %add3A_637 = arith.addi %add3A_587, %add3A_636 : i32
        %dma_wait3A_638 = arith.constant 78 : i32
        %dma_wait3A_639 = arith.constant 0 : i32
        %dma_wait3A_640 = tpu.memref_slice %arg10[%dma_wait3A_638, %dma_wait3A_639] : memref<208x64xf32, #tpu.memory_space<vmem>> -> memref<26x64xf32, #tpu.memory_space<vmem>>
        %dma_wait3A_641 = arith.constant 0 : i32
        %dma_wait3A_642 = arith.constant 0 : i32
        %dma_wait3A_643 = tpu.memref_slice %arg4[%add3A_637, %dma_wait3A_641, %dma_wait3A_642] : memref<16384x26x64xf32, #tpu.memory_space<hbm>> -> memref<1x26x64xf32, #tpu.memory_space<hbm>>
        %dma_wait3A_644 = tpu.memref_squeeze %dma_wait3A_643 : memref<1x26x64xf32, #tpu.memory_space<hbm>> -> memref<26x64xf32, #tpu.memory_space<hbm>>
        %dma_wait3A_645 = arith.constant 0 : i32
        %dma_wait3A_646 = arith.constant 0 : i32
        %dma_wait3A_647 = tpu.memref_slice %arg4[%add3A_637, %dma_wait3A_645, %dma_wait3A_646] : memref<16384x26x64xf32, #tpu.memory_space<hbm>> -> memref<1x26x64xf32, #tpu.memory_space<hbm>>
        %dma_wait3A_648 = tpu.memref_squeeze %dma_wait3A_647 : memref<1x26x64xf32, #tpu.memory_space<hbm>> -> memref<26x64xf32, #tpu.memory_space<hbm>>
        %dma_wait3A_649 = arith.constant 78 : i32
        %dma_wait3A_650 = arith.constant 0 : i32
        %dma_wait3A_651 = tpu.memref_slice %arg10[%dma_wait3A_649, %dma_wait3A_650] : memref<208x64xf32, #tpu.memory_space<vmem>> -> memref<26x64xf32, #tpu.memory_space<vmem>>
        tpu.wait_dma2 semaphore(%arg14 : memref<!tpu.dma_semaphore, #tpu.memory_space<semaphore_mem>>) src(%dma_wait3A_651 : memref<26x64xf32, #tpu.memory_space<vmem>>) dst(%dma_wait3A_648 : memref<26x64xf32, #tpu.memory_space<hbm>>)
        %add3A_652 = arith.constant 4 : i32
        %add3A_653 = arith.addi %add3A_587, %add3A_652 : i32
        %dma_wait3A_654 = arith.constant 104 : i32
        %dma_wait3A_655 = arith.constant 0 : i32
        %dma_wait3A_656 = tpu.memref_slice %arg10[%dma_wait3A_654, %dma_wait3A_655] : memref<208x64xf32, #tpu.memory_space<vmem>> -> memref<26x64xf32, #tpu.memory_space<vmem>>
        %dma_wait3A_657 = arith.constant 0 : i32
        %dma_wait3A_658 = arith.constant 0 : i32
        %dma_wait3A_659 = tpu.memref_slice %arg4[%add3A_653, %dma_wait3A_657, %dma_wait3A_658] : memref<16384x26x64xf32, #tpu.memory_space<hbm>> -> memref<1x26x64xf32, #tpu.memory_space<hbm>>
        %dma_wait3A_660 = tpu.memref_squeeze %dma_wait3A_659 : memref<1x26x64xf32, #tpu.memory_space<hbm>> -> memref<26x64xf32, #tpu.memory_space<hbm>>
        %dma_wait3A_661 = arith.constant 0 : i32
        %dma_wait3A_662 = arith.constant 0 : i32
        %dma_wait3A_663 = tpu.memref_slice %arg4[%add3A_653, %dma_wait3A_661, %dma_wait3A_662] : memref<16384x26x64xf32, #tpu.memory_space<hbm>> -> memref<1x26x64xf32, #tpu.memory_space<hbm>>
        %dma_wait3A_664 = tpu.memref_squeeze %dma_wait3A_663 : memref<1x26x64xf32, #tpu.memory_space<hbm>> -> memref<26x64xf32, #tpu.memory_space<hbm>>
        %dma_wait3A_665 = arith.constant 104 : i32
        %dma_wait3A_666 = arith.constant 0 : i32
        %dma_wait3A_667 = tpu.memref_slice %arg10[%dma_wait3A_665, %dma_wait3A_666] : memref<208x64xf32, #tpu.memory_space<vmem>> -> memref<26x64xf32, #tpu.memory_space<vmem>>
        tpu.wait_dma2 semaphore(%arg14 : memref<!tpu.dma_semaphore, #tpu.memory_space<semaphore_mem>>) src(%dma_wait3A_667 : memref<26x64xf32, #tpu.memory_space<vmem>>) dst(%dma_wait3A_664 : memref<26x64xf32, #tpu.memory_space<hbm>>)
        %add3A_668 = arith.constant 5 : i32
        %add3A_669 = arith.addi %add3A_587, %add3A_668 : i32
        %dma_wait3A_670 = arith.constant 130 : i32
        %dma_wait3A_671 = arith.constant 0 : i32
        %dma_wait3A_672 = tpu.memref_slice %arg10[%dma_wait3A_670, %dma_wait3A_671] : memref<208x64xf32, #tpu.memory_space<vmem>> -> memref<26x64xf32, #tpu.memory_space<vmem>>
        %dma_wait3A_673 = arith.constant 0 : i32
        %dma_wait3A_674 = arith.constant 0 : i32
        %dma_wait3A_675 = tpu.memref_slice %arg4[%add3A_669, %dma_wait3A_673, %dma_wait3A_674] : memref<16384x26x64xf32, #tpu.memory_space<hbm>> -> memref<1x26x64xf32, #tpu.memory_space<hbm>>
        %dma_wait3A_676 = tpu.memref_squeeze %dma_wait3A_675 : memref<1x26x64xf32, #tpu.memory_space<hbm>> -> memref<26x64xf32, #tpu.memory_space<hbm>>
        %dma_wait3A_677 = arith.constant 0 : i32
        %dma_wait3A_678 = arith.constant 0 : i32
        %dma_wait3A_679 = tpu.memref_slice %arg4[%add3A_669, %dma_wait3A_677, %dma_wait3A_678] : memref<16384x26x64xf32, #tpu.memory_space<hbm>> -> memref<1x26x64xf32, #tpu.memory_space<hbm>>
        %dma_wait3A_680 = tpu.memref_squeeze %dma_wait3A_679 : memref<1x26x64xf32, #tpu.memory_space<hbm>> -> memref<26x64xf32, #tpu.memory_space<hbm>>
        %dma_wait3A_681 = arith.constant 130 : i32
        %dma_wait3A_682 = arith.constant 0 : i32
        %dma_wait3A_683 = tpu.memref_slice %arg10[%dma_wait3A_681, %dma_wait3A_682] : memref<208x64xf32, #tpu.memory_space<vmem>> -> memref<26x64xf32, #tpu.memory_space<vmem>>
        tpu.wait_dma2 semaphore(%arg14 : memref<!tpu.dma_semaphore, #tpu.memory_space<semaphore_mem>>) src(%dma_wait3A_683 : memref<26x64xf32, #tpu.memory_space<vmem>>) dst(%dma_wait3A_680 : memref<26x64xf32, #tpu.memory_space<hbm>>)
        %add3A_684 = arith.constant 6 : i32
        %add3A_685 = arith.addi %add3A_587, %add3A_684 : i32
        %dma_wait3A_686 = arith.constant 156 : i32
        %dma_wait3A_687 = arith.constant 0 : i32
        %dma_wait3A_688 = tpu.memref_slice %arg10[%dma_wait3A_686, %dma_wait3A_687] : memref<208x64xf32, #tpu.memory_space<vmem>> -> memref<26x64xf32, #tpu.memory_space<vmem>>
        %dma_wait3A_689 = arith.constant 0 : i32
        %dma_wait3A_690 = arith.constant 0 : i32
        %dma_wait3A_691 = tpu.memref_slice %arg4[%add3A_685, %dma_wait3A_689, %dma_wait3A_690] : memref<16384x26x64xf32, #tpu.memory_space<hbm>> -> memref<1x26x64xf32, #tpu.memory_space<hbm>>
        %dma_wait3A_692 = tpu.memref_squeeze %dma_wait3A_691 : memref<1x26x64xf32, #tpu.memory_space<hbm>> -> memref<26x64xf32, #tpu.memory_space<hbm>>
        %dma_wait3A_693 = arith.constant 0 : i32
        %dma_wait3A_694 = arith.constant 0 : i32
        %dma_wait3A_695 = tpu.memref_slice %arg4[%add3A_685, %dma_wait3A_693, %dma_wait3A_694] : memref<16384x26x64xf32, #tpu.memory_space<hbm>> -> memref<1x26x64xf32, #tpu.memory_space<hbm>>
        %dma_wait3A_696 = tpu.memref_squeeze %dma_wait3A_695 : memref<1x26x64xf32, #tpu.memory_space<hbm>> -> memref<26x64xf32, #tpu.memory_space<hbm>>
        %dma_wait3A_697 = arith.constant 156 : i32
        %dma_wait3A_698 = arith.constant 0 : i32
        %dma_wait3A_699 = tpu.memref_slice %arg10[%dma_wait3A_697, %dma_wait3A_698] : memref<208x64xf32, #tpu.memory_space<vmem>> -> memref<26x64xf32, #tpu.memory_space<vmem>>
        tpu.wait_dma2 semaphore(%arg14 : memref<!tpu.dma_semaphore, #tpu.memory_space<semaphore_mem>>) src(%dma_wait3A_699 : memref<26x64xf32, #tpu.memory_space<vmem>>) dst(%dma_wait3A_696 : memref<26x64xf32, #tpu.memory_space<hbm>>)
        %add3A_700 = arith.constant 7 : i32
        %add3A_701 = arith.addi %add3A_587, %add3A_700 : i32
        %dma_wait3A_702 = arith.constant 182 : i32
        %dma_wait3A_703 = arith.constant 0 : i32
        %dma_wait3A_704 = tpu.memref_slice %arg10[%dma_wait3A_702, %dma_wait3A_703] : memref<208x64xf32, #tpu.memory_space<vmem>> -> memref<26x64xf32, #tpu.memory_space<vmem>>
        %dma_wait3A_705 = arith.constant 0 : i32
        %dma_wait3A_706 = arith.constant 0 : i32
        %dma_wait3A_707 = tpu.memref_slice %arg4[%add3A_701, %dma_wait3A_705, %dma_wait3A_706] : memref<16384x26x64xf32, #tpu.memory_space<hbm>> -> memref<1x26x64xf32, #tpu.memory_space<hbm>>
        %dma_wait3A_708 = tpu.memref_squeeze %dma_wait3A_707 : memref<1x26x64xf32, #tpu.memory_space<hbm>> -> memref<26x64xf32, #tpu.memory_space<hbm>>
        %dma_wait3A_709 = arith.constant 0 : i32
        %dma_wait3A_710 = arith.constant 0 : i32
        %dma_wait3A_711 = tpu.memref_slice %arg4[%add3A_701, %dma_wait3A_709, %dma_wait3A_710] : memref<16384x26x64xf32, #tpu.memory_space<hbm>> -> memref<1x26x64xf32, #tpu.memory_space<hbm>>
        %dma_wait3A_712 = tpu.memref_squeeze %dma_wait3A_711 : memref<1x26x64xf32, #tpu.memory_space<hbm>> -> memref<26x64xf32, #tpu.memory_space<hbm>>
        %dma_wait3A_713 = arith.constant 182 : i32
        %dma_wait3A_714 = arith.constant 0 : i32
        %dma_wait3A_715 = tpu.memref_slice %arg10[%dma_wait3A_713, %dma_wait3A_714] : memref<208x64xf32, #tpu.memory_space<vmem>> -> memref<26x64xf32, #tpu.memory_space<vmem>>
        tpu.wait_dma2 semaphore(%arg14 : memref<!tpu.dma_semaphore, #tpu.memory_space<semaphore_mem>>) src(%dma_wait3A_715 : memref<26x64xf32, #tpu.memory_space<vmem>>) dst(%dma_wait3A_712 : memref<26x64xf32, #tpu.memory_space<hbm>>)
      } else {
      }
      %scan3A_443 = arith.constant 0 : i32
      %scan3A_444 = arith.constant 0 : i32
      %scan3A_445 = arith.constant 208 : i32
      %scan3A_446 = arith.addi %scan3A_444, %scan3A_445 : i32
      %scan3A_447 = arith.constant 8 : i32
      scf.for %scan3A_585 = %scan3A_444 to %scan3A_446 step %scan3A_447  : i32 {
        %get3A = arith.index_cast %scan3A_585 : i32 to index
        %get3A_586 = arith.constant 0 : index
        %get3A_587 = tpu.vector_load %arg8[%get3A, %get3A_586] {strides = array<i32>} : memref<208x128xf32, #tpu.memory_space<vmem>>, vector<1x16xf32>,
        %get3A_588 = vector.shape_cast %get3A_587 : vector<1x16xf32> to vector<16xf32>
        %swap3A = arith.index_cast %scan3A_585 : i32 to index
        %swap3A_589 = arith.constant 0 : index
        %swap3A_590 = tpu.vector_load %arg10[%swap3A, %swap3A_589] {strides = array<i32>} : memref<208x64xf32, #tpu.memory_space<vmem>>, vector<1x16xf32>,
        %swap3A_591 = vector.shape_cast %swap3A_590 : vector<1x16xf32> to vector<16xf32>
        %swap3A_592 = vector.shape_cast %get3A_588 : vector<16xf32> to vector<1x16xf32>
        tpu.vector_store %arg10[%swap3A, %swap3A_589], %swap3A_592 {strides = array<i32>} : memref<208x64xf32, #tpu.memory_space<vmem>>, vector<1x16xf32>,
        %get3A_593 = arith.index_cast %scan3A_585 : i32 to index
        %get3A_594 = arith.constant 16 : index
        %get3A_595 = tpu.vector_load %arg8[%get3A_593, %get3A_594] {strides = array<i32>} : memref<208x128xf32, #tpu.memory_space<vmem>>, vector<1x16xf32>,
        %get3A_596 = vector.shape_cast %get3A_595 : vector<1x16xf32> to vector<16xf32>
        %swap3A_597 = arith.index_cast %scan3A_585 : i32 to index
        %swap3A_598 = arith.constant 16 : index
        %swap3A_599 = tpu.vector_load %arg10[%swap3A_597, %swap3A_598] {strides = array<i32>} : memref<208x64xf32, #tpu.memory_space<vmem>>, vector<1x16xf32>,
        %swap3A_600 = vector.shape_cast %swap3A_599 : vector<1x16xf32> to vector<16xf32>
        %swap3A_601 = vector.shape_cast %get3A_596 : vector<16xf32> to vector<1x16xf32>
        tpu.vector_store %arg10[%swap3A_597, %swap3A_598], %swap3A_601 {strides = array<i32>} : memref<208x64xf32, #tpu.memory_space<vmem>>, vector<1x16xf32>,
        %get3A_602 = arith.index_cast %scan3A_585 : i32 to index
        %get3A_603 = arith.constant 32 : index
        %get3A_604 = tpu.vector_load %arg8[%get3A_602, %get3A_603] {strides = array<i32>} : memref<208x128xf32, #tpu.memory_space<vmem>>, vector<1x16xf32>,
        %get3A_605 = vector.shape_cast %get3A_604 : vector<1x16xf32> to vector<16xf32>
        %swap3A_606 = arith.index_cast %scan3A_585 : i32 to index
        %swap3A_607 = arith.constant 32 : index
        %swap3A_608 = tpu.vector_load %arg10[%swap3A_606, %swap3A_607] {strides = array<i32>} : memref<208x64xf32, #tpu.memory_space<vmem>>, vector<1x16xf32>,
        %swap3A_609 = vector.shape_cast %swap3A_608 : vector<1x16xf32> to vector<16xf32>
        %swap3A_610 = vector.shape_cast %get3A_605 : vector<16xf32> to vector<1x16xf32>
        tpu.vector_store %arg10[%swap3A_606, %swap3A_607], %swap3A_610 {strides = array<i32>} : memref<208x64xf32, #tpu.memory_space<vmem>>, vector<1x16xf32>,
        %get3A_611 = arith.index_cast %scan3A_585 : i32 to index
        %get3A_612 = arith.constant 48 : index
        %get3A_613 = tpu.vector_load %arg8[%get3A_611, %get3A_612] {strides = array<i32>} : memref<208x128xf32, #tpu.memory_space<vmem>>, vector<1x16xf32>,
        %get3A_614 = vector.shape_cast %get3A_613 : vector<1x16xf32> to vector<16xf32>
        %swap3A_615 = arith.index_cast %scan3A_585 : i32 to index
        %swap3A_616 = arith.constant 48 : index
        %swap3A_617 = tpu.vector_load %arg10[%swap3A_615, %swap3A_616] {strides = array<i32>} : memref<208x64xf32, #tpu.memory_space<vmem>>, vector<1x16xf32>,
        %swap3A_618 = vector.shape_cast %swap3A_617 : vector<1x16xf32> to vector<16xf32>
        %swap3A_619 = vector.shape_cast %get3A_614 : vector<16xf32> to vector<1x16xf32>
        tpu.vector_store %arg10[%swap3A_615, %swap3A_616], %swap3A_619 {strides = array<i32>} : memref<208x64xf32, #tpu.memory_space<vmem>>, vector<1x16xf32>,
        %scan3A_620 = arith.constant 1 : i32
        %scan3A_621 = arith.addi %scan3A_585, %scan3A_620 : i32
        %get3A_622 = arith.index_cast %scan3A_621 : i32 to index
        %get3A_623 = arith.constant 0 : index
        %get3A_624 = tpu.vector_load %arg8[%get3A_622, %get3A_623] {strides = array<i32>} : memref<208x128xf32, #tpu.memory_space<vmem>>, vector<1x16xf32>,
        %get3A_625 = vector.shape_cast %get3A_624 : vector<1x16xf32> to vector<16xf32>
        %swap3A_626 = arith.index_cast %scan3A_621 : i32 to index
        %swap3A_627 = arith.constant 0 : index
        %swap3A_628 = tpu.vector_load %arg10[%swap3A_626, %swap3A_627] {strides = array<i32>} : memref<208x64xf32, #tpu.memory_space<vmem>>, vector<1x16xf32>,
        %swap3A_629 = vector.shape_cast %swap3A_628 : vector<1x16xf32> to vector<16xf32>
        %swap3A_630 = vector.shape_cast %get3A_625 : vector<16xf32> to vector<1x16xf32>
        tpu.vector_store %arg10[%swap3A_626, %swap3A_627], %swap3A_630 {strides = array<i32>} : memref<208x64xf32, #tpu.memory_space<vmem>>, vector<1x16xf32>,
        %get3A_631 = arith.index_cast %scan3A_621 : i32 to index
        %get3A_632 = arith.constant 16 : index
        %get3A_633 = tpu.vector_load %arg8[%get3A_631, %get3A_632] {strides = array<i32>} : memref<208x128xf32, #tpu.memory_space<vmem>>, vector<1x16xf32>,
        %get3A_634 = vector.shape_cast %get3A_633 : vector<1x16xf32> to vector<16xf32>
        %swap3A_635 = arith.index_cast %scan3A_621 : i32 to index
        %swap3A_636 = arith.constant 16 : index
        %swap3A_637 = tpu.vector_load %arg10[%swap3A_635, %swap3A_636] {strides = array<i32>} : memref<208x64xf32, #tpu.memory_space<vmem>>, vector<1x16xf32>,
        %swap3A_638 = vector.shape_cast %swap3A_637 : vector<1x16xf32> to vector<16xf32>
        %swap3A_639 = vector.shape_cast %get3A_634 : vector<16xf32> to vector<1x16xf32>
        tpu.vector_store %arg10[%swap3A_635, %swap3A_636], %swap3A_639 {strides = array<i32>} : memref<208x64xf32, #tpu.memory_space<vmem>>, vector<1x16xf32>,
        %get3A_640 = arith.index_cast %scan3A_621 : i32 to index
        %get3A_641 = arith.constant 32 : index
        %get3A_642 = tpu.vector_load %arg8[%get3A_640, %get3A_641] {strides = array<i32>} : memref<208x128xf32, #tpu.memory_space<vmem>>, vector<1x16xf32>,
        %get3A_643 = vector.shape_cast %get3A_642 : vector<1x16xf32> to vector<16xf32>
        %swap3A_644 = arith.index_cast %scan3A_621 : i32 to index
        %swap3A_645 = arith.constant 32 : index
        %swap3A_646 = tpu.vector_load %arg10[%swap3A_644, %swap3A_645] {strides = array<i32>} : memref<208x64xf32, #tpu.memory_space<vmem>>, vector<1x16xf32>,
        %swap3A_647 = vector.shape_cast %swap3A_646 : vector<1x16xf32> to vector<16xf32>
        %swap3A_648 = vector.shape_cast %get3A_643 : vector<16xf32> to vector<1x16xf32>
        tpu.vector_store %arg10[%swap3A_644, %swap3A_645], %swap3A_648 {strides = array<i32>} : memref<208x64xf32, #tpu.memory_space<vmem>>, vector<1x16xf32>,
        %get3A_649 = arith.index_cast %scan3A_621 : i32 to index
        %get3A_650 = arith.constant 48 : index
        %get3A_651 = tpu.vector_load %arg8[%get3A_649, %get3A_650] {strides = array<i32>} : memref<208x128xf32, #tpu.memory_space<vmem>>, vector<1x16xf32>,
        %get3A_652 = vector.shape_cast %get3A_651 : vector<1x16xf32> to vector<16xf32>
        %swap3A_653 = arith.index_cast %scan3A_621 : i32 to index
        %swap3A_654 = arith.constant 48 : index
        %swap3A_655 = tpu.vector_load %arg10[%swap3A_653, %swap3A_654] {strides = array<i32>} : memref<208x64xf32, #tpu.memory_space<vmem>>, vector<1x16xf32>,
        %swap3A_656 = vector.shape_cast %swap3A_655 : vector<1x16xf32> to vector<16xf32>
        %swap3A_657 = vector.shape_cast %get3A_652 : vector<16xf32> to vector<1x16xf32>
        tpu.vector_store %arg10[%swap3A_653, %swap3A_654], %swap3A_657 {strides = array<i32>} : memref<208x64xf32, #tpu.memory_space<vmem>>, vector<1x16xf32>,
        %scan3A_658 = arith.constant 2 : i32
        %scan3A_659 = arith.addi %scan3A_585, %scan3A_658 : i32
        %get3A_660 = arith.index_cast %scan3A_659 : i32 to index
        %get3A_661 = arith.constant 0 : index
        %get3A_662 = tpu.vector_load %arg8[%get3A_660, %get3A_661] {strides = array<i32>} : memref<208x128xf32, #tpu.memory_space<vmem>>, vector<1x16xf32>,
        %get3A_663 = vector.shape_cast %get3A_662 : vector<1x16xf32> to vector<16xf32>
        %swap3A_664 = arith.index_cast %scan3A_659 : i32 to index
        %swap3A_665 = arith.constant 0 : index
        %swap3A_666 = tpu.vector_load %arg10[%swap3A_664, %swap3A_665] {strides = array<i32>} : memref<208x64xf32, #tpu.memory_space<vmem>>, vector<1x16xf32>,
        %swap3A_667 = vector.shape_cast %swap3A_666 : vector<1x16xf32> to vector<16xf32>
        %swap3A_668 = vector.shape_cast %get3A_663 : vector<16xf32> to vector<1x16xf32>
        tpu.vector_store %arg10[%swap3A_664, %swap3A_665], %swap3A_668 {strides = array<i32>} : memref<208x64xf32, #tpu.memory_space<vmem>>, vector<1x16xf32>,
        %get3A_669 = arith.index_cast %scan3A_659 : i32 to index
        %get3A_670 = arith.constant 16 : index
        %get3A_671 = tpu.vector_load %arg8[%get3A_669, %get3A_670] {strides = array<i32>} : memref<208x128xf32, #tpu.memory_space<vmem>>, vector<1x16xf32>,
        %get3A_672 = vector.shape_cast %get3A_671 : vector<1x16xf32> to vector<16xf32>
        %swap3A_673 = arith.index_cast %scan3A_659 : i32 to index
        %swap3A_674 = arith.constant 16 : index
        %swap3A_675 = tpu.vector_load %arg10[%swap3A_673, %swap3A_674] {strides = array<i32>} : memref<208x64xf32, #tpu.memory_space<vmem>>, vector<1x16xf32>,
        %swap3A_676 = vector.shape_cast %swap3A_675 : vector<1x16xf32> to vector<16xf32>
        %swap3A_677 = vector.shape_cast %get3A_672 : vector<16xf32> to vector<1x16xf32>
        tpu.vector_store %arg10[%swap3A_673, %swap3A_674], %swap3A_677 {strides = array<i32>} : memref<208x64xf32, #tpu.memory_space<vmem>>, vector<1x16xf32>,
        %get3A_678 = arith.index_cast %scan3A_659 : i32 to index
        %get3A_679 = arith.constant 32 : index
        %get3A_680 = tpu.vector_load %arg8[%get3A_678, %get3A_679] {strides = array<i32>} : memref<208x128xf32, #tpu.memory_space<vmem>>, vector<1x16xf32>,
        %get3A_681 = vector.shape_cast %get3A_680 : vector<1x16xf32> to vector<16xf32>
        %swap3A_682 = arith.index_cast %scan3A_659 : i32 to index
        %swap3A_683 = arith.constant 32 : index
        %swap3A_684 = tpu.vector_load %arg10[%swap3A_682, %swap3A_683] {strides = array<i32>} : memref<208x64xf32, #tpu.memory_space<vmem>>, vector<1x16xf32>,
        %swap3A_685 = vector.shape_cast %swap3A_684 : vector<1x16xf32> to vector<16xf32>
        %swap3A_686 = vector.shape_cast %get3A_681 : vector<16xf32> to vector<1x16xf32>
        tpu.vector_store %arg10[%swap3A_682, %swap3A_683], %swap3A_686 {strides = array<i32>} : memref<208x64xf32, #tpu.memory_space<vmem>>, vector<1x16xf32>,
        %get3A_687 = arith.index_cast %scan3A_659 : i32 to index
        %get3A_688 = arith.constant 48 : index
        %get3A_689 = tpu.vector_load %arg8[%get3A_687, %get3A_688] {strides = array<i32>} : memref<208x128xf32, #tpu.memory_space<vmem>>, vector<1x16xf32>,
        %get3A_690 = vector.shape_cast %get3A_689 : vector<1x16xf32> to vector<16xf32>
        %swap3A_691 = arith.index_cast %scan3A_659 : i32 to index
        %swap3A_692 = arith.constant 48 : index
        %swap3A_693 = tpu.vector_load %arg10[%swap3A_691, %swap3A_692] {strides = array<i32>} : memref<208x64xf32, #tpu.memory_space<vmem>>, vector<1x16xf32>,
        %swap3A_694 = vector.shape_cast %swap3A_693 : vector<1x16xf32> to vector<16xf32>
        %swap3A_695 = vector.shape_cast %get3A_690 : vector<16xf32> to vector<1x16xf32>
        tpu.vector_store %arg10[%swap3A_691, %swap3A_692], %swap3A_695 {strides = array<i32>} : memref<208x64xf32, #tpu.memory_space<vmem>>, vector<1x16xf32>,
        %scan3A_696 = arith.constant 3 : i32
        %scan3A_697 = arith.addi %scan3A_585, %scan3A_696 : i32
        %get3A_698 = arith.index_cast %scan3A_697 : i32 to index
        %get3A_699 = arith.constant 0 : index
        %get3A_700 = tpu.vector_load %arg8[%get3A_698, %get3A_699] {strides = array<i32>} : memref<208x128xf32, #tpu.memory_space<vmem>>, vector<1x16xf32>,
        %get3A_701 = vector.shape_cast %get3A_700 : vector<1x16xf32> to vector<16xf32>
        %swap3A_702 = arith.index_cast %scan3A_697 : i32 to index
        %swap3A_703 = arith.constant 0 : index
        %swap3A_704 = tpu.vector_load %arg10[%swap3A_702, %swap3A_703] {strides = array<i32>} : memref<208x64xf32, #tpu.memory_space<vmem>>, vector<1x16xf32>,
        %swap3A_705 = vector.shape_cast %swap3A_704 : vector<1x16xf32> to vector<16xf32>
        %swap3A_706 = vector.shape_cast %get3A_701 : vector<16xf32> to vector<1x16xf32>
        tpu.vector_store %arg10[%swap3A_702, %swap3A_703], %swap3A_706 {strides = array<i32>} : memref<208x64xf32, #tpu.memory_space<vmem>>, vector<1x16xf32>,
        %get3A_707 = arith.index_cast %scan3A_697 : i32 to index
        %get3A_708 = arith.constant 16 : index
        %get3A_709 = tpu.vector_load %arg8[%get3A_707, %get3A_708] {strides = array<i32>} : memref<208x128xf32, #tpu.memory_space<vmem>>, vector<1x16xf32>,
        %get3A_710 = vector.shape_cast %get3A_709 : vector<1x16xf32> to vector<16xf32>
        %swap3A_711 = arith.index_cast %scan3A_697 : i32 to index
        %swap3A_712 = arith.constant 16 : index
        %swap3A_713 = tpu.vector_load %arg10[%swap3A_711, %swap3A_712] {strides = array<i32>} : memref<208x64xf32, #tpu.memory_space<vmem>>, vector<1x16xf32>,
        %swap3A_714 = vector.shape_cast %swap3A_713 : vector<1x16xf32> to vector<16xf32>
        %swap3A_715 = vector.shape_cast %get3A_710 : vector<16xf32> to vector<1x16xf32>
        tpu.vector_store %arg10[%swap3A_711, %swap3A_712], %swap3A_715 {strides = array<i32>} : memref<208x64xf32, #tpu.memory_space<vmem>>, vector<1x16xf32>,
        %get3A_716 = arith.index_cast %scan3A_697 : i32 to index
        %get3A_717 = arith.constant 32 : index
        %get3A_718 = tpu.vector_load %arg8[%get3A_716, %get3A_717] {strides = array<i32>} : memref<208x128xf32, #tpu.memory_space<vmem>>, vector<1x16xf32>,
        %get3A_719 = vector.shape_cast %get3A_718 : vector<1x16xf32> to vector<16xf32>
        %swap3A_720 = arith.index_cast %scan3A_697 : i32 to index
        %swap3A_721 = arith.constant 32 : index
        %swap3A_722 = tpu.vector_load %arg10[%swap3A_720, %swap3A_721] {strides = array<i32>} : memref<208x64xf32, #tpu.memory_space<vmem>>, vector<1x16xf32>,
        %swap3A_723 = vector.shape_cast %swap3A_722 : vector<1x16xf32> to vector<16xf32>
        %swap3A_724 = vector.shape_cast %get3A_719 : vector<16xf32> to vector<1x16xf32>
        tpu.vector_store %arg10[%swap3A_720, %swap3A_721], %swap3A_724 {strides = array<i32>} : memref<208x64xf32, #tpu.memory_space<vmem>>, vector<1x16xf32>,
        %get3A_725 = arith.index_cast %scan3A_697 : i32 to index
        %get3A_726 = arith.constant 48 : index
        %get3A_727 = tpu.vector_load %arg8[%get3A_725, %get3A_726] {strides = array<i32>} : memref<208x128xf32, #tpu.memory_space<vmem>>, vector<1x16xf32>,
        %get3A_728 = vector.shape_cast %get3A_727 : vector<1x16xf32> to vector<16xf32>
        %swap3A_729 = arith.index_cast %scan3A_697 : i32 to index
        %swap3A_730 = arith.constant 48 : index
        %swap3A_731 = tpu.vector_load %arg10[%swap3A_729, %swap3A_730] {strides = array<i32>} : memref<208x64xf32, #tpu.memory_space<vmem>>, vector<1x16xf32>,
        %swap3A_732 = vector.shape_cast %swap3A_731 : vector<1x16xf32> to vector<16xf32>
        %swap3A_733 = vector.shape_cast %get3A_728 : vector<16xf32> to vector<1x16xf32>
        tpu.vector_store %arg10[%swap3A_729, %swap3A_730], %swap3A_733 {strides = array<i32>} : memref<208x64xf32, #tpu.memory_space<vmem>>, vector<1x16xf32>,
        %scan3A_734 = arith.constant 4 : i32
        %scan3A_735 = arith.addi %scan3A_585, %scan3A_734 : i32
        %get3A_736 = arith.index_cast %scan3A_735 : i32 to index
        %get3A_737 = arith.constant 0 : index
        %get3A_738 = tpu.vector_load %arg8[%get3A_736, %get3A_737] {strides = array<i32>} : memref<208x128xf32, #tpu.memory_space<vmem>>, vector<1x16xf32>,
        %get3A_739 = vector.shape_cast %get3A_738 : vector<1x16xf32> to vector<16xf32>
        %swap3A_740 = arith.index_cast %scan3A_735 : i32 to index
        %swap3A_741 = arith.constant 0 : index
        %swap3A_742 = tpu.vector_load %arg10[%swap3A_740, %swap3A_741] {strides = array<i32>} : memref<208x64xf32, #tpu.memory_space<vmem>>, vector<1x16xf32>,
        %swap3A_743 = vector.shape_cast %swap3A_742 : vector<1x16xf32> to vector<16xf32>
        %swap3A_744 = vector.shape_cast %get3A_739 : vector<16xf32> to vector<1x16xf32>
        tpu.vector_store %arg10[%swap3A_740, %swap3A_741], %swap3A_744 {strides = array<i32>} : memref<208x64xf32, #tpu.memory_space<vmem>>, vector<1x16xf32>,
        %get3A_745 = arith.index_cast %scan3A_735 : i32 to index
        %get3A_746 = arith.constant 16 : index
        %get3A_747 = tpu.vector_load %arg8[%get3A_745, %get3A_746] {strides = array<i32>} : memref<208x128xf32, #tpu.memory_space<vmem>>, vector<1x16xf32>,
        %get3A_748 = vector.shape_cast %get3A_747 : vector<1x16xf32> to vector<16xf32>
        %swap3A_749 = arith.index_cast %scan3A_735 : i32 to index
        %swap3A_750 = arith.constant 16 : index
        %swap3A_751 = tpu.vector_load %arg10[%swap3A_749, %swap3A_750] {strides = array<i32>} : memref<208x64xf32, #tpu.memory_space<vmem>>, vector<1x16xf32>,
        %swap3A_752 = vector.shape_cast %swap3A_751 : vector<1x16xf32> to vector<16xf32>
        %swap3A_753 = vector.shape_cast %get3A_748 : vector<16xf32> to vector<1x16xf32>
        tpu.vector_store %arg10[%swap3A_749, %swap3A_750], %swap3A_753 {strides = array<i32>} : memref<208x64xf32, #tpu.memory_space<vmem>>, vector<1x16xf32>,
        %get3A_754 = arith.index_cast %scan3A_735 : i32 to index
        %get3A_755 = arith.constant 32 : index
        %get3A_756 = tpu.vector_load %arg8[%get3A_754, %get3A_755] {strides = array<i32>} : memref<208x128xf32, #tpu.memory_space<vmem>>, vector<1x16xf32>,
        %get3A_757 = vector.shape_cast %get3A_756 : vector<1x16xf32> to vector<16xf32>
        %swap3A_758 = arith.index_cast %scan3A_735 : i32 to index
        %swap3A_759 = arith.constant 32 : index
        %swap3A_760 = tpu.vector_load %arg10[%swap3A_758, %swap3A_759] {strides = array<i32>} : memref<208x64xf32, #tpu.memory_space<vmem>>, vector<1x16xf32>,
        %swap3A_761 = vector.shape_cast %swap3A_760 : vector<1x16xf32> to vector<16xf32>
        %swap3A_762 = vector.shape_cast %get3A_757 : vector<16xf32> to vector<1x16xf32>
        tpu.vector_store %arg10[%swap3A_758, %swap3A_759], %swap3A_762 {strides = array<i32>} : memref<208x64xf32, #tpu.memory_space<vmem>>, vector<1x16xf32>,
        %get3A_763 = arith.index_cast %scan3A_735 : i32 to index
        %get3A_764 = arith.constant 48 : index
        %get3A_765 = tpu.vector_load %arg8[%get3A_763, %get3A_764] {strides = array<i32>} : memref<208x128xf32, #tpu.memory_space<vmem>>, vector<1x16xf32>,
        %get3A_766 = vector.shape_cast %get3A_765 : vector<1x16xf32> to vector<16xf32>
        %swap3A_767 = arith.index_cast %scan3A_735 : i32 to index
        %swap3A_768 = arith.constant 48 : index
        %swap3A_769 = tpu.vector_load %arg10[%swap3A_767, %swap3A_768] {strides = array<i32>} : memref<208x64xf32, #tpu.memory_space<vmem>>, vector<1x16xf32>,
        %swap3A_770 = vector.shape_cast %swap3A_769 : vector<1x16xf32> to vector<16xf32>
        %swap3A_771 = vector.shape_cast %get3A_766 : vector<16xf32> to vector<1x16xf32>
        tpu.vector_store %arg10[%swap3A_767, %swap3A_768], %swap3A_771 {strides = array<i32>} : memref<208x64xf32, #tpu.memory_space<vmem>>, vector<1x16xf32>,
        %scan3A_772 = arith.constant 5 : i32
        %scan3A_773 = arith.addi %scan3A_585, %scan3A_772 : i32
        %get3A_774 = arith.index_cast %scan3A_773 : i32 to index
        %get3A_775 = arith.constant 0 : index
        %get3A_776 = tpu.vector_load %arg8[%get3A_774, %get3A_775] {strides = array<i32>} : memref<208x128xf32, #tpu.memory_space<vmem>>, vector<1x16xf32>,
        %get3A_777 = vector.shape_cast %get3A_776 : vector<1x16xf32> to vector<16xf32>
        %swap3A_778 = arith.index_cast %scan3A_773 : i32 to index
        %swap3A_779 = arith.constant 0 : index
        %swap3A_780 = tpu.vector_load %arg10[%swap3A_778, %swap3A_779] {strides = array<i32>} : memref<208x64xf32, #tpu.memory_space<vmem>>, vector<1x16xf32>,
        %swap3A_781 = vector.shape_cast %swap3A_780 : vector<1x16xf32> to vector<16xf32>
        %swap3A_782 = vector.shape_cast %get3A_777 : vector<16xf32> to vector<1x16xf32>
        tpu.vector_store %arg10[%swap3A_778, %swap3A_779], %swap3A_782 {strides = array<i32>} : memref<208x64xf32, #tpu.memory_space<vmem>>, vector<1x16xf32>,
        %get3A_783 = arith.index_cast %scan3A_773 : i32 to index
        %get3A_784 = arith.constant 16 : index
        %get3A_785 = tpu.vector_load %arg8[%get3A_783, %get3A_784] {strides = array<i32>} : memref<208x128xf32, #tpu.memory_space<vmem>>, vector<1x16xf32>,
        %get3A_786 = vector.shape_cast %get3A_785 : vector<1x16xf32> to vector<16xf32>
        %swap3A_787 = arith.index_cast %scan3A_773 : i32 to index
        %swap3A_788 = arith.constant 16 : index
        %swap3A_789 = tpu.vector_load %arg10[%swap3A_787, %swap3A_788] {strides = array<i32>} : memref<208x64xf32, #tpu.memory_space<vmem>>, vector<1x16xf32>,
        %swap3A_790 = vector.shape_cast %swap3A_789 : vector<1x16xf32> to vector<16xf32>
        %swap3A_791 = vector.shape_cast %get3A_786 : vector<16xf32> to vector<1x16xf32>
        tpu.vector_store %arg10[%swap3A_787, %swap3A_788], %swap3A_791 {strides = array<i32>} : memref<208x64xf32, #tpu.memory_space<vmem>>, vector<1x16xf32>,
        %get3A_792 = arith.index_cast %scan3A_773 : i32 to index
        %get3A_793 = arith.constant 32 : index
        %get3A_794 = tpu.vector_load %arg8[%get3A_792, %get3A_793] {strides = array<i32>} : memref<208x128xf32, #tpu.memory_space<vmem>>, vector<1x16xf32>,
        %get3A_795 = vector.shape_cast %get3A_794 : vector<1x16xf32> to vector<16xf32>
        %swap3A_796 = arith.index_cast %scan3A_773 : i32 to index
        %swap3A_797 = arith.constant 32 : index
        %swap3A_798 = tpu.vector_load %arg10[%swap3A_796, %swap3A_797] {strides = array<i32>} : memref<208x64xf32, #tpu.memory_space<vmem>>, vector<1x16xf32>,
        %swap3A_799 = vector.shape_cast %swap3A_798 : vector<1x16xf32> to vector<16xf32>
        %swap3A_800 = vector.shape_cast %get3A_795 : vector<16xf32> to vector<1x16xf32>
        tpu.vector_store %arg10[%swap3A_796, %swap3A_797], %swap3A_800 {strides = array<i32>} : memref<208x64xf32, #tpu.memory_space<vmem>>, vector<1x16xf32>,
        %get3A_801 = arith.index_cast %scan3A_773 : i32 to index
        %get3A_802 = arith.constant 48 : index
        %get3A_803 = tpu.vector_load %arg8[%get3A_801, %get3A_802] {strides = array<i32>} : memref<208x128xf32, #tpu.memory_space<vmem>>, vector<1x16xf32>,
        %get3A_804 = vector.shape_cast %get3A_803 : vector<1x16xf32> to vector<16xf32>
        %swap3A_805 = arith.index_cast %scan3A_773 : i32 to index
        %swap3A_806 = arith.constant 48 : index
        %swap3A_807 = tpu.vector_load %arg10[%swap3A_805, %swap3A_806] {strides = array<i32>} : memref<208x64xf32, #tpu.memory_space<vmem>>, vector<1x16xf32>,
        %swap3A_808 = vector.shape_cast %swap3A_807 : vector<1x16xf32> to vector<16xf32>
        %swap3A_809 = vector.shape_cast %get3A_804 : vector<16xf32> to vector<1x16xf32>
        tpu.vector_store %arg10[%swap3A_805, %swap3A_806], %swap3A_809 {strides = array<i32>} : memref<208x64xf32, #tpu.memory_space<vmem>>, vector<1x16xf32>,
        %scan3A_810 = arith.constant 6 : i32
        %scan3A_811 = arith.addi %scan3A_585, %scan3A_810 : i32
        %get3A_812 = arith.index_cast %scan3A_811 : i32 to index
        %get3A_813 = arith.constant 0 : index
        %get3A_814 = tpu.vector_load %arg8[%get3A_812, %get3A_813] {strides = array<i32>} : memref<208x128xf32, #tpu.memory_space<vmem>>, vector<1x16xf32>,
        %get3A_815 = vector.shape_cast %get3A_814 : vector<1x16xf32> to vector<16xf32>
        %swap3A_816 = arith.index_cast %scan3A_811 : i32 to index
        %swap3A_817 = arith.constant 0 : index
        %swap3A_818 = tpu.vector_load %arg10[%swap3A_816, %swap3A_817] {strides = array<i32>} : memref<208x64xf32, #tpu.memory_space<vmem>>, vector<1x16xf32>,
        %swap3A_819 = vector.shape_cast %swap3A_818 : vector<1x16xf32> to vector<16xf32>
        %swap3A_820 = vector.shape_cast %get3A_815 : vector<16xf32> to vector<1x16xf32>
        tpu.vector_store %arg10[%swap3A_816, %swap3A_817], %swap3A_820 {strides = array<i32>} : memref<208x64xf32, #tpu.memory_space<vmem>>, vector<1x16xf32>,
        %get3A_821 = arith.index_cast %scan3A_811 : i32 to index
        %get3A_822 = arith.constant 16 : index
        %get3A_823 = tpu.vector_load %arg8[%get3A_821, %get3A_822] {strides = array<i32>} : memref<208x128xf32, #tpu.memory_space<vmem>>, vector<1x16xf32>,
        %get3A_824 = vector.shape_cast %get3A_823 : vector<1x16xf32> to vector<16xf32>
        %swap3A_825 = arith.index_cast %scan3A_811 : i32 to index
        %swap3A_826 = arith.constant 16 : index
        %swap3A_827 = tpu.vector_load %arg10[%swap3A_825, %swap3A_826] {strides = array<i32>} : memref<208x64xf32, #tpu.memory_space<vmem>>, vector<1x16xf32>,
        %swap3A_828 = vector.shape_cast %swap3A_827 : vector<1x16xf32> to vector<16xf32>
        %swap3A_829 = vector.shape_cast %get3A_824 : vector<16xf32> to vector<1x16xf32>
        tpu.vector_store %arg10[%swap3A_825, %swap3A_826], %swap3A_829 {strides = array<i32>} : memref<208x64xf32, #tpu.memory_space<vmem>>, vector<1x16xf32>,
        %get3A_830 = arith.index_cast %scan3A_811 : i32 to index
        %get3A_831 = arith.constant 32 : index
        %get3A_832 = tpu.vector_load %arg8[%get3A_830, %get3A_831] {strides = array<i32>} : memref<208x128xf32, #tpu.memory_space<vmem>>, vector<1x16xf32>,
        %get3A_833 = vector.shape_cast %get3A_832 : vector<1x16xf32> to vector<16xf32>
        %swap3A_834 = arith.index_cast %scan3A_811 : i32 to index
        %swap3A_835 = arith.constant 32 : index
        %swap3A_836 = tpu.vector_load %arg10[%swap3A_834, %swap3A_835] {strides = array<i32>} : memref<208x64xf32, #tpu.memory_space<vmem>>, vector<1x16xf32>,
        %swap3A_837 = vector.shape_cast %swap3A_836 : vector<1x16xf32> to vector<16xf32>
        %swap3A_838 = vector.shape_cast %get3A_833 : vector<16xf32> to vector<1x16xf32>
        tpu.vector_store %arg10[%swap3A_834, %swap3A_835], %swap3A_838 {strides = array<i32>} : memref<208x64xf32, #tpu.memory_space<vmem>>, vector<1x16xf32>,
        %get3A_839 = arith.index_cast %scan3A_811 : i32 to index
        %get3A_840 = arith.constant 48 : index
        %get3A_841 = tpu.vector_load %arg8[%get3A_839, %get3A_840] {strides = array<i32>} : memref<208x128xf32, #tpu.memory_space<vmem>>, vector<1x16xf32>,
        %get3A_842 = vector.shape_cast %get3A_841 : vector<1x16xf32> to vector<16xf32>
        %swap3A_843 = arith.index_cast %scan3A_811 : i32 to index
        %swap3A_844 = arith.constant 48 : index
        %swap3A_845 = tpu.vector_load %arg10[%swap3A_843, %swap3A_844] {strides = array<i32>} : memref<208x64xf32, #tpu.memory_space<vmem>>, vector<1x16xf32>,
        %swap3A_846 = vector.shape_cast %swap3A_845 : vector<1x16xf32> to vector<16xf32>
        %swap3A_847 = vector.shape_cast %get3A_842 : vector<16xf32> to vector<1x16xf32>
        tpu.vector_store %arg10[%swap3A_843, %swap3A_844], %swap3A_847 {strides = array<i32>} : memref<208x64xf32, #tpu.memory_space<vmem>>, vector<1x16xf32>,
        %scan3A_848 = arith.constant 7 : i32
        %scan3A_849 = arith.addi %scan3A_585, %scan3A_848 : i32
        %get3A_850 = arith.index_cast %scan3A_849 : i32 to index
        %get3A_851 = arith.constant 0 : index
        %get3A_852 = tpu.vector_load %arg8[%get3A_850, %get3A_851] {strides = array<i32>} : memref<208x128xf32, #tpu.memory_space<vmem>>, vector<1x16xf32>,
        %get3A_853 = vector.shape_cast %get3A_852 : vector<1x16xf32> to vector<16xf32>
        %swap3A_854 = arith.index_cast %scan3A_849 : i32 to index
        %swap3A_855 = arith.constant 0 : index
        %swap3A_856 = tpu.vector_load %arg10[%swap3A_854, %swap3A_855] {strides = array<i32>} : memref<208x64xf32, #tpu.memory_space<vmem>>, vector<1x16xf32>,
        %swap3A_857 = vector.shape_cast %swap3A_856 : vector<1x16xf32> to vector<16xf32>
        %swap3A_858 = vector.shape_cast %get3A_853 : vector<16xf32> to vector<1x16xf32>
        tpu.vector_store %arg10[%swap3A_854, %swap3A_855], %swap3A_858 {strides = array<i32>} : memref<208x64xf32, #tpu.memory_space<vmem>>, vector<1x16xf32>,
        %get3A_859 = arith.index_cast %scan3A_849 : i32 to index
        %get3A_860 = arith.constant 16 : index
        %get3A_861 = tpu.vector_load %arg8[%get3A_859, %get3A_860] {strides = array<i32>} : memref<208x128xf32, #tpu.memory_space<vmem>>, vector<1x16xf32>,
        %get3A_862 = vector.shape_cast %get3A_861 : vector<1x16xf32> to vector<16xf32>
        %swap3A_863 = arith.index_cast %scan3A_849 : i32 to index
        %swap3A_864 = arith.constant 16 : index
        %swap3A_865 = tpu.vector_load %arg10[%swap3A_863, %swap3A_864] {strides = array<i32>} : memref<208x64xf32, #tpu.memory_space<vmem>>, vector<1x16xf32>,
        %swap3A_866 = vector.shape_cast %swap3A_865 : vector<1x16xf32> to vector<16xf32>
        %swap3A_867 = vector.shape_cast %get3A_862 : vector<16xf32> to vector<1x16xf32>
        tpu.vector_store %arg10[%swap3A_863, %swap3A_864], %swap3A_867 {strides = array<i32>} : memref<208x64xf32, #tpu.memory_space<vmem>>, vector<1x16xf32>,
        %get3A_868 = arith.index_cast %scan3A_849 : i32 to index
        %get3A_869 = arith.constant 32 : index
        %get3A_870 = tpu.vector_load %arg8[%get3A_868, %get3A_869] {strides = array<i32>} : memref<208x128xf32, #tpu.memory_space<vmem>>, vector<1x16xf32>,
        %get3A_871 = vector.shape_cast %get3A_870 : vector<1x16xf32> to vector<16xf32>
        %swap3A_872 = arith.index_cast %scan3A_849 : i32 to index
        %swap3A_873 = arith.constant 32 : index
        %swap3A_874 = tpu.vector_load %arg10[%swap3A_872, %swap3A_873] {strides = array<i32>} : memref<208x64xf32, #tpu.memory_space<vmem>>, vector<1x16xf32>,
        %swap3A_875 = vector.shape_cast %swap3A_874 : vector<1x16xf32> to vector<16xf32>
        %swap3A_876 = vector.shape_cast %get3A_871 : vector<16xf32> to vector<1x16xf32>
        tpu.vector_store %arg10[%swap3A_872, %swap3A_873], %swap3A_876 {strides = array<i32>} : memref<208x64xf32, #tpu.memory_space<vmem>>, vector<1x16xf32>,
        %get3A_877 = arith.index_cast %scan3A_849 : i32 to index
        %get3A_878 = arith.constant 48 : index
        %get3A_879 = tpu.vector_load %arg8[%get3A_877, %get3A_878] {strides = array<i32>} : memref<208x128xf32, #tpu.memory_space<vmem>>, vector<1x16xf32>,
        %get3A_880 = vector.shape_cast %get3A_879 : vector<1x16xf32> to vector<16xf32>
        %swap3A_881 = arith.index_cast %scan3A_849 : i32 to index
        %swap3A_882 = arith.constant 48 : index
        %swap3A_883 = tpu.vector_load %arg10[%swap3A_881, %swap3A_882] {strides = array<i32>} : memref<208x64xf32, #tpu.memory_space<vmem>>, vector<1x16xf32>,
        %swap3A_884 = vector.shape_cast %swap3A_883 : vector<1x16xf32> to vector<16xf32>
        %swap3A_885 = vector.shape_cast %get3A_880 : vector<16xf32> to vector<1x16xf32>
        tpu.vector_store %arg10[%swap3A_881, %swap3A_882], %swap3A_885 {strides = array<i32>} : memref<208x64xf32, #tpu.memory_space<vmem>>, vector<1x16xf32>,
      }
      %scan3A_448 = arith.constant 208 : i32
      %mul3A_449 = arith.constant 8 : i32
      %mul3A_450 = arith.muli %add3A_434, %mul3A_449 : i32
      %add3A_451 = arith.addi %mul3A_2, %mul3A_450 : i32
      %add3A_452 = arith.constant 0 : i32
      %add3A_453 = arith.addi %add3A_451, %add3A_452 : i32
      %dma_start3A_454 = arith.constant 0 : i32
      %dma_start3A_455 = arith.constant 0 : i32
      %dma_start3A_456 = tpu.memref_slice %arg10[%dma_start3A_454, %dma_start3A_455] : memref<208x64xf32, #tpu.memory_space<vmem>> -> memref<26x64xf32, #tpu.memory_space<vmem>>
      %dma_start3A_457 = arith.constant 0 : i32
      %dma_start3A_458 = arith.constant 0 : i32
      %dma_start3A_459 = tpu.memref_slice %arg4[%add3A_453, %dma_start3A_457, %dma_start3A_458] : memref<16384x26x64xf32, #tpu.memory_space<hbm>> -> memref<1x26x64xf32, #tpu.memory_space<hbm>>
      %dma_start3A_460 = tpu.memref_squeeze %dma_start3A_459 : memref<1x26x64xf32, #tpu.memory_space<hbm>> -> memref<26x64xf32, #tpu.memory_space<hbm>>
      %dma_start3A_461 = arith.constant 0 : i32
      %dma_start3A_462 = arith.constant 0 : i32
      %dma_start3A_463 = tpu.memref_slice %arg4[%add3A_453, %dma_start3A_461, %dma_start3A_462] : memref<16384x26x64xf32, #tpu.memory_space<hbm>> -> memref<1x26x64xf32, #tpu.memory_space<hbm>>
      %dma_start3A_464 = tpu.memref_squeeze %dma_start3A_463 : memref<1x26x64xf32, #tpu.memory_space<hbm>> -> memref<26x64xf32, #tpu.memory_space<hbm>>
      %dma_start3A_465 = arith.constant 0 : i32
      %dma_start3A_466 = arith.constant 0 : i32
      %dma_start3A_467 = tpu.memref_slice %arg10[%dma_start3A_465, %dma_start3A_466] : memref<208x64xf32, #tpu.memory_space<vmem>> -> memref<26x64xf32, #tpu.memory_space<vmem>>
      tpu.enqueue_dma source(%dma_start3A_467 : memref<26x64xf32, #tpu.memory_space<vmem>>) target(%dma_start3A_464 : memref<26x64xf32, #tpu.memory_space<hbm>>) target_semaphore(%arg14 : memref<!tpu.dma_semaphore, #tpu.memory_space<semaphore_mem>>)
      %add3A_468 = arith.constant 1 : i32
      %add3A_469 = arith.addi %add3A_451, %add3A_468 : i32
      %dma_start3A_470 = arith.constant 26 : i32
      %dma_start3A_471 = arith.constant 0 : i32
      %dma_start3A_472 = tpu.memref_slice %arg10[%dma_start3A_470, %dma_start3A_471] : memref<208x64xf32, #tpu.memory_space<vmem>> -> memref<26x64xf32, #tpu.memory_space<vmem>>
      %dma_start3A_473 = arith.constant 0 : i32
      %dma_start3A_474 = arith.constant 0 : i32
      %dma_start3A_475 = tpu.memref_slice %arg4[%add3A_469, %dma_start3A_473, %dma_start3A_474] : memref<16384x26x64xf32, #tpu.memory_space<hbm>> -> memref<1x26x64xf32, #tpu.memory_space<hbm>>
      %dma_start3A_476 = tpu.memref_squeeze %dma_start3A_475 : memref<1x26x64xf32, #tpu.memory_space<hbm>> -> memref<26x64xf32, #tpu.memory_space<hbm>>
      %dma_start3A_477 = arith.constant 0 : i32
      %dma_start3A_478 = arith.constant 0 : i32
      %dma_start3A_479 = tpu.memref_slice %arg4[%add3A_469, %dma_start3A_477, %dma_start3A_478] : memref<16384x26x64xf32, #tpu.memory_space<hbm>> -> memref<1x26x64xf32, #tpu.memory_space<hbm>>
      %dma_start3A_480 = tpu.memref_squeeze %dma_start3A_479 : memref<1x26x64xf32, #tpu.memory_space<hbm>> -> memref<26x64xf32, #tpu.memory_space<hbm>>
      %dma_start3A_481 = arith.constant 26 : i32
      %dma_start3A_482 = arith.constant 0 : i32
      %dma_start3A_483 = tpu.memref_slice %arg10[%dma_start3A_481, %dma_start3A_482] : memref<208x64xf32, #tpu.memory_space<vmem>> -> memref<26x64xf32, #tpu.memory_space<vmem>>
      tpu.enqueue_dma source(%dma_start3A_483 : memref<26x64xf32, #tpu.memory_space<vmem>>) target(%dma_start3A_480 : memref<26x64xf32, #tpu.memory_space<hbm>>) target_semaphore(%arg14 : memref<!tpu.dma_semaphore, #tpu.memory_space<semaphore_mem>>)
      %add3A_484 = arith.constant 2 : i32
      %add3A_485 = arith.addi %add3A_451, %add3A_484 : i32
      %dma_start3A_486 = arith.constant 52 : i32
      %dma_start3A_487 = arith.constant 0 : i32
      %dma_start3A_488 = tpu.memref_slice %arg10[%dma_start3A_486, %dma_start3A_487] : memref<208x64xf32, #tpu.memory_space<vmem>> -> memref<26x64xf32, #tpu.memory_space<vmem>>
      %dma_start3A_489 = arith.constant 0 : i32
      %dma_start3A_490 = arith.constant 0 : i32
      %dma_start3A_491 = tpu.memref_slice %arg4[%add3A_485, %dma_start3A_489, %dma_start3A_490] : memref<16384x26x64xf32, #tpu.memory_space<hbm>> -> memref<1x26x64xf32, #tpu.memory_space<hbm>>
      %dma_start3A_492 = tpu.memref_squeeze %dma_start3A_491 : memref<1x26x64xf32, #tpu.memory_space<hbm>> -> memref<26x64xf32, #tpu.memory_space<hbm>>
      %dma_start3A_493 = arith.constant 0 : i32
      %dma_start3A_494 = arith.constant 0 : i32
      %dma_start3A_495 = tpu.memref_slice %arg4[%add3A_485, %dma_start3A_493, %dma_start3A_494] : memref<16384x26x64xf32, #tpu.memory_space<hbm>> -> memref<1x26x64xf32, #tpu.memory_space<hbm>>
      %dma_start3A_496 = tpu.memref_squeeze %dma_start3A_495 : memref<1x26x64xf32, #tpu.memory_space<hbm>> -> memref<26x64xf32, #tpu.memory_space<hbm>>
      %dma_start3A_497 = arith.constant 52 : i32
      %dma_start3A_498 = arith.constant 0 : i32
      %dma_start3A_499 = tpu.memref_slice %arg10[%dma_start3A_497, %dma_start3A_498] : memref<208x64xf32, #tpu.memory_space<vmem>> -> memref<26x64xf32, #tpu.memory_space<vmem>>
      tpu.enqueue_dma source(%dma_start3A_499 : memref<26x64xf32, #tpu.memory_space<vmem>>) target(%dma_start3A_496 : memref<26x64xf32, #tpu.memory_space<hbm>>) target_semaphore(%arg14 : memref<!tpu.dma_semaphore, #tpu.memory_space<semaphore_mem>>)
      %add3A_500 = arith.constant 3 : i32
      %add3A_501 = arith.addi %add3A_451, %add3A_500 : i32
      %dma_start3A_502 = arith.constant 78 : i32
      %dma_start3A_503 = arith.constant 0 : i32
      %dma_start3A_504 = tpu.memref_slice %arg10[%dma_start3A_502, %dma_start3A_503] : memref<208x64xf32, #tpu.memory_space<vmem>> -> memref<26x64xf32, #tpu.memory_space<vmem>>
      %dma_start3A_505 = arith.constant 0 : i32
      %dma_start3A_506 = arith.constant 0 : i32
      %dma_start3A_507 = tpu.memref_slice %arg4[%add3A_501, %dma_start3A_505, %dma_start3A_506] : memref<16384x26x64xf32, #tpu.memory_space<hbm>> -> memref<1x26x64xf32, #tpu.memory_space<hbm>>
      %dma_start3A_508 = tpu.memref_squeeze %dma_start3A_507 : memref<1x26x64xf32, #tpu.memory_space<hbm>> -> memref<26x64xf32, #tpu.memory_space<hbm>>
      %dma_start3A_509 = arith.constant 0 : i32
      %dma_start3A_510 = arith.constant 0 : i32
      %dma_start3A_511 = tpu.memref_slice %arg4[%add3A_501, %dma_start3A_509, %dma_start3A_510] : memref<16384x26x64xf32, #tpu.memory_space<hbm>> -> memref<1x26x64xf32, #tpu.memory_space<hbm>>
      %dma_start3A_512 = tpu.memref_squeeze %dma_start3A_511 : memref<1x26x64xf32, #tpu.memory_space<hbm>> -> memref<26x64xf32, #tpu.memory_space<hbm>>
      %dma_start3A_513 = arith.constant 78 : i32
      %dma_start3A_514 = arith.constant 0 : i32
      %dma_start3A_515 = tpu.memref_slice %arg10[%dma_start3A_513, %dma_start3A_514] : memref<208x64xf32, #tpu.memory_space<vmem>> -> memref<26x64xf32, #tpu.memory_space<vmem>>
      tpu.enqueue_dma source(%dma_start3A_515 : memref<26x64xf32, #tpu.memory_space<vmem>>) target(%dma_start3A_512 : memref<26x64xf32, #tpu.memory_space<hbm>>) target_semaphore(%arg14 : memref<!tpu.dma_semaphore, #tpu.memory_space<semaphore_mem>>)
      %add3A_516 = arith.constant 4 : i32
      %add3A_517 = arith.addi %add3A_451, %add3A_516 : i32
      %dma_start3A_518 = arith.constant 104 : i32
      %dma_start3A_519 = arith.constant 0 : i32
      %dma_start3A_520 = tpu.memref_slice %arg10[%dma_start3A_518, %dma_start3A_519] : memref<208x64xf32, #tpu.memory_space<vmem>> -> memref<26x64xf32, #tpu.memory_space<vmem>>
      %dma_start3A_521 = arith.constant 0 : i32
      %dma_start3A_522 = arith.constant 0 : i32
      %dma_start3A_523 = tpu.memref_slice %arg4[%add3A_517, %dma_start3A_521, %dma_start3A_522] : memref<16384x26x64xf32, #tpu.memory_space<hbm>> -> memref<1x26x64xf32, #tpu.memory_space<hbm>>
      %dma_start3A_524 = tpu.memref_squeeze %dma_start3A_523 : memref<1x26x64xf32, #tpu.memory_space<hbm>> -> memref<26x64xf32, #tpu.memory_space<hbm>>
      %dma_start3A_525 = arith.constant 0 : i32
      %dma_start3A_526 = arith.constant 0 : i32
      %dma_start3A_527 = tpu.memref_slice %arg4[%add3A_517, %dma_start3A_525, %dma_start3A_526] : memref<16384x26x64xf32, #tpu.memory_space<hbm>> -> memref<1x26x64xf32, #tpu.memory_space<hbm>>
      %dma_start3A_528 = tpu.memref_squeeze %dma_start3A_527 : memref<1x26x64xf32, #tpu.memory_space<hbm>> -> memref<26x64xf32, #tpu.memory_space<hbm>>
      %dma_start3A_529 = arith.constant 104 : i32
      %dma_start3A_530 = arith.constant 0 : i32
      %dma_start3A_531 = tpu.memref_slice %arg10[%dma_start3A_529, %dma_start3A_530] : memref<208x64xf32, #tpu.memory_space<vmem>> -> memref<26x64xf32, #tpu.memory_space<vmem>>
      tpu.enqueue_dma source(%dma_start3A_531 : memref<26x64xf32, #tpu.memory_space<vmem>>) target(%dma_start3A_528 : memref<26x64xf32, #tpu.memory_space<hbm>>) target_semaphore(%arg14 : memref<!tpu.dma_semaphore, #tpu.memory_space<semaphore_mem>>)
      %add3A_532 = arith.constant 5 : i32
      %add3A_533 = arith.addi %add3A_451, %add3A_532 : i32
      %dma_start3A_534 = arith.constant 130 : i32
      %dma_start3A_535 = arith.constant 0 : i32
      %dma_start3A_536 = tpu.memref_slice %arg10[%dma_start3A_534, %dma_start3A_535] : memref<208x64xf32, #tpu.memory_space<vmem>> -> memref<26x64xf32, #tpu.memory_space<vmem>>
      %dma_start3A_537 = arith.constant 0 : i32
      %dma_start3A_538 = arith.constant 0 : i32
      %dma_start3A_539 = tpu.memref_slice %arg4[%add3A_533, %dma_start3A_537, %dma_start3A_538] : memref<16384x26x64xf32, #tpu.memory_space<hbm>> -> memref<1x26x64xf32, #tpu.memory_space<hbm>>
      %dma_start3A_540 = tpu.memref_squeeze %dma_start3A_539 : memref<1x26x64xf32, #tpu.memory_space<hbm>> -> memref<26x64xf32, #tpu.memory_space<hbm>>
      %dma_start3A_541 = arith.constant 0 : i32
      %dma_start3A_542 = arith.constant 0 : i32
      %dma_start3A_543 = tpu.memref_slice %arg4[%add3A_533, %dma_start3A_541, %dma_start3A_542] : memref<16384x26x64xf32, #tpu.memory_space<hbm>> -> memref<1x26x64xf32, #tpu.memory_space<hbm>>
      %dma_start3A_544 = tpu.memref_squeeze %dma_start3A_543 : memref<1x26x64xf32, #tpu.memory_space<hbm>> -> memref<26x64xf32, #tpu.memory_space<hbm>>
      %dma_start3A_545 = arith.constant 130 : i32
      %dma_start3A_546 = arith.constant 0 : i32
      %dma_start3A_547 = tpu.memref_slice %arg10[%dma_start3A_545, %dma_start3A_546] : memref<208x64xf32, #tpu.memory_space<vmem>> -> memref<26x64xf32, #tpu.memory_space<vmem>>
      tpu.enqueue_dma source(%dma_start3A_547 : memref<26x64xf32, #tpu.memory_space<vmem>>) target(%dma_start3A_544 : memref<26x64xf32, #tpu.memory_space<hbm>>) target_semaphore(%arg14 : memref<!tpu.dma_semaphore, #tpu.memory_space<semaphore_mem>>)
      %add3A_548 = arith.constant 6 : i32
      %add3A_549 = arith.addi %add3A_451, %add3A_548 : i32
      %dma_start3A_550 = arith.constant 156 : i32
      %dma_start3A_551 = arith.constant 0 : i32
      %dma_start3A_552 = tpu.memref_slice %arg10[%dma_start3A_550, %dma_start3A_551] : memref<208x64xf32, #tpu.memory_space<vmem>> -> memref<26x64xf32, #tpu.memory_space<vmem>>
      %dma_start3A_553 = arith.constant 0 : i32
      %dma_start3A_554 = arith.constant 0 : i32
      %dma_start3A_555 = tpu.memref_slice %arg4[%add3A_549, %dma_start3A_553, %dma_start3A_554] : memref<16384x26x64xf32, #tpu.memory_space<hbm>> -> memref<1x26x64xf32, #tpu.memory_space<hbm>>
      %dma_start3A_556 = tpu.memref_squeeze %dma_start3A_555 : memref<1x26x64xf32, #tpu.memory_space<hbm>> -> memref<26x64xf32, #tpu.memory_space<hbm>>
      %dma_start3A_557 = arith.constant 0 : i32
      %dma_start3A_558 = arith.constant 0 : i32
      %dma_start3A_559 = tpu.memref_slice %arg4[%add3A_549, %dma_start3A_557, %dma_start3A_558] : memref<16384x26x64xf32, #tpu.memory_space<hbm>> -> memref<1x26x64xf32, #tpu.memory_space<hbm>>
      %dma_start3A_560 = tpu.memref_squeeze %dma_start3A_559 : memref<1x26x64xf32, #tpu.memory_space<hbm>> -> memref<26x64xf32, #tpu.memory_space<hbm>>
      %dma_start3A_561 = arith.constant 156 : i32
      %dma_start3A_562 = arith.constant 0 : i32
      %dma_start3A_563 = tpu.memref_slice %arg10[%dma_start3A_561, %dma_start3A_562] : memref<208x64xf32, #tpu.memory_space<vmem>> -> memref<26x64xf32, #tpu.memory_space<vmem>>
      tpu.enqueue_dma source(%dma_start3A_563 : memref<26x64xf32, #tpu.memory_space<vmem>>) target(%dma_start3A_560 : memref<26x64xf32, #tpu.memory_space<hbm>>) target_semaphore(%arg14 : memref<!tpu.dma_semaphore, #tpu.memory_space<semaphore_mem>>)
      %add3A_564 = arith.constant 7 : i32
      %add3A_565 = arith.addi %add3A_451, %add3A_564 : i32
      %dma_start3A_566 = arith.constant 182 : i32
      %dma_start3A_567 = arith.constant 0 : i32
      %dma_start3A_568 = tpu.memref_slice %arg10[%dma_start3A_566, %dma_start3A_567] : memref<208x64xf32, #tpu.memory_space<vmem>> -> memref<26x64xf32, #tpu.memory_space<vmem>>
      %dma_start3A_569 = arith.constant 0 : i32
      %dma_start3A_570 = arith.constant 0 : i32
      %dma_start3A_571 = tpu.memref_slice %arg4[%add3A_565, %dma_start3A_569, %dma_start3A_570] : memref<16384x26x64xf32, #tpu.memory_space<hbm>> -> memref<1x26x64xf32, #tpu.memory_space<hbm>>
      %dma_start3A_572 = tpu.memref_squeeze %dma_start3A_571 : memref<1x26x64xf32, #tpu.memory_space<hbm>> -> memref<26x64xf32, #tpu.memory_space<hbm>>
      %dma_start3A_573 = arith.constant 0 : i32
      %dma_start3A_574 = arith.constant 0 : i32
      %dma_start3A_575 = tpu.memref_slice %arg4[%add3A_565, %dma_start3A_573, %dma_start3A_574] : memref<16384x26x64xf32, #tpu.memory_space<hbm>> -> memref<1x26x64xf32, #tpu.memory_space<hbm>>
      %dma_start3A_576 = tpu.memref_squeeze %dma_start3A_575 : memref<1x26x64xf32, #tpu.memory_space<hbm>> -> memref<26x64xf32, #tpu.memory_space<hbm>>
      %dma_start3A_577 = arith.constant 182 : i32
      %dma_start3A_578 = arith.constant 0 : i32
      %dma_start3A_579 = tpu.memref_slice %arg10[%dma_start3A_577, %dma_start3A_578] : memref<208x64xf32, #tpu.memory_space<vmem>> -> memref<26x64xf32, #tpu.memory_space<vmem>>
      tpu.enqueue_dma source(%dma_start3A_579 : memref<26x64xf32, #tpu.memory_space<vmem>>) target(%dma_start3A_576 : memref<26x64xf32, #tpu.memory_space<hbm>>) target_semaphore(%arg14 : memref<!tpu.dma_semaphore, #tpu.memory_space<semaphore_mem>>)
      %lt3A_580 = arith.constant 31 : i32
      %lt3A_581 = arith.cmpi slt, %scan3A_280, %lt3A_580 : i32
      %convert_element_type3A_582 = arith.extui %lt3A_581 : i1 to i32
      %cond3A_583 = arith.constant 0 : i32
      %cond3A_584 = arith.cmpi ne, %convert_element_type3A_582, %cond3A_583 : i32
      scf.if %cond3A_584 {
        %add3A_585 = arith.constant 2 : i32
        %add3A_586 = arith.addi %add3A_434, %add3A_585 : i32
        %mul3A_587 = arith.constant 8 : i32
        %mul3A_588 = arith.muli %add3A_586, %mul3A_587 : i32
        %add3A_589 = arith.addi %mul3A_2, %mul3A_588 : i32
        %mul3A_590 = arith.constant 26 : i32
        %mul3A_591 = arith.muli %add3A_589, %mul3A_590 : i32
        "tpu.region"() ({
          %run_scoped3A = tpu.sem_alloc : memref<!tpu.dma_semaphore, #tpu.memory_space<semaphore_mem>>
          %dma_start3A_595 = tpu.memref_slice %arg2[%mul3A_591] : memref<425984xi32, #tpu.memory_space<hbm>> -> memref<208xi32, #tpu.memory_space<hbm>>
          %dma_start3A_596 = tpu.memref_slice %arg2[%mul3A_591] : memref<425984xi32, #tpu.memory_space<hbm>> -> memref<208xi32, #tpu.memory_space<hbm>>
          tpu.enqueue_dma source(%dma_start3A_596 : memref<208xi32, #tpu.memory_space<hbm>>) target(%arg6 : memref<208xi32, #tpu.memory_space<vmem>>) target_semaphore(%run_scoped3A : memref<!tpu.dma_semaphore, #tpu.memory_space<semaphore_mem>>)
          %dma_wait3A_597 = tpu.memref_slice %arg2[%mul3A_591] : memref<425984xi32, #tpu.memory_space<hbm>> -> memref<208xi32, #tpu.memory_space<hbm>>
          %dma_wait3A_598 = tpu.memref_slice %arg2[%mul3A_591] : memref<425984xi32, #tpu.memory_space<hbm>> -> memref<208xi32, #tpu.memory_space<hbm>>
          tpu.wait_dma2 semaphore(%run_scoped3A : memref<!tpu.dma_semaphore, #tpu.memory_space<semaphore_mem>>) src(%dma_wait3A_598 : memref<208xi32, #tpu.memory_space<hbm>>) dst(%arg6 : memref<208xi32, #tpu.memory_space<vmem>>)
          tpu.yield
        }) : () -> ()
        %dma_start3A_592 = arith.constant 0 : i32
        %dma_start3A_593 = arith.constant 0 : i32
        %dma_start3A_594 = tpu.memref_slice %arg3[%dma_start3A_592, %dma_start3A_593] : memref<1000000x128xf32, #tpu.memory_space<hbm>> -> memref<1000000x128xf32, #tpu.memory_space<hbm>>
        tpu.enqueue_indirect_dma source(%dma_start3A_594 : memref<1000000x128xf32, #tpu.memory_space<hbm>>) target(%arg8 : memref<208x128xf32, #tpu.memory_space<vmem>>) offsets(%arg6 : memref<208xi32, #tpu.memory_space<vmem>>) semaphore(%arg12 : memref<!tpu.dma_semaphore, #tpu.memory_space<semaphore_mem>>)
      } else {
      }
    }
    %scan3A_20 = arith.constant 32 : i32
    %add3A_21 = arith.constant 0 : i32
    %add3A_22 = arith.addi %mul3A_2, %add3A_21 : i32
    %add3A_23 = arith.constant 0 : i32
    %add3A_24 = arith.addi %add3A_22, %add3A_23 : i32
    %dma_wait3A = arith.constant 0 : i32
    %dma_wait3A_25 = arith.constant 0 : i32
    %dma_wait3A_26 = tpu.memref_slice %arg9[%dma_wait3A, %dma_wait3A_25] : memref<208x64xf32, #tpu.memory_space<vmem>> -> memref<26x64xf32, #tpu.memory_space<vmem>>
    %dma_wait3A_27 = arith.constant 0 : i32
    %dma_wait3A_28 = arith.constant 0 : i32
    %dma_wait3A_29 = tpu.memref_slice %arg4[%add3A_24, %dma_wait3A_27, %dma_wait3A_28] : memref<16384x26x64xf32, #tpu.memory_space<hbm>> -> memref<1x26x64xf32, #tpu.memory_space<hbm>>
    %dma_wait3A_30 = tpu.memref_squeeze %dma_wait3A_29 : memref<1x26x64xf32, #tpu.memory_space<hbm>> -> memref<26x64xf32, #tpu.memory_space<hbm>>
    %dma_wait3A_31 = arith.constant 0 : i32
    %dma_wait3A_32 = arith.constant 0 : i32
    %dma_wait3A_33 = tpu.memref_slice %arg4[%add3A_24, %dma_wait3A_31, %dma_wait3A_32] : memref<16384x26x64xf32, #tpu.memory_space<hbm>> -> memref<1x26x64xf32, #tpu.memory_space<hbm>>
    %dma_wait3A_34 = tpu.memref_squeeze %dma_wait3A_33 : memref<1x26x64xf32, #tpu.memory_space<hbm>> -> memref<26x64xf32, #tpu.memory_space<hbm>>
    %dma_wait3A_35 = arith.constant 0 : i32
    %dma_wait3A_36 = arith.constant 0 : i32
    %dma_wait3A_37 = tpu.memref_slice %arg9[%dma_wait3A_35, %dma_wait3A_36] : memref<208x64xf32, #tpu.memory_space<vmem>> -> memref<26x64xf32, #tpu.memory_space<vmem>>
    tpu.wait_dma2 semaphore(%arg13 : memref<!tpu.dma_semaphore, #tpu.memory_space<semaphore_mem>>) src(%dma_wait3A_37 : memref<26x64xf32, #tpu.memory_space<vmem>>) dst(%dma_wait3A_34 : memref<26x64xf32, #tpu.memory_space<hbm>>)
    %add3A_38 = arith.constant 1 : i32
    %add3A_39 = arith.addi %add3A_22, %add3A_38 : i32
    %dma_wait3A_40 = arith.constant 26 : i32
    %dma_wait3A_41 = arith.constant 0 : i32
    %dma_wait3A_42 = tpu.memref_slice %arg9[%dma_wait3A_40, %dma_wait3A_41] : memref<208x64xf32, #tpu.memory_space<vmem>> -> memref<26x64xf32, #tpu.memory_space<vmem>>
    %dma_wait3A_43 = arith.constant 0 : i32
    %dma_wait3A_44 = arith.constant 0 : i32
    %dma_wait3A_45 = tpu.memref_slice %arg4[%add3A_39, %dma_wait3A_43, %dma_wait3A_44] : memref<16384x26x64xf32, #tpu.memory_space<hbm>> -> memref<1x26x64xf32, #tpu.memory_space<hbm>>
    %dma_wait3A_46 = tpu.memref_squeeze %dma_wait3A_45 : memref<1x26x64xf32, #tpu.memory_space<hbm>> -> memref<26x64xf32, #tpu.memory_space<hbm>>
    %dma_wait3A_47 = arith.constant 0 : i32
    %dma_wait3A_48 = arith.constant 0 : i32
    %dma_wait3A_49 = tpu.memref_slice %arg4[%add3A_39, %dma_wait3A_47, %dma_wait3A_48] : memref<16384x26x64xf32, #tpu.memory_space<hbm>> -> memref<1x26x64xf32, #tpu.memory_space<hbm>>
    %dma_wait3A_50 = tpu.memref_squeeze %dma_wait3A_49 : memref<1x26x64xf32, #tpu.memory_space<hbm>> -> memref<26x64xf32, #tpu.memory_space<hbm>>
    %dma_wait3A_51 = arith.constant 26 : i32
    %dma_wait3A_52 = arith.constant 0 : i32
    %dma_wait3A_53 = tpu.memref_slice %arg9[%dma_wait3A_51, %dma_wait3A_52] : memref<208x64xf32, #tpu.memory_space<vmem>> -> memref<26x64xf32, #tpu.memory_space<vmem>>
    tpu.wait_dma2 semaphore(%arg13 : memref<!tpu.dma_semaphore, #tpu.memory_space<semaphore_mem>>) src(%dma_wait3A_53 : memref<26x64xf32, #tpu.memory_space<vmem>>) dst(%dma_wait3A_50 : memref<26x64xf32, #tpu.memory_space<hbm>>)
    %add3A_54 = arith.constant 2 : i32
    %add3A_55 = arith.addi %add3A_22, %add3A_54 : i32
    %dma_wait3A_56 = arith.constant 52 : i32
    %dma_wait3A_57 = arith.constant 0 : i32
    %dma_wait3A_58 = tpu.memref_slice %arg9[%dma_wait3A_56, %dma_wait3A_57] : memref<208x64xf32, #tpu.memory_space<vmem>> -> memref<26x64xf32, #tpu.memory_space<vmem>>
    %dma_wait3A_59 = arith.constant 0 : i32
    %dma_wait3A_60 = arith.constant 0 : i32
    %dma_wait3A_61 = tpu.memref_slice %arg4[%add3A_55, %dma_wait3A_59, %dma_wait3A_60] : memref<16384x26x64xf32, #tpu.memory_space<hbm>> -> memref<1x26x64xf32, #tpu.memory_space<hbm>>
    %dma_wait3A_62 = tpu.memref_squeeze %dma_wait3A_61 : memref<1x26x64xf32, #tpu.memory_space<hbm>> -> memref<26x64xf32, #tpu.memory_space<hbm>>
    %dma_wait3A_63 = arith.constant 0 : i32
    %dma_wait3A_64 = arith.constant 0 : i32
    %dma_wait3A_65 = tpu.memref_slice %arg4[%add3A_55, %dma_wait3A_63, %dma_wait3A_64] : memref<16384x26x64xf32, #tpu.memory_space<hbm>> -> memref<1x26x64xf32, #tpu.memory_space<hbm>>
    %dma_wait3A_66 = tpu.memref_squeeze %dma_wait3A_65 : memref<1x26x64xf32, #tpu.memory_space<hbm>> -> memref<26x64xf32, #tpu.memory_space<hbm>>
    %dma_wait3A_67 = arith.constant 52 : i32
    %dma_wait3A_68 = arith.constant 0 : i32
    %dma_wait3A_69 = tpu.memref_slice %arg9[%dma_wait3A_67, %dma_wait3A_68] : memref<208x64xf32, #tpu.memory_space<vmem>> -> memref<26x64xf32, #tpu.memory_space<vmem>>
    tpu.wait_dma2 semaphore(%arg13 : memref<!tpu.dma_semaphore, #tpu.memory_space<semaphore_mem>>) src(%dma_wait3A_69 : memref<26x64xf32, #tpu.memory_space<vmem>>) dst(%dma_wait3A_66 : memref<26x64xf32, #tpu.memory_space<hbm>>)
    %add3A_70 = arith.constant 3 : i32
    %add3A_71 = arith.addi %add3A_22, %add3A_70 : i32
    %dma_wait3A_72 = arith.constant 78 : i32
    %dma_wait3A_73 = arith.constant 0 : i32
    %dma_wait3A_74 = tpu.memref_slice %arg9[%dma_wait3A_72, %dma_wait3A_73] : memref<208x64xf32, #tpu.memory_space<vmem>> -> memref<26x64xf32, #tpu.memory_space<vmem>>
    %dma_wait3A_75 = arith.constant 0 : i32
    %dma_wait3A_76 = arith.constant 0 : i32
    %dma_wait3A_77 = tpu.memref_slice %arg4[%add3A_71, %dma_wait3A_75, %dma_wait3A_76] : memref<16384x26x64xf32, #tpu.memory_space<hbm>> -> memref<1x26x64xf32, #tpu.memory_space<hbm>>
    %dma_wait3A_78 = tpu.memref_squeeze %dma_wait3A_77 : memref<1x26x64xf32, #tpu.memory_space<hbm>> -> memref<26x64xf32, #tpu.memory_space<hbm>>
    %dma_wait3A_79 = arith.constant 0 : i32
    %dma_wait3A_80 = arith.constant 0 : i32
    %dma_wait3A_81 = tpu.memref_slice %arg4[%add3A_71, %dma_wait3A_79, %dma_wait3A_80] : memref<16384x26x64xf32, #tpu.memory_space<hbm>> -> memref<1x26x64xf32, #tpu.memory_space<hbm>>
    %dma_wait3A_82 = tpu.memref_squeeze %dma_wait3A_81 : memref<1x26x64xf32, #tpu.memory_space<hbm>> -> memref<26x64xf32, #tpu.memory_space<hbm>>
    %dma_wait3A_83 = arith.constant 78 : i32
    %dma_wait3A_84 = arith.constant 0 : i32
    %dma_wait3A_85 = tpu.memref_slice %arg9[%dma_wait3A_83, %dma_wait3A_84] : memref<208x64xf32, #tpu.memory_space<vmem>> -> memref<26x64xf32, #tpu.memory_space<vmem>>
    tpu.wait_dma2 semaphore(%arg13 : memref<!tpu.dma_semaphore, #tpu.memory_space<semaphore_mem>>) src(%dma_wait3A_85 : memref<26x64xf32, #tpu.memory_space<vmem>>) dst(%dma_wait3A_82 : memref<26x64xf32, #tpu.memory_space<hbm>>)
    %add3A_86 = arith.constant 4 : i32
    %add3A_87 = arith.addi %add3A_22, %add3A_86 : i32
    %dma_wait3A_88 = arith.constant 104 : i32
    %dma_wait3A_89 = arith.constant 0 : i32
    %dma_wait3A_90 = tpu.memref_slice %arg9[%dma_wait3A_88, %dma_wait3A_89] : memref<208x64xf32, #tpu.memory_space<vmem>> -> memref<26x64xf32, #tpu.memory_space<vmem>>
    %dma_wait3A_91 = arith.constant 0 : i32
    %dma_wait3A_92 = arith.constant 0 : i32
    %dma_wait3A_93 = tpu.memref_slice %arg4[%add3A_87, %dma_wait3A_91, %dma_wait3A_92] : memref<16384x26x64xf32, #tpu.memory_space<hbm>> -> memref<1x26x64xf32, #tpu.memory_space<hbm>>
    %dma_wait3A_94 = tpu.memref_squeeze %dma_wait3A_93 : memref<1x26x64xf32, #tpu.memory_space<hbm>> -> memref<26x64xf32, #tpu.memory_space<hbm>>
    %dma_wait3A_95 = arith.constant 0 : i32
    %dma_wait3A_96 = arith.constant 0 : i32
    %dma_wait3A_97 = tpu.memref_slice %arg4[%add3A_87, %dma_wait3A_95, %dma_wait3A_96] : memref<16384x26x64xf32, #tpu.memory_space<hbm>> -> memref<1x26x64xf32, #tpu.memory_space<hbm>>
    %dma_wait3A_98 = tpu.memref_squeeze %dma_wait3A_97 : memref<1x26x64xf32, #tpu.memory_space<hbm>> -> memref<26x64xf32, #tpu.memory_space<hbm>>
    %dma_wait3A_99 = arith.constant 104 : i32
    %dma_wait3A_100 = arith.constant 0 : i32
    %dma_wait3A_101 = tpu.memref_slice %arg9[%dma_wait3A_99, %dma_wait3A_100] : memref<208x64xf32, #tpu.memory_space<vmem>> -> memref<26x64xf32, #tpu.memory_space<vmem>>
    tpu.wait_dma2 semaphore(%arg13 : memref<!tpu.dma_semaphore, #tpu.memory_space<semaphore_mem>>) src(%dma_wait3A_101 : memref<26x64xf32, #tpu.memory_space<vmem>>) dst(%dma_wait3A_98 : memref<26x64xf32, #tpu.memory_space<hbm>>)
    %add3A_102 = arith.constant 5 : i32
    %add3A_103 = arith.addi %add3A_22, %add3A_102 : i32
    %dma_wait3A_104 = arith.constant 130 : i32
    %dma_wait3A_105 = arith.constant 0 : i32
    %dma_wait3A_106 = tpu.memref_slice %arg9[%dma_wait3A_104, %dma_wait3A_105] : memref<208x64xf32, #tpu.memory_space<vmem>> -> memref<26x64xf32, #tpu.memory_space<vmem>>
    %dma_wait3A_107 = arith.constant 0 : i32
    %dma_wait3A_108 = arith.constant 0 : i32
    %dma_wait3A_109 = tpu.memref_slice %arg4[%add3A_103, %dma_wait3A_107, %dma_wait3A_108] : memref<16384x26x64xf32, #tpu.memory_space<hbm>> -> memref<1x26x64xf32, #tpu.memory_space<hbm>>
    %dma_wait3A_110 = tpu.memref_squeeze %dma_wait3A_109 : memref<1x26x64xf32, #tpu.memory_space<hbm>> -> memref<26x64xf32, #tpu.memory_space<hbm>>
    %dma_wait3A_111 = arith.constant 0 : i32
    %dma_wait3A_112 = arith.constant 0 : i32
    %dma_wait3A_113 = tpu.memref_slice %arg4[%add3A_103, %dma_wait3A_111, %dma_wait3A_112] : memref<16384x26x64xf32, #tpu.memory_space<hbm>> -> memref<1x26x64xf32, #tpu.memory_space<hbm>>
    %dma_wait3A_114 = tpu.memref_squeeze %dma_wait3A_113 : memref<1x26x64xf32, #tpu.memory_space<hbm>> -> memref<26x64xf32, #tpu.memory_space<hbm>>
    %dma_wait3A_115 = arith.constant 130 : i32
    %dma_wait3A_116 = arith.constant 0 : i32
    %dma_wait3A_117 = tpu.memref_slice %arg9[%dma_wait3A_115, %dma_wait3A_116] : memref<208x64xf32, #tpu.memory_space<vmem>> -> memref<26x64xf32, #tpu.memory_space<vmem>>
    tpu.wait_dma2 semaphore(%arg13 : memref<!tpu.dma_semaphore, #tpu.memory_space<semaphore_mem>>) src(%dma_wait3A_117 : memref<26x64xf32, #tpu.memory_space<vmem>>) dst(%dma_wait3A_114 : memref<26x64xf32, #tpu.memory_space<hbm>>)
    %add3A_118 = arith.constant 6 : i32
    %add3A_119 = arith.addi %add3A_22, %add3A_118 : i32
    %dma_wait3A_120 = arith.constant 156 : i32
    %dma_wait3A_121 = arith.constant 0 : i32
    %dma_wait3A_122 = tpu.memref_slice %arg9[%dma_wait3A_120, %dma_wait3A_121] : memref<208x64xf32, #tpu.memory_space<vmem>> -> memref<26x64xf32, #tpu.memory_space<vmem>>
    %dma_wait3A_123 = arith.constant 0 : i32
    %dma_wait3A_124 = arith.constant 0 : i32
    %dma_wait3A_125 = tpu.memref_slice %arg4[%add3A_119, %dma_wait3A_123, %dma_wait3A_124] : memref<16384x26x64xf32, #tpu.memory_space<hbm>> -> memref<1x26x64xf32, #tpu.memory_space<hbm>>
    %dma_wait3A_126 = tpu.memref_squeeze %dma_wait3A_125 : memref<1x26x64xf32, #tpu.memory_space<hbm>> -> memref<26x64xf32, #tpu.memory_space<hbm>>
    %dma_wait3A_127 = arith.constant 0 : i32
    %dma_wait3A_128 = arith.constant 0 : i32
    %dma_wait3A_129 = tpu.memref_slice %arg4[%add3A_119, %dma_wait3A_127, %dma_wait3A_128] : memref<16384x26x64xf32, #tpu.memory_space<hbm>> -> memref<1x26x64xf32, #tpu.memory_space<hbm>>
    %dma_wait3A_130 = tpu.memref_squeeze %dma_wait3A_129 : memref<1x26x64xf32, #tpu.memory_space<hbm>> -> memref<26x64xf32, #tpu.memory_space<hbm>>
    %dma_wait3A_131 = arith.constant 156 : i32
    %dma_wait3A_132 = arith.constant 0 : i32
    %dma_wait3A_133 = tpu.memref_slice %arg9[%dma_wait3A_131, %dma_wait3A_132] : memref<208x64xf32, #tpu.memory_space<vmem>> -> memref<26x64xf32, #tpu.memory_space<vmem>>
    tpu.wait_dma2 semaphore(%arg13 : memref<!tpu.dma_semaphore, #tpu.memory_space<semaphore_mem>>) src(%dma_wait3A_133 : memref<26x64xf32, #tpu.memory_space<vmem>>) dst(%dma_wait3A_130 : memref<26x64xf32, #tpu.memory_space<hbm>>)
    %add3A_134 = arith.constant 7 : i32
    %add3A_135 = arith.addi %add3A_22, %add3A_134 : i32
    %dma_wait3A_136 = arith.constant 182 : i32
    %dma_wait3A_137 = arith.constant 0 : i32
    %dma_wait3A_138 = tpu.memref_slice %arg9[%dma_wait3A_136, %dma_wait3A_137] : memref<208x64xf32, #tpu.memory_space<vmem>> -> memref<26x64xf32, #tpu.memory_space<vmem>>
    %dma_wait3A_139 = arith.constant 0 : i32
    %dma_wait3A_140 = arith.constant 0 : i32
    %dma_wait3A_141 = tpu.memref_slice %arg4[%add3A_135, %dma_wait3A_139, %dma_wait3A_140] : memref<16384x26x64xf32, #tpu.memory_space<hbm>> -> memref<1x26x64xf32, #tpu.memory_space<hbm>>
    %dma_wait3A_142 = tpu.memref_squeeze %dma_wait3A_141 : memref<1x26x64xf32, #tpu.memory_space<hbm>> -> memref<26x64xf32, #tpu.memory_space<hbm>>
    %dma_wait3A_143 = arith.constant 0 : i32
    %dma_wait3A_144 = arith.constant 0 : i32
    %dma_wait3A_145 = tpu.memref_slice %arg4[%add3A_135, %dma_wait3A_143, %dma_wait3A_144] : memref<16384x26x64xf32, #tpu.memory_space<hbm>> -> memref<1x26x64xf32, #tpu.memory_space<hbm>>
    %dma_wait3A_146 = tpu.memref_squeeze %dma_wait3A_145 : memref<1x26x64xf32, #tpu.memory_space<hbm>> -> memref<26x64xf32, #tpu.memory_space<hbm>>
    %dma_wait3A_147 = arith.constant 182 : i32
    %dma_wait3A_148 = arith.constant 0 : i32
    %dma_wait3A_149 = tpu.memref_slice %arg9[%dma_wait3A_147, %dma_wait3A_148] : memref<208x64xf32, #tpu.memory_space<vmem>> -> memref<26x64xf32, #tpu.memory_space<vmem>>
    tpu.wait_dma2 semaphore(%arg13 : memref<!tpu.dma_semaphore, #tpu.memory_space<semaphore_mem>>) src(%dma_wait3A_149 : memref<26x64xf32, #tpu.memory_space<vmem>>) dst(%dma_wait3A_146 : memref<26x64xf32, #tpu.memory_space<hbm>>)
    %add3A_150 = arith.constant 0 : i32
    %add3A_151 = arith.addi %mul3A_2, %add3A_150 : i32
    %add3A_152 = arith.constant 0 : i32
    %add3A_153 = arith.addi %add3A_151, %add3A_152 : i32
    %dma_wait3A_154 = arith.constant 0 : i32
    %dma_wait3A_155 = arith.constant 0 : i32
    %dma_wait3A_156 = tpu.memref_slice %arg10[%dma_wait3A_154, %dma_wait3A_155] : memref<208x64xf32, #tpu.memory_space<vmem>> -> memref<26x64xf32, #tpu.memory_space<vmem>>
    %dma_wait3A_157 = arith.constant 0 : i32
    %dma_wait3A_158 = arith.constant 0 : i32
    %dma_wait3A_159 = tpu.memref_slice %arg4[%add3A_153, %dma_wait3A_157, %dma_wait3A_158] : memref<16384x26x64xf32, #tpu.memory_space<hbm>> -> memref<1x26x64xf32, #tpu.memory_space<hbm>>
    %dma_wait3A_160 = tpu.memref_squeeze %dma_wait3A_159 : memref<1x26x64xf32, #tpu.memory_space<hbm>> -> memref<26x64xf32, #tpu.memory_space<hbm>>
    %dma_wait3A_161 = arith.constant 0 : i32
    %dma_wait3A_162 = arith.constant 0 : i32
    %dma_wait3A_163 = tpu.memref_slice %arg4[%add3A_153, %dma_wait3A_161, %dma_wait3A_162] : memref<16384x26x64xf32, #tpu.memory_space<hbm>> -> memref<1x26x64xf32, #tpu.memory_space<hbm>>
    %dma_wait3A_164 = tpu.memref_squeeze %dma_wait3A_163 : memref<1x26x64xf32, #tpu.memory_space<hbm>> -> memref<26x64xf32, #tpu.memory_space<hbm>>
    %dma_wait3A_165 = arith.constant 0 : i32
    %dma_wait3A_166 = arith.constant 0 : i32
    %dma_wait3A_167 = tpu.memref_slice %arg10[%dma_wait3A_165, %dma_wait3A_166] : memref<208x64xf32, #tpu.memory_space<vmem>> -> memref<26x64xf32, #tpu.memory_space<vmem>>
    tpu.wait_dma2 semaphore(%arg14 : memref<!tpu.dma_semaphore, #tpu.memory_space<semaphore_mem>>) src(%dma_wait3A_167 : memref<26x64xf32, #tpu.memory_space<vmem>>) dst(%dma_wait3A_164 : memref<26x64xf32, #tpu.memory_space<hbm>>)
    %add3A_168 = arith.constant 1 : i32
    %add3A_169 = arith.addi %add3A_151, %add3A_168 : i32
    %dma_wait3A_170 = arith.constant 26 : i32
    %dma_wait3A_171 = arith.constant 0 : i32
    %dma_wait3A_172 = tpu.memref_slice %arg10[%dma_wait3A_170, %dma_wait3A_171] : memref<208x64xf32, #tpu.memory_space<vmem>> -> memref<26x64xf32, #tpu.memory_space<vmem>>
    %dma_wait3A_173 = arith.constant 0 : i32
    %dma_wait3A_174 = arith.constant 0 : i32
    %dma_wait3A_175 = tpu.memref_slice %arg4[%add3A_169, %dma_wait3A_173, %dma_wait3A_174] : memref<16384x26x64xf32, #tpu.memory_space<hbm>> -> memref<1x26x64xf32, #tpu.memory_space<hbm>>
    %dma_wait3A_176 = tpu.memref_squeeze %dma_wait3A_175 : memref<1x26x64xf32, #tpu.memory_space<hbm>> -> memref<26x64xf32, #tpu.memory_space<hbm>>
    %dma_wait3A_177 = arith.constant 0 : i32
    %dma_wait3A_178 = arith.constant 0 : i32
    %dma_wait3A_179 = tpu.memref_slice %arg4[%add3A_169, %dma_wait3A_177, %dma_wait3A_178] : memref<16384x26x64xf32, #tpu.memory_space<hbm>> -> memref<1x26x64xf32, #tpu.memory_space<hbm>>
    %dma_wait3A_180 = tpu.memref_squeeze %dma_wait3A_179 : memref<1x26x64xf32, #tpu.memory_space<hbm>> -> memref<26x64xf32, #tpu.memory_space<hbm>>
    %dma_wait3A_181 = arith.constant 26 : i32
    %dma_wait3A_182 = arith.constant 0 : i32
    %dma_wait3A_183 = tpu.memref_slice %arg10[%dma_wait3A_181, %dma_wait3A_182] : memref<208x64xf32, #tpu.memory_space<vmem>> -> memref<26x64xf32, #tpu.memory_space<vmem>>
    tpu.wait_dma2 semaphore(%arg14 : memref<!tpu.dma_semaphore, #tpu.memory_space<semaphore_mem>>) src(%dma_wait3A_183 : memref<26x64xf32, #tpu.memory_space<vmem>>) dst(%dma_wait3A_180 : memref<26x64xf32, #tpu.memory_space<hbm>>)
    %add3A_184 = arith.constant 2 : i32
    %add3A_185 = arith.addi %add3A_151, %add3A_184 : i32
    %dma_wait3A_186 = arith.constant 52 : i32
    %dma_wait3A_187 = arith.constant 0 : i32
    %dma_wait3A_188 = tpu.memref_slice %arg10[%dma_wait3A_186, %dma_wait3A_187] : memref<208x64xf32, #tpu.memory_space<vmem>> -> memref<26x64xf32, #tpu.memory_space<vmem>>
    %dma_wait3A_189 = arith.constant 0 : i32
    %dma_wait3A_190 = arith.constant 0 : i32
    %dma_wait3A_191 = tpu.memref_slice %arg4[%add3A_185, %dma_wait3A_189, %dma_wait3A_190] : memref<16384x26x64xf32, #tpu.memory_space<hbm>> -> memref<1x26x64xf32, #tpu.memory_space<hbm>>
    %dma_wait3A_192 = tpu.memref_squeeze %dma_wait3A_191 : memref<1x26x64xf32, #tpu.memory_space<hbm>> -> memref<26x64xf32, #tpu.memory_space<hbm>>
    %dma_wait3A_193 = arith.constant 0 : i32
    %dma_wait3A_194 = arith.constant 0 : i32
    %dma_wait3A_195 = tpu.memref_slice %arg4[%add3A_185, %dma_wait3A_193, %dma_wait3A_194] : memref<16384x26x64xf32, #tpu.memory_space<hbm>> -> memref<1x26x64xf32, #tpu.memory_space<hbm>>
    %dma_wait3A_196 = tpu.memref_squeeze %dma_wait3A_195 : memref<1x26x64xf32, #tpu.memory_space<hbm>> -> memref<26x64xf32, #tpu.memory_space<hbm>>
    %dma_wait3A_197 = arith.constant 52 : i32
    %dma_wait3A_198 = arith.constant 0 : i32
    %dma_wait3A_199 = tpu.memref_slice %arg10[%dma_wait3A_197, %dma_wait3A_198] : memref<208x64xf32, #tpu.memory_space<vmem>> -> memref<26x64xf32, #tpu.memory_space<vmem>>
    tpu.wait_dma2 semaphore(%arg14 : memref<!tpu.dma_semaphore, #tpu.memory_space<semaphore_mem>>) src(%dma_wait3A_199 : memref<26x64xf32, #tpu.memory_space<vmem>>) dst(%dma_wait3A_196 : memref<26x64xf32, #tpu.memory_space<hbm>>)
    %add3A_200 = arith.constant 3 : i32
    %add3A_201 = arith.addi %add3A_151, %add3A_200 : i32
    %dma_wait3A_202 = arith.constant 78 : i32
    %dma_wait3A_203 = arith.constant 0 : i32
    %dma_wait3A_204 = tpu.memref_slice %arg10[%dma_wait3A_202, %dma_wait3A_203] : memref<208x64xf32, #tpu.memory_space<vmem>> -> memref<26x64xf32, #tpu.memory_space<vmem>>
    %dma_wait3A_205 = arith.constant 0 : i32
    %dma_wait3A_206 = arith.constant 0 : i32
    %dma_wait3A_207 = tpu.memref_slice %arg4[%add3A_201, %dma_wait3A_205, %dma_wait3A_206] : memref<16384x26x64xf32, #tpu.memory_space<hbm>> -> memref<1x26x64xf32, #tpu.memory_space<hbm>>
    %dma_wait3A_208 = tpu.memref_squeeze %dma_wait3A_207 : memref<1x26x64xf32, #tpu.memory_space<hbm>> -> memref<26x64xf32, #tpu.memory_space<hbm>>
    %dma_wait3A_209 = arith.constant 0 : i32
    %dma_wait3A_210 = arith.constant 0 : i32
    %dma_wait3A_211 = tpu.memref_slice %arg4[%add3A_201, %dma_wait3A_209, %dma_wait3A_210] : memref<16384x26x64xf32, #tpu.memory_space<hbm>> -> memref<1x26x64xf32, #tpu.memory_space<hbm>>
    %dma_wait3A_212 = tpu.memref_squeeze %dma_wait3A_211 : memref<1x26x64xf32, #tpu.memory_space<hbm>> -> memref<26x64xf32, #tpu.memory_space<hbm>>
    %dma_wait3A_213 = arith.constant 78 : i32
    %dma_wait3A_214 = arith.constant 0 : i32
    %dma_wait3A_215 = tpu.memref_slice %arg10[%dma_wait3A_213, %dma_wait3A_214] : memref<208x64xf32, #tpu.memory_space<vmem>> -> memref<26x64xf32, #tpu.memory_space<vmem>>
    tpu.wait_dma2 semaphore(%arg14 : memref<!tpu.dma_semaphore, #tpu.memory_space<semaphore_mem>>) src(%dma_wait3A_215 : memref<26x64xf32, #tpu.memory_space<vmem>>) dst(%dma_wait3A_212 : memref<26x64xf32, #tpu.memory_space<hbm>>)
    %add3A_216 = arith.constant 4 : i32
    %add3A_217 = arith.addi %add3A_151, %add3A_216 : i32
    %dma_wait3A_218 = arith.constant 104 : i32
    %dma_wait3A_219 = arith.constant 0 : i32
    %dma_wait3A_220 = tpu.memref_slice %arg10[%dma_wait3A_218, %dma_wait3A_219] : memref<208x64xf32, #tpu.memory_space<vmem>> -> memref<26x64xf32, #tpu.memory_space<vmem>>
    %dma_wait3A_221 = arith.constant 0 : i32
    %dma_wait3A_222 = arith.constant 0 : i32
    %dma_wait3A_223 = tpu.memref_slice %arg4[%add3A_217, %dma_wait3A_221, %dma_wait3A_222] : memref<16384x26x64xf32, #tpu.memory_space<hbm>> -> memref<1x26x64xf32, #tpu.memory_space<hbm>>
    %dma_wait3A_224 = tpu.memref_squeeze %dma_wait3A_223 : memref<1x26x64xf32, #tpu.memory_space<hbm>> -> memref<26x64xf32, #tpu.memory_space<hbm>>
    %dma_wait3A_225 = arith.constant 0 : i32
    %dma_wait3A_226 = arith.constant 0 : i32
    %dma_wait3A_227 = tpu.memref_slice %arg4[%add3A_217, %dma_wait3A_225, %dma_wait3A_226] : memref<16384x26x64xf32, #tpu.memory_space<hbm>> -> memref<1x26x64xf32, #tpu.memory_space<hbm>>
    %dma_wait3A_228 = tpu.memref_squeeze %dma_wait3A_227 : memref<1x26x64xf32, #tpu.memory_space<hbm>> -> memref<26x64xf32, #tpu.memory_space<hbm>>
    %dma_wait3A_229 = arith.constant 104 : i32
    %dma_wait3A_230 = arith.constant 0 : i32
    %dma_wait3A_231 = tpu.memref_slice %arg10[%dma_wait3A_229, %dma_wait3A_230] : memref<208x64xf32, #tpu.memory_space<vmem>> -> memref<26x64xf32, #tpu.memory_space<vmem>>
    tpu.wait_dma2 semaphore(%arg14 : memref<!tpu.dma_semaphore, #tpu.memory_space<semaphore_mem>>) src(%dma_wait3A_231 : memref<26x64xf32, #tpu.memory_space<vmem>>) dst(%dma_wait3A_228 : memref<26x64xf32, #tpu.memory_space<hbm>>)
    %add3A_232 = arith.constant 5 : i32
    %add3A_233 = arith.addi %add3A_151, %add3A_232 : i32
    %dma_wait3A_234 = arith.constant 130 : i32
    %dma_wait3A_235 = arith.constant 0 : i32
    %dma_wait3A_236 = tpu.memref_slice %arg10[%dma_wait3A_234, %dma_wait3A_235] : memref<208x64xf32, #tpu.memory_space<vmem>> -> memref<26x64xf32, #tpu.memory_space<vmem>>
    %dma_wait3A_237 = arith.constant 0 : i32
    %dma_wait3A_238 = arith.constant 0 : i32
    %dma_wait3A_239 = tpu.memref_slice %arg4[%add3A_233, %dma_wait3A_237, %dma_wait3A_238] : memref<16384x26x64xf32, #tpu.memory_space<hbm>> -> memref<1x26x64xf32, #tpu.memory_space<hbm>>
    %dma_wait3A_240 = tpu.memref_squeeze %dma_wait3A_239 : memref<1x26x64xf32, #tpu.memory_space<hbm>> -> memref<26x64xf32, #tpu.memory_space<hbm>>
    %dma_wait3A_241 = arith.constant 0 : i32
    %dma_wait3A_242 = arith.constant 0 : i32
    %dma_wait3A_243 = tpu.memref_slice %arg4[%add3A_233, %dma_wait3A_241, %dma_wait3A_242] : memref<16384x26x64xf32, #tpu.memory_space<hbm>> -> memref<1x26x64xf32, #tpu.memory_space<hbm>>
    %dma_wait3A_244 = tpu.memref_squeeze %dma_wait3A_243 : memref<1x26x64xf32, #tpu.memory_space<hbm>> -> memref<26x64xf32, #tpu.memory_space<hbm>>
    %dma_wait3A_245 = arith.constant 130 : i32
    %dma_wait3A_246 = arith.constant 0 : i32
    %dma_wait3A_247 = tpu.memref_slice %arg10[%dma_wait3A_245, %dma_wait3A_246] : memref<208x64xf32, #tpu.memory_space<vmem>> -> memref<26x64xf32, #tpu.memory_space<vmem>>
    tpu.wait_dma2 semaphore(%arg14 : memref<!tpu.dma_semaphore, #tpu.memory_space<semaphore_mem>>) src(%dma_wait3A_247 : memref<26x64xf32, #tpu.memory_space<vmem>>) dst(%dma_wait3A_244 : memref<26x64xf32, #tpu.memory_space<hbm>>)
    %add3A_248 = arith.constant 6 : i32
    %add3A_249 = arith.addi %add3A_151, %add3A_248 : i32
    %dma_wait3A_250 = arith.constant 156 : i32
    %dma_wait3A_251 = arith.constant 0 : i32
    %dma_wait3A_252 = tpu.memref_slice %arg10[%dma_wait3A_250, %dma_wait3A_251] : memref<208x64xf32, #tpu.memory_space<vmem>> -> memref<26x64xf32, #tpu.memory_space<vmem>>
    %dma_wait3A_253 = arith.constant 0 : i32
    %dma_wait3A_254 = arith.constant 0 : i32
    %dma_wait3A_255 = tpu.memref_slice %arg4[%add3A_249, %dma_wait3A_253, %dma_wait3A_254] : memref<16384x26x64xf32, #tpu.memory_space<hbm>> -> memref<1x26x64xf32, #tpu.memory_space<hbm>>
    %dma_wait3A_256 = tpu.memref_squeeze %dma_wait3A_255 : memref<1x26x64xf32, #tpu.memory_space<hbm>> -> memref<26x64xf32, #tpu.memory_space<hbm>>
    %dma_wait3A_257 = arith.constant 0 : i32
    %dma_wait3A_258 = arith.constant 0 : i32
    %dma_wait3A_259 = tpu.memref_slice %arg4[%add3A_249, %dma_wait3A_257, %dma_wait3A_258] : memref<16384x26x64xf32, #tpu.memory_space<hbm>> -> memref<1x26x64xf32, #tpu.memory_space<hbm>>
    %dma_wait3A_260 = tpu.memref_squeeze %dma_wait3A_259 : memref<1x26x64xf32, #tpu.memory_space<hbm>> -> memref<26x64xf32, #tpu.memory_space<hbm>>
    %dma_wait3A_261 = arith.constant 156 : i32
    %dma_wait3A_262 = arith.constant 0 : i32
    %dma_wait3A_263 = tpu.memref_slice %arg10[%dma_wait3A_261, %dma_wait3A_262] : memref<208x64xf32, #tpu.memory_space<vmem>> -> memref<26x64xf32, #tpu.memory_space<vmem>>
    tpu.wait_dma2 semaphore(%arg14 : memref<!tpu.dma_semaphore, #tpu.memory_space<semaphore_mem>>) src(%dma_wait3A_263 : memref<26x64xf32, #tpu.memory_space<vmem>>) dst(%dma_wait3A_260 : memref<26x64xf32, #tpu.memory_space<hbm>>)
    %add3A_264 = arith.constant 7 : i32
    %add3A_265 = arith.addi %add3A_151, %add3A_264 : i32
    %dma_wait3A_266 = arith.constant 182 : i32
    %dma_wait3A_267 = arith.constant 0 : i32
    %dma_wait3A_268 = tpu.memref_slice %arg10[%dma_wait3A_266, %dma_wait3A_267] : memref<208x64xf32, #tpu.memory_space<vmem>> -> memref<26x64xf32, #tpu.memory_space<vmem>>
    %dma_wait3A_269 = arith.constant 0 : i32
    %dma_wait3A_270 = arith.constant 0 : i32
    %dma_wait3A_271 = tpu.memref_slice %arg4[%add3A_265, %dma_wait3A_269, %dma_wait3A_270] : memref<16384x26x64xf32, #tpu.memory_space<hbm>> -> memref<1x26x64xf32, #tpu.memory_space<hbm>>
    %dma_wait3A_272 = tpu.memref_squeeze %dma_wait3A_271 : memref<1x26x64xf32, #tpu.memory_space<hbm>> -> memref<26x64xf32, #tpu.memory_space<hbm>>
    %dma_wait3A_273 = arith.constant 0 : i32
    %dma_wait3A_274 = arith.constant 0 : i32
    %dma_wait3A_275 = tpu.memref_slice %arg4[%add3A_265, %dma_wait3A_273, %dma_wait3A_274] : memref<16384x26x64xf32, #tpu.memory_space<hbm>> -> memref<1x26x64xf32, #tpu.memory_space<hbm>>
    %dma_wait3A_276 = tpu.memref_squeeze %dma_wait3A_275 : memref<1x26x64xf32, #tpu.memory_space<hbm>> -> memref<26x64xf32, #tpu.memory_space<hbm>>
    %dma_wait3A_277 = arith.constant 182 : i32
    %dma_wait3A_278 = arith.constant 0 : i32
    %dma_wait3A_279 = tpu.memref_slice %arg10[%dma_wait3A_277, %dma_wait3A_278] : memref<208x64xf32, #tpu.memory_space<vmem>> -> memref<26x64xf32, #tpu.memory_space<vmem>>
    tpu.wait_dma2 semaphore(%arg14 : memref<!tpu.dma_semaphore, #tpu.memory_space<semaphore_mem>>) src(%dma_wait3A_279 : memref<26x64xf32, #tpu.memory_space<vmem>>) dst(%dma_wait3A_276 : memref<26x64xf32, #tpu.memory_space<hbm>>)
    return
  }
}

</mosaic_0001>

<sc_bundles>
// kernel: kernel.3.cloned.1.call-start
scs
__scs_entry_jumppad:
0x0: {  	(pc) =	sbr.rel $0x88, $3  }
0x1: {  	(tag) =	ssettag $0x0;
	lr =	simm.s32 $0x1  }
0x2: {  	[smem:$0x3F9F] =	sst lr;
	_ =	strace $0xD0000000  }
0x3: {  	_ = 	snop  }
0x4: {  	_ = 	snop  }
0x5: {  	_ = 	snop  }
0x6: {  	_ = 	snop  }
0x7: {  	_ = 	snop  }
__scs_overlays_trampoline_lowered:
0x8: {  	[smem:$0x3FAE] =	sst s0  }
0x9: {  	[smem:$0x3FAF] =	sst s1  }
0xa: {  	[smem:$0x3FB0] =	sst s2  }
0xb: {  	[smem:$0x3FB1] =	sst s3  }
0xc: {  	[smem:$0x3FB2] =	sst s4  }
0xd: {  	[smem:$0x3FB3] =	sst s5  }
0xe: {  	[smem:$0x3FB4] =	sst s6  }
0xf: {  	[smem:$0x3FB5] =	sst s7  }
0x10: {  	[smem:$0x3FB6] =	sst s8  }
0x11: {  	[smem:$0x3FB7] =	sst s9;
	s0 =	simm.s32 @!p0 $0x0  }
0x12: {  	s1 =	sld [smem:$0x3F9D];
	s0 =	simm.s32 @p0 $0x1  }
0x13: {  	[smem:$0x3FB8] =	sst s0;
	s0 =	simm.s32 @!p1 $0x0  }
0x14: {  	s2 =	sld [smem:$0x3F9C];
	s0 =	simm.s32 @p1 $0x1  }
0x15: {  	[smem:$0x3FB9] =	sst s0;
	s0 =	simm.s32 @!p2 $0x0  }
0x16: {  	s3 =	sld [smem:$0x3FDB];
	s0 =	simm.s32 @p2 $0x1  }
0x17: {  	s4 =	simm.s32 $0x1BF5;
	[smem:$0x3FBB] =	sst s0  }
0x18: {  	s0 =	sld [smem:$0x3F9E];
	_ =	swait.ge [sflag:s4], $0x0  }
0x19: {  	s7 =	sld [smem:$0x3F9F]  }
0x1a: {  	s8 =	sadd.s32 $0xFFFFE003, lr  }
0x1b: {  	s9 =	sadd.s32 $0xFFFFFEF7, lr;
	s5 =	simm.s32 $0xFFFFFFFF;
	p2 =	slt.u32 s8, $0xFFFFF086  }
0x1c: {  	p1 =	slt.u32 s9, $0xF7A;
	s5 =	simm.s32 @!p2 $0x0  }
0x1d: {  	s5 =	simm.s32 @p1 $0x1;
	p0 =	seq.s32 s7, s2  }
0x1e: {  	s7 =	smul.u32 @!p0 $0xF7A, s2;
	p2 =	seq.s32 @!p0 s5, $0x0  }
0x1f: {  	s9 =	smul.u32 $0xF7A, s1;
	s8 =	simm.s32 @!p0 $0x1BF5;
	p2 =	por !p2, p0  }
0x20: {  	[sflag:s8] =	ssyncset.s32 @!p0 $0xFFFFF086;
	s6 =	sadd.s32 @!p0 s3, s7;
	s7 =	simm.s32 @!p0 $0x108  }
0x21: {  	s3 =	sadd.s32 s3, s9;
	s6 =	sadd.s32 @!p0 $0x88, s6;
	s7 =	simm.s32 @p2 $0x1082  }
0x22: {  	[simem:s7], [sflag:s8] =	dma.local @!p0 [hbm:s6], $0xF7A  }
0x23: {  	s9 =	sor.u32 $0xD0000000, s2;
	s6 =	simm.s32 $0x108;
	_ =	swait.ge @!p0 [sflag:s8], $0x0  }
0x24: {  	s3 =	sadd.s32 $0x88, s3;
	s6 =	simm.s32 @!p1 $0x1082;
	[sflag:s4] =	ssyncset.s32 $0xFFFFF086  }
0x25: {  	[simem:s6], [sflag:s4] =	dma.local [hbm:s3], $0xF7A  }
0x26: {  	[smem:$0x3F9F] =	sst s1;
	(tag) =	ssettag s2;
	_ =	strace s9  }
0x27: {  	s1 =	sld [smem:$0x3FAF]  }
0x28: {  	s2 =	sld [smem:$0x3FB0]  }
0x29: {  	s4 =	sld [smem:$0x3FB2]  }
0x2a: {  	p0 =	seq.s32 s5, $0x0;
	s5 =	sld [smem:$0x3FB3]  }
0x2b: {  	s6 =	sld [smem:$0x3FB4]  }
0x2c: {  	s7 =	sld [smem:$0x3FB5]  }
0x2d: {  	s3 =	simm.s32 $0x108;
	s8 =	sld [smem:$0x3FB6]  }
0x2e: {  	s3 =	simm.s32 @!p0 $0x1082;
	s9 =	sld [smem:$0x3FB7]  }
0x2f: {  	lr =	sadd.s32 s0, s3;
	s0 =	sld [smem:$0x3FAE]  }
0x30: {  	s3 =	sld [smem:$0x3FB1]  }
0x31: {  	[smem:$0x3FBA] =	sst s10  }
0x32: {  	s10 =	sld [smem:$0x3FB8];
	_ =	sdelay $0x3  }
0x33: {  	p0 =	seq.s32 s10, $0x1;
	s10 =	sld [smem:$0x3FBA];
	_ =	sdelay $0x3  }
0x34: {  	[smem:$0x3FBA] =	sst s10  }
0x35: {  	s10 =	sld [smem:$0x3FB9];
	_ =	sdelay $0x3  }
0x36: {  	p1 =	seq.s32 s10, $0x1;
	s10 =	sld [smem:$0x3FBA];
	_ =	sdelay $0x3  }
0x37: {  	[smem:$0x3FBA] =	sst s10  }
0x38: {  	s10 =	sld [smem:$0x3FBB]  }
0x39: {  	_ = 	snop;
	(pc) =	sbr.ind lr, $3  }
0x3a: {  	_ = 	snop  }
0x3b: {  	_ = 	snop  }
0x3c: {  	p2 =	seq.s32 s10, $0x1;
	s10 =	sld [smem:$0x3FBA]  }
0x3d: {  	_ =	shalt  }
0x3e: {  	_ =	shalt  }
0x3f: {  	_ =	shalt  }
0x40: {  	_ =	shalt  }
0x41: {  	_ =	shalt  }
0x42: {  	_ =	shalt  }
0x43: {  	_ =	shalt  }
0x44: {  	_ =	shalt  }
0x45: {  	_ =	shalt  }
0x46: {  	_ =	shalt  }
0x47: {  	_ =	shalt  }
0x48: {  	_ =	shalt  }
0x49: {  	_ =	shalt  }
0x4a: {  	_ =	shalt  }
0x4b: {  	_ =	shalt  }
0x4c: {  	_ =	shalt  }
0x4d: {  	_ =	shalt  }
0x4e: {  	_ =	shalt  }
0x4f: {  	_ =	shalt  }
0x50: {  	_ =	shalt  }
0x51: {  	_ =	shalt  }
0x52: {  	_ =	shalt  }
0x53: {  	_ =	shalt  }
0x54: {  	_ =	shalt  }
0x55: {  	_ =	shalt  }
0x56: {  	_ =	shalt  }
0x57: {  	_ =	shalt  }
0x58: {  	_ =	shalt  }
0x59: {  	_ =	shalt  }
0x5a: {  	_ =	shalt  }
0x5b: {  	_ =	shalt  }
0x5c: {  	_ =	shalt  }
0x5d: {  	_ =	shalt  }
0x5e: {  	_ =	shalt  }
0x5f: {  	_ =	shalt  }
0x60: {  	_ =	shalt  }
0x61: {  	_ =	shalt  }
0x62: {  	_ =	shalt  }
0x63: {  	_ =	shalt  }
0x64: {  	_ =	shalt  }
0x65: {  	_ =	shalt  }
0x66: {  	_ =	shalt  }
0x67: {  	_ =	shalt  }
0x68: {  	_ =	shalt  }
0x69: {  	_ =	shalt  }
0x6a: {  	_ =	shalt  }
0x6b: {  	_ =	shalt  }
0x6c: {  	_ =	shalt  }
0x6d: {  	_ =	shalt  }
0x6e: {  	_ =	shalt  }
0x6f: {  	_ =	shalt  }
0x70: {  	_ =	shalt  }
0x71: {  	_ =	shalt  }
0x72: {  	_ =	shalt  }
0x73: {  	_ =	shalt  }
0x74: {  	_ =	shalt  }
0x75: {  	_ =	shalt  }
0x76: {  	_ =	shalt  }
0x77: {  	_ =	shalt  }
0x78: {  	_ =	shalt  }
0x79: {  	_ =	shalt  }
0x7a: {  	_ =	shalt  }
0x7b: {  	_ =	shalt  }
0x7c: {  	_ =	shalt  }
0x7d: {  	_ =	shalt  }
0x7e: {  	_ =	shalt  }
0x7f: {  	_ =	shalt  }
0x80: {  	_ =	shalt  }
0x81: {  	_ =	shalt  }
0x82: {  	_ =	shalt  }
0x83: {  	_ =	shalt  }
0x84: {  	_ =	shalt  }
0x85: {  	_ =	shalt  }
0x86: {  	_ =	shalt  }
0x87: {  	_ =	shalt  }
.Lfunc_end0:
.L_simem_size_0:
called_computation.2_lowered:
.L_overlay_start_0:
0x88: {  	s2 =	sld [smem:$0x3FD9]  }
0x89: {  	s3 =	sld [smem:$0x3FFE];
	_ =	sdelay $0x1  }
0x8a: {  	s1 =	srdreg.scid  }
0x8b: {  	s0 =	sand.u32 $0x1, s1  }
0x8c: {  	s17 =	sshll.u32 s0, $0xA;
	s2 =	sadd.s32 s3, s2  }
0x8d: {  	s2 =	sadd.s32 s2, s17  }
0x8e: {  	[smem:$0x3FC6] =	sst s2  }
0x8f: {  	_ = 	snop  }
0x90: {  	s2 =	sld [smem:$0x3FD0];
	(tm) =	ssettm $0x1  }
0x91: {  	s18 =	sld [smem:$0x3FFB];
	_ =	sdelay $0x3  }
0x92: {  	_ =	strace s18  }
0x93: {  	s3 =	sld [smem:$0x3FFC];
	_ =	sdelay $0x3  }
0x94: {  	_ =	strace s3  }
0x95: {  	s3 =	sld [smem:$0x3FFD];
	_ =	sdelay $0x3  }
0x96: {  	_ =	strace s3  }
0x97: {  	_ =	strace $0x8FFFFFFF  }
0x98: {  	s19 =	sld [smem:$0x3FDB];
	_ =	sdelay $0x1  }
0x99: {  	s4 =	simm.s32 $_scs_section_size  }
0x9a: {  	s5 =	simm.s32 $_size__tile_overlayer_lowered;
	s6 =	simm.s32 $_tile_overlayer_lowered  }
0x9b: {  	s22 =	simm.s32 $0x1BFF;
	s21 =	sshll.u32 s6, $0x1;
	s3 =	sadd.s32 s4, s19  }
0x9c: {  	s7 =	simm.s32 $0x0;
	s20 =	sshll.u32 s5, $0x1;
	s5 =	sadd.s32 s21, s3  }
0x9d: {  	[timem:s7], [sflag:s22] =	dma.local [hbm:s5], s20  }
0x9e: {  	_ =	swait.ge [sflag:s22], s20  }
0x9f: {  	s4 =	ssub.s32 $0x0, s20;
	[sflag:s22] =	ssyncset.done $0x0  }
0xa0: {  	[sflag:s22] =	ssyncadd.s32 s4;
	_ =	sdelay $0x1  }
0xa1: {  	s23 =	simm.s32 $0x1B8B  }
0xa2: {  	_ =	swait.ge [sflag:s23], $0x1  }
0xa3: {  	[sflag:s23] =	ssyncset.done $0x0  }
0xa4: {  	s25 =	simm.s32 $0x1B8E;
	s24 =	sld [smem:$0x3FFE];
	[sflag:s23] =	ssyncadd.s32 $0xFFFFFFFF  }
0xa5: {  	s26 =	simm.s32 $execute0_lowered;
	[smem:$0x3FD2] =	sst s25  }
0xa6: {  	s5 =	sshll.u32 s26, $0x1;
	_ =	strace $0x80000049;
	[dreg:$0x1] =	wrdreg $0xFFFFFFFF  }
0xa7: {  	s28 =	simm.s32 $_size_execute0_lowered;
	s3 =	sadd.s32 s3, s5;
	[dreg:$0x0] =	wrdreg $0x0  }
0xa8: {  	s5 =	sshll.u32 s28, $0x1;
	[dreg:$0x2] =	wrdreg s3  }
0xa9: {  	[dreg:$0x3] =	wrdreg s5  }
0xaa: {  	[dreg:$0x4] =	wrdreg $0xC0  }
0xab: {  	_ =	task [dreg:s7], $0x5FFFF  }
0xac: {  	[dreg:$0x1] =	wrdreg $0xFFFFFFFF  }
0xad: {  	[dreg:$0x0] =	wrdreg $0x60  }
0xae: {  	[dreg:$0x2] =	wrdreg s2  }
0xaf: {  	[dreg:$0x3] =	wrdreg s24  }
0xb0: {  	[dreg:$0x4] =	wrdreg $0x9  }
0xb1: {  	_ =	task.clear_ibuf [dreg:s7], $0x5FFFF;
	_ =	strace $0x90000049  }
0xb2: {  	s29 =	simm.s32 $0x9;
	_ =	strace $0x8000004B  }
0xb3: {  	_ =	swait.ge [sflag:s29], $0x1  }
0xb4: {  	[sflag:s29] =	ssyncadd.s32 $0xFFFFFFFF  }
0xb5: {  	_ =	strace $0x9000004B  }
0xb6: {  	_ =	sfence  }
0xb7: {  	s30 =	sld [smem:$0x0];
	_ =	sdelay $0x2  }
0xb8: {  	s31 =	sshll.u32 s1, $0xD;
	s1 =	sshrl.u32 s1, $0x2  }
0xb9: {  	s3 =	sand.u32 $0x4000, s31;
	s1 =	sadd.s32 s1, s30  }
0xba: {  	s0 =	sor.u32 s3, s0;
	s1 =	sshll.u32 s1, $0x11  }
0xbb: {  	s0 =	sor.u32 s1, s0  }
0xbc: {  	s0 =	sadd.s32 $0x8F2B, s0  }
0xbd: {  	[sflag:s0] =	ssyncadd.remote.s32 $0x1  }
0xbe: {  	_ =	sfence.sel $0xFFFF  }
0xbf: {  	[dreg:$0x0] =	wrdreg $0xFFFFFFFF;
	(pc) =	sbr.abs _section_cstart, $3  }
0xc0: {  	[dreg:$0x1] =	wrdreg $0xFFFFFFFF  }
0xc1: {  	_ =	task.clear_ibuf [dreg:s7], $0x2FFFF;
	_ =	strace $0x9FFFFFFF  }
0xc2: {  	(tm) =	ssettm $0x7FFFFFFF  }
0xc3: {  	_ =	shalt  }
tec
execute0_lowered:
.L_overlay_start_1:
0x0: {  	(tag) =	ssettag $0x1  }
0x1: {  	s2 =	rddreg [dreg:$0x0]  }
0x2: {  	s0 =	srdreg.scid;
	s3 =	stileid.u32  }
0x3: {  	s1 =	rddreg [dreg:$0x1];
	s19 =	simm.s32 $0x5;
	s20 =	simm.s32 $0xD0  }
0x4: {  	s22 =	simm.s32 $0x100;
	s24 =	simm.s32 $0x1;
	s18 =	simm.s32 $0x4  }
0x5: {  	s21 =	simm.s32 $0x14700;
	s16 =	simm.s32 $0x15400;
	s23 =	simm.s32 $0x16100  }
0x6: {  	s25 =	simm.s32 $0x16E00;
	s26 =	simm.s32 $0x17B00;
	s28 =	simm.s32 $0x18800  }
0x7: {  	s29 =	simm.s32 $0x19500;
	s0 =	sand.u32 $0x1, s0;
	s4 =	sshll.u32 s3, $0x1  }
0x8: {  	s3 =	simm.s32 $0x0;
	s5 =	sadd.s32 $0xE00, s1;
	s10 =	sadd.s32 $0x1200, s1  }
0x9: {  	s11 =	sadd.s32 $0x1400, s1;
	s12 =	sadd.s32 $0x1600, s1;
	s13 =	sadd.s32 $0x1800, s1  }
0xa: {  	s14 =	sadd.s32 $0x1A00, s1;
	s15 =	sadd.s32 $0x1C00, s1;
	s6 =	sor.u32 s0, s4  }
0xb: {  	[smem:$0x7FF] =	sst s3;
	s0 =	ssub.s32 $0x2, s0;
	s7 =	smul.u32 $0x680, s6  }
0xc: {  	s4 =	sadd.s32 $0xF43200, s1;
	_ =	strace $0x8000004A;
	s8 =	sshrl.u32 s0, $0x1  }
.Ltmp0:
0xd: {  	s0 =	ssub.s32 s0, s8;
	s9 =	sadd.s32 s2, s7;
	(pc) =	sbr.rel .LBB2_1-.Ltmp0, $4  }
0xe: {  	s8 =	simm.s32 $0x2;
	s0 =	smax.u32 s0, $0x1;
	[dreg:$0x3] =	wrdreg s9  }
0xf: {  	s7 =	sshll.u32 s6, $0x9;
	s30 =	sadd.s32 $0x1A, s9;
	[dreg:$0x6] =	wrdreg s0  }
0x10: {  	s9 =	sadd.s32 $0x1000, s1;
	s31 =	sor.u32 $0x10, s7;
	[dreg:$0x4] =	wrdreg s30  }
0x11: {  	s17 =	sor.u32 $0x18, s7;
	s1 =	simm.s32 $0x0;
	[dreg:$0x5] =	wrdreg s31  }
.LBB2_12:
0x12: {  	s0 =	simm.s32 $0x3  }
0x13: {  	_ =	swait.ge [sflag:s0], $0xD00  }
0x14: {  	[sflag:s0] =	ssyncset.done $0x0  }
0x15: {  	[sflag:s0] =	ssyncadd.s32 $0xFFFFF300  }
0x16: {  	_ =	swait.ge [sflag:s0], $0xD00  }
0x17: {  	[sflag:s0] =	ssyncset.done $0x0  }
0x18: {  	[sflag:s0] =	ssyncadd.s32 $0xFFFFF300  }
0x19: {  	_ =	swait.ge [sflag:s0], $0xD00  }
0x1a: {  	[sflag:s0] =	ssyncset.done $0x0  }
0x1b: {  	[sflag:s0] =	ssyncadd.s32 $0xFFFFF300  }
0x1c: {  	_ =	swait.ge [sflag:s0], $0xD00  }
0x1d: {  	[sflag:s0] =	ssyncset.done $0x0  }
0x1e: {  	[sflag:s0] =	ssyncadd.s32 $0xFFFFF300  }
0x1f: {  	_ =	swait.ge [sflag:s0], $0xD00  }
0x20: {  	[sflag:s0] =	ssyncset.done $0x0  }
0x21: {  	[sflag:s0] =	ssyncadd.s32 $0xFFFFF300  }
0x22: {  	_ =	swait.ge [sflag:s0], $0xD00  }
0x23: {  	[sflag:s0] =	ssyncset.done $0x0  }
0x24: {  	[sflag:s0] =	ssyncadd.s32 $0xFFFFF300  }
0x25: {  	_ =	swait.ge [sflag:s0], $0xD00  }
0x26: {  	[sflag:s0] =	ssyncset.done $0x0  }
0x27: {  	[sflag:s0] =	ssyncadd.s32 $0xFFFFF300  }
0x28: {  	_ =	swait.ge [sflag:s0], $0xD00  }
0x29: {  	[sflag:s0] =	ssyncset.done $0x0  }
0x2a: {  	[sflag:s0] =	ssyncadd.s32 $0xFFFFF300  }
0x2b: {  	_ =	swait.ge [sflag:s18], $0xD00  }
0x2c: {  	[sflag:s18] =	ssyncset.done $0x0  }
0x2d: {  	[sflag:s18] =	ssyncadd.s32 $0xFFFFF300  }
0x2e: {  	_ =	swait.ge [sflag:s18], $0xD00  }
0x2f: {  	[sflag:s18] =	ssyncset.done $0x0  }
0x30: {  	[sflag:s18] =	ssyncadd.s32 $0xFFFFF300  }
0x31: {  	_ =	swait.ge [sflag:s18], $0xD00  }
0x32: {  	[sflag:s18] =	ssyncset.done $0x0  }
0x33: {  	[sflag:s18] =	ssyncadd.s32 $0xFFFFF300  }
0x34: {  	_ =	swait.ge [sflag:s18], $0xD00  }
0x35: {  	[sflag:s18] =	ssyncset.done $0x0  }
0x36: {  	[sflag:s18] =	ssyncadd.s32 $0xFFFFF300  }
0x37: {  	_ =	swait.ge [sflag:s18], $0xD00  }
0x38: {  	[sflag:s18] =	ssyncset.done $0x0  }
0x39: {  	[sflag:s18] =	ssyncadd.s32 $0xFFFFF300  }
0x3a: {  	_ =	swait.ge [sflag:s18], $0xD00  }
0x3b: {  	[sflag:s18] =	ssyncset.done $0x0  }
0x3c: {  	[sflag:s18] =	ssyncadd.s32 $0xFFFFF300  }
0x3d: {  	_ =	swait.ge [sflag:s18], $0xD00  }
0x3e: {  	[sflag:s18] =	ssyncset.done $0x0  }
0x3f: {  	[sflag:s18] =	ssyncadd.s32 $0xFFFFF300  }
0x40: {  	_ =	swait.ge [sflag:s18], $0xD00  }
0x41: {  	s1 =	rddreg [dreg:$0x7]  }
0x42: {  	s31 =	rddreg [dreg:$0x6];
	s1 =	sadd.s32 $0x1, s1  }
0x43: {  	p0 =	sne.s32 s1, s31  }
.Ltmp1:
0x44: {  	_ = 	snop;
	(pc) =	sbr.rel @!p0 .LBB2_13-.Ltmp1, $3  }
0x45: {  	_ =	sdelay $0x1  }
0x46: {  	[sflag:s18] =	ssyncset.done $0x0  }
0x47: {  	[sflag:s18] =	ssyncadd.s32 $0xFFFFF300  }
.LBB2_1:
0x48: {  	[dreg:$0x7] =	wrdreg s1  }
0x49: {  	s0 =	rddreg [dreg:$0x3]  }
0x4a: {  	[tilespmem:s3], [sflag:$0x5] =	stream.linear.gather [hbm4b:s0+s3], $0xD0, $0x38;
	[tilespmem:$0x1A200] =	vst v63  }
0x4b: {  	_ =	swait.ge [sflag:s19], $0xD0  }
0x4c: {  	[sflag:s19] =	ssyncset.done $0x0  }
0x4d: {  	s1 =	simm.s32 $0x200;
	[sflag:s19] =	ssyncadd.s32 $0xFFFFFF30  }
0x4e: {  	[tilespmem:s1], [sflag:$0x1] =	stream.indirect.gather [hbm4b:s4+s20], $0x80, s3, s20, $0xb8;
	[tilespmem:$0x1A200] =	vst v63  }
0x4f: {  	s6 =	rddreg [dreg:$0x4]  }
0x50: {  	[tilespmem:s22], [sflag:$0x5] =	stream.linear.gather [hbm4b:s6+s3], $0xD0, $0x38;
	[tilespmem:$0x1A200] =	vst v63  }
0x51: {  	_ =	swait.ge [sflag:s19], $0xD0  }
0x52: {  	[sflag:s19] =	ssyncset.done $0x0  }
0x53: {  	s31 =	simm.s32 $0x6A00;
	s30 =	simm.s32 $0x0;
	[sflag:s19] =	ssyncadd.s32 $0xFFFFFF30  }
0x54: {  	[tilespmem:s31], [sflag:$0x2] =	stream.indirect.gather [hbm4b:s4+s20], $0x80, s22, s20, $0xb8;
	[tilespmem:$0x1A200] =	vst v63  }
.LBB2_2:
0x55: {  	_ =	swait.ge [sflag:s24], $0x6800  }
0x56: {  	p0 =	seq.s32 s30, $0x0;
	[sflag:s24] =	ssyncset.done $0x0  }
0x57: {  	s0 =	simm.s32 @!p0 $0x3;
	[sflag:s24] =	ssyncadd.s32 $0xFFFF9800  }
0x58: {  	_ =	swait.ge @!p0 [sflag:s0], $0xD00  }
0x59: {  	[sflag:s0] =	ssyncset.done @!p0 $0x0  }
0x5a: {  	[sflag:s0] =	ssyncadd.s32 @!p0 $0xFFFFF300  }
0x5b: {  	_ =	swait.ge @!p0 [sflag:s0], $0xD00  }
0x5c: {  	[sflag:s0] =	ssyncset.done @!p0 $0x0  }
0x5d: {  	[sflag:s0] =	ssyncadd.s32 @!p0 $0xFFFFF300  }
0x5e: {  	_ =	swait.ge @!p0 [sflag:s0], $0xD00  }
0x5f: {  	[sflag:s0] =	ssyncset.done @!p0 $0x0  }
0x60: {  	[sflag:s0] =	ssyncadd.s32 @!p0 $0xFFFFF300  }
0x61: {  	_ =	swait.ge @!p0 [sflag:s0], $0xD00  }
0x62: {  	[sflag:s0] =	ssyncset.done @!p0 $0x0  }
0x63: {  	[sflag:s0] =	ssyncadd.s32 @!p0 $0xFFFFF300  }
0x64: {  	_ =	swait.ge @!p0 [sflag:s0], $0xD00  }
0x65: {  	[sflag:s0] =	ssyncset.done @!p0 $0x0  }
0x66: {  	[sflag:s0] =	ssyncadd.s32 @!p0 $0xFFFFF300  }
0x67: {  	_ =	swait.ge @!p0 [sflag:s0], $0xD00  }
0x68: {  	[sflag:s0] =	ssyncset.done @!p0 $0x0  }
0x69: {  	[sflag:s0] =	ssyncadd.s32 @!p0 $0xFFFFF300  }
0x6a: {  	_ =	swait.ge @!p0 [sflag:s0], $0xD00  }
0x6b: {  	[sflag:s0] =	ssyncset.done @!p0 $0x0  }
0x6c: {  	[sflag:s0] =	ssyncadd.s32 @!p0 $0xFFFFF300  }
0x6d: {  	_ =	swait.ge @!p0 [sflag:s0], $0xD00  }
0x6e: {  	[sflag:s0] =	ssyncset.done @!p0 $0x0  }
0x6f: {  	s6 =	simm.s32 $0x400;
	[sflag:s0] =	ssyncadd.s32 @!p0 $0xFFFFF300  }
0x70: {  	v0 =	vld [tilespmem:s6+$0xFFFFFE00];
	_ =	sdelay $0x3  }
0x71: {  	s1 =	simm.s32 $0xD400  }
0x72: {  	[tilespmem:s1+$0xFFFFFE00] =	vst v0  }
0x73: {  	v0 =	vld [tilespmem:s6+$0xFFFFFE10];
	_ =	sdelay $0x4  }
0x74: {  	[tilespmem:s1+$0xFFFFFE10] =	vst v0  }
0x75: {  	v0 =	vld [tilespmem:s6+$0xFFFFFE20];
	_ =	sdelay $0x4  }
0x76: {  	[tilespmem:s1+$0xFFFFFE20] =	vst v0  }
0x77: {  	v0 =	vld [tilespmem:s6+$0xFFFFFE30];
	_ =	sdelay $0x4  }
0x78: {  	[tilespmem:s1+$0xFFFFFE30] =	vst v0  }
0x79: {  	v0 =	vld [tilespmem:s6+$0xFFFFFE80];
	_ =	sdelay $0x4  }
0x7a: {  	[tilespmem:s1+$0xFFFFFE80] =	vst v0  }
0x7b: {  	v0 =	vld [tilespmem:s6+$0xFFFFFE90];
	_ =	sdelay $0x4  }
0x7c: {  	[tilespmem:s1+$0xFFFFFE90] =	vst v0  }
0x7d: {  	v0 =	vld [tilespmem:s6+$0xFFFFFEA0];
	_ =	sdelay $0x4  }
0x7e: {  	[tilespmem:s1+$0xFFFFFEA0] =	vst v0  }
0x7f: {  	v0 =	vld [tilespmem:s6+$0xFFFFFEB0];
	_ =	sdelay $0x4  }
0x80: {  	[tilespmem:s1+$0xFFFFFEB0] =	vst v0  }
0x81: {  	v0 =	vld [tilespmem:s6+$0xFFFFFF00];
	_ =	sdelay $0x4  }
0x82: {  	[tilespmem:s1+$0xFFFFFF00] =	vst v0  }
0x83: {  	v0 =	vld [tilespmem:s6+$0xFFFFFF10];
	_ =	sdelay $0x4  }
0x84: {  	[tilespmem:s1+$0xFFFFFF10] =	vst v0  }
0x85: {  	v0 =	vld [tilespmem:s6+$0xFFFFFF20];
	_ =	sdelay $0x4  }
0x86: {  	[tilespmem:s1+$0xFFFFFF20] =	vst v0  }
0x87: {  	v0 =	vld [tilespmem:s6+$0xFFFFFF30];
	_ =	sdelay $0x4  }
0x88: {  	[tilespmem:s1+$0xFFFFFF30] =	vst v0  }
0x89: {  	v0 =	vld [tilespmem:s6+$0xFFFFFF80];
	_ =	sdelay $0x4  }
0x8a: {  	[tilespmem:s1+$0xFFFFFF80] =	vst v0  }
0x8b: {  	v0 =	vld [tilespmem:s6+$0xFFFFFF90];
	_ =	sdelay $0x4  }
0x8c: {  	[tilespmem:s1+$0xFFFFFF90] =	vst v0  }
0x8d: {  	v0 =	vld [tilespmem:s6+$0xFFFFFFA0];
	_ =	sdelay $0x4  }
0x8e: {  	[tilespmem:s1+$0xFFFFFFA0] =	vst v0  }
0x8f: {  	v0 =	vld [tilespmem:s6+$0xFFFFFFB0];
	_ =	sdelay $0x4  }
0x90: {  	[tilespmem:s1+$0xFFFFFFB0] =	vst v0  }
0x91: {  	v0 =	vld [tilespmem:s6+$0x0];
	_ =	sdelay $0x4  }
0x92: {  	[tilespmem:s1+$0x0] =	vst v0  }
0x93: {  	v0 =	vld [tilespmem:s6+$0x10];
	_ =	sdelay $0x4  }
0x94: {  	[tilespmem:s1+$0x10] =	vst v0  }
0x95: {  	v0 =	vld [tilespmem:s6+$0x20];
	_ =	sdelay $0x4  }
0x96: {  	[tilespmem:s1+$0x20] =	vst v0  }
0x97: {  	v0 =	vld [tilespmem:s6+$0x30];
	_ =	sdelay $0x4  }
0x98: {  	[tilespmem:s1+$0x30] =	vst v0  }
0x99: {  	v0 =	vld [tilespmem:s6+$0x80];
	_ =	sdelay $0x4  }
0x9a: {  	[tilespmem:s1+$0x80] =	vst v0  }
0x9b: {  	v0 =	vld [tilespmem:s6+$0x90];
	_ =	sdelay $0x4  }
0x9c: {  	[tilespmem:s1+$0x90] =	vst v0  }
0x9d: {  	v0 =	vld [tilespmem:s6+$0xA0];
	_ =	sdelay $0x4  }
0x9e: {  	[tilespmem:s1+$0xA0] =	vst v0  }
0x9f: {  	v0 =	vld [tilespmem:s6+$0xB0];
	_ =	sdelay $0x4  }
0xa0: {  	[tilespmem:s1+$0xB0] =	vst v0  }
0xa1: {  	v0 =	vld [tilespmem:s6+$0x100];
	_ =	sdelay $0x4  }
0xa2: {  	[tilespmem:s1+$0x100] =	vst v0  }
0xa3: {  	v0 =	vld [tilespmem:s6+$0x110];
	_ =	sdelay $0x4  }
0xa4: {  	[tilespmem:s1+$0x110] =	vst v0  }
0xa5: {  	v0 =	vld [tilespmem:s6+$0x120];
	_ =	sdelay $0x4  }
0xa6: {  	[tilespmem:s1+$0x120] =	vst v0  }
0xa7: {  	v0 =	vld [tilespmem:s6+$0x130];
	_ =	sdelay $0x4  }
0xa8: {  	[tilespmem:s1+$0x130] =	vst v0  }
0xa9: {  	v0 =	vld [tilespmem:s6+$0x180];
	_ =	sdelay $0x4  }
0xaa: {  	[tilespmem:s1+$0x180] =	vst v0  }
0xab: {  	v0 =	vld [tilespmem:s6+$0x190];
	_ =	sdelay $0x4  }
0xac: {  	[tilespmem:s1+$0x190] =	vst v0  }
0xad: {  	v0 =	vld [tilespmem:s6+$0x1A0];
	_ =	sdelay $0x4  }
0xae: {  	[tilespmem:s1+$0x1A0] =	vst v0  }
0xaf: {  	v0 =	vld [tilespmem:s6+$0x1B0];
	_ =	sdelay $0x4  }
0xb0: {  	s31 =	sshll.u32 s30, $0x4;
	s0 =	simm.s32 $0x0;
	s6 =	simm.s32 $0x800;
	[tilespmem:s1+$0x1B0] =	vst v0  }
.LBB2_3:
0xb1: {  	v0 =	vld [tilespmem:s6+$0xFFFFFE00];
	s0 =	sadd.s32 $0x8, s0  }
0xb2: {  	p1 =	slt.u32 s0, $0xC8;
	_ =	sdelay $0x2  }
0xb3: {  	s1 =	sadd.s32 $0x400, s1  }
0xb4: {  	[tilespmem:s1+$0xFFFFFE00] =	vst v0  }
0xb5: {  	v0 =	vld [tilespmem:s6+$0xFFFFFE10];
	_ =	sdelay $0x4  }
0xb6: {  	[tilespmem:s1+$0xFFFFFE10] =	vst v0  }
0xb7: {  	v0 =	vld [tilespmem:s6+$0xFFFFFE20];
	_ =	sdelay $0x4  }
0xb8: {  	[tilespmem:s1+$0xFFFFFE20] =	vst v0  }
0xb9: {  	v0 =	vld [tilespmem:s6+$0xFFFFFE30];
	_ =	sdelay $0x4  }
0xba: {  	[tilespmem:s1+$0xFFFFFE30] =	vst v0  }
0xbb: {  	v0 =	vld [tilespmem:s6+$0xFFFFFE80];
	_ =	sdelay $0x4  }
0xbc: {  	[tilespmem:s1+$0xFFFFFE80] =	vst v0  }
0xbd: {  	v0 =	vld [tilespmem:s6+$0xFFFFFE90];
	_ =	sdelay $0x4  }
0xbe: {  	[tilespmem:s1+$0xFFFFFE90] =	vst v0  }
0xbf: {  	v0 =	vld [tilespmem:s6+$0xFFFFFEA0];
	_ =	sdelay $0x4  }
0xc0: {  	[tilespmem:s1+$0xFFFFFEA0] =	vst v0  }
0xc1: {  	v0 =	vld [tilespmem:s6+$0xFFFFFEB0];
	_ =	sdelay $0x4  }
0xc2: {  	[tilespmem:s1+$0xFFFFFEB0] =	vst v0  }
0xc3: {  	v0 =	vld [tilespmem:s6+$0xFFFFFF00];
	_ =	sdelay $0x4  }
0xc4: {  	[tilespmem:s1+$0xFFFFFF00] =	vst v0  }
0xc5: {  	v0 =	vld [tilespmem:s6+$0xFFFFFF10];
	_ =	sdelay $0x4  }
0xc6: {  	[tilespmem:s1+$0xFFFFFF10] =	vst v0  }
0xc7: {  	v0 =	vld [tilespmem:s6+$0xFFFFFF20];
	_ =	sdelay $0x4  }
0xc8: {  	[tilespmem:s1+$0xFFFFFF20] =	vst v0  }
0xc9: {  	v0 =	vld [tilespmem:s6+$0xFFFFFF30];
	_ =	sdelay $0x4  }
0xca: {  	[tilespmem:s1+$0xFFFFFF30] =	vst v0  }
0xcb: {  	v0 =	vld [tilespmem:s6+$0xFFFFFF80];
	_ =	sdelay $0x4  }
0xcc: {  	[tilespmem:s1+$0xFFFFFF80] =	vst v0  }
0xcd: {  	v0 =	vld [tilespmem:s6+$0xFFFFFF90];
	_ =	sdelay $0x4  }
0xce: {  	[tilespmem:s1+$0xFFFFFF90] =	vst v0  }
0xcf: {  	v0 =	vld [tilespmem:s6+$0xFFFFFFA0];
	_ =	sdelay $0x4  }
0xd0: {  	[tilespmem:s1+$0xFFFFFFA0] =	vst v0  }
0xd1: {  	v0 =	vld [tilespmem:s6+$0xFFFFFFB0];
	_ =	sdelay $0x4  }
0xd2: {  	[tilespmem:s1+$0xFFFFFFB0] =	vst v0  }
0xd3: {  	v0 =	vld [tilespmem:s6+$0x0];
	_ =	sdelay $0x4  }
0xd4: {  	[tilespmem:s1+$0x0] =	vst v0  }
0xd5: {  	v0 =	vld [tilespmem:s6+$0x10];
	_ =	sdelay $0x4  }
0xd6: {  	[tilespmem:s1+$0x10] =	vst v0  }
0xd7: {  	v0 =	vld [tilespmem:s6+$0x20];
	_ =	sdelay $0x4  }
0xd8: {  	[tilespmem:s1+$0x20] =	vst v0  }
0xd9: {  	v0 =	vld [tilespmem:s6+$0x30];
	_ =	sdelay $0x4  }
0xda: {  	[tilespmem:s1+$0x30] =	vst v0  }
0xdb: {  	v0 =	vld [tilespmem:s6+$0x80];
	_ =	sdelay $0x4  }
0xdc: {  	[tilespmem:s1+$0x80] =	vst v0  }
0xdd: {  	v0 =	vld [tilespmem:s6+$0x90];
	_ =	sdelay $0x4  }
0xde: {  	[tilespmem:s1+$0x90] =	vst v0  }
0xdf: {  	v0 =	vld [tilespmem:s6+$0xA0];
	_ =	sdelay $0x4  }
0xe0: {  	[tilespmem:s1+$0xA0] =	vst v0  }
0xe1: {  	v0 =	vld [tilespmem:s6+$0xB0];
	_ =	sdelay $0x4  }
0xe2: {  	[tilespmem:s1+$0xB0] =	vst v0  }
0xe3: {  	v0 =	vld [tilespmem:s6+$0x100];
	_ =	sdelay $0x4  }
0xe4: {  	[tilespmem:s1+$0x100] =	vst v0  }
0xe5: {  	v0 =	vld [tilespmem:s6+$0x110];
	_ =	sdelay $0x4  }
0xe6: {  	[tilespmem:s1+$0x110] =	vst v0  }
0xe7: {  	v0 =	vld [tilespmem:s6+$0x120];
	_ =	sdelay $0x4  }
0xe8: {  	[tilespmem:s1+$0x120] =	vst v0  }
0xe9: {  	v0 =	vld [tilespmem:s6+$0x130];
	_ =	sdelay $0x4  }
0xea: {  	[tilespmem:s1+$0x130] =	vst v0  }
0xeb: {  	v0 =	vld [tilespmem:s6+$0x180];
	_ =	sdelay $0x4  }
0xec: {  	[tilespmem:s1+$0x180] =	vst v0  }
0xed: {  	v0 =	vld [tilespmem:s6+$0x190];
	_ =	sdelay $0x4  }
0xee: {  	[tilespmem:s1+$0x190] =	vst v0  }
0xef: {  	v0 =	vld [tilespmem:s6+$0x1A0];
	_ =	sdelay $0x4  }
0xf0: {  	[tilespmem:s1+$0x1A0] =	vst v0  }
0xf1: {  	v0 =	vld [tilespmem:s6+$0x1B0]  }
.Ltmp2:
0xf2: {  	(pc) =	sbr.rel @p1 .LBB2_3-.Ltmp2, $2  }
0xf3: {  	_ =	sdelay $0x2  }
0xf4: {  	s6 =	sadd.s32 $0x400, s6;
	[tilespmem:s1+$0x1B0] =	vst v0  }
0xf5: {  	s0 =	sadd.s32 s7, s31  }
0xf6: {  	s0 =	sshll.u32 s0, $0x9  }
0xf7: {  	s6 =	simm.s32 $0xD200;
	s1 =	sadd.s32 s5, s0  }
0xf8: {  	[hbm4b:s1+s3] =	stream.linear.scatter [tilespmem:s6], [sflag:$0x3], $0xD00, $0x38;
	[tilespmem:$0x1A200] =	vst v63  }
0xf9: {  	s1 =	sadd.s32 s0, s9;
	s6 =	simm.s32 $0xDF00  }
0xfa: {  	[hbm4b:s1+s3] =	stream.linear.scatter [tilespmem:s6], [sflag:$0x3], $0xD00, $0x38;
	[tilespmem:$0x1A200] =	vst v63  }
0xfb: {  	s1 =	sadd.s32 s0, s10;
	s6 =	simm.s32 $0xEC00  }
0xfc: {  	[hbm4b:s1+s3] =	stream.linear.scatter [tilespmem:s6], [sflag:$0x3], $0xD00, $0x38;
	[tilespmem:$0x1A200] =	vst v63  }
0xfd: {  	s1 =	sadd.s32 s0, s11;
	s6 =	simm.s32 $0xF900  }
0xfe: {  	[hbm4b:s1+s3] =	stream.linear.scatter [tilespmem:s6], [sflag:$0x3], $0xD00, $0x38;
	[tilespmem:$0x1A200] =	vst v63  }
0xff: {  	s1 =	sadd.s32 s0, s12;
	s6 =	simm.s32 $0x10600  }
0x100: {  	[hbm4b:s1+s3] =	stream.linear.scatter [tilespmem:s6], [sflag:$0x3], $0xD00, $0x38;
	[tilespmem:$0x1A200] =	vst v63  }
0x101: {  	p1 =	sne.s32 s30, $0x1F;
	s1 =	sadd.s32 s0, s13;
	s6 =	simm.s32 $0x11300  }
0x102: {  	[hbm4b:s1+s3] =	stream.linear.scatter [tilespmem:s6], [sflag:$0x3], $0xD00, $0x38;
	[tilespmem:$0x1A200] =	vst v63  }
.Ltmp3:
0x103: {  	_ = 	snop;
	(pc) =	sbr.rel @p1 .LBB2_6-.Ltmp3, $4  }
0x104: {  	s1 =	sadd.s32 s0, s14;
	s6 =	simm.s32 $0x12000  }
0x105: {  	[hbm4b:s1+s3] =	stream.linear.scatter [tilespmem:s6], [sflag:$0x3], $0xD00, $0x38;
	[tilespmem:$0x1A200] =	vst v63  }
0x106: {  	s0 =	sadd.s32 s0, s15;
	s6 =	simm.s32 $0x12D00  }
0x107: {  	[hbm4b:s0+s3] =	stream.linear.scatter [tilespmem:s6], [sflag:$0x3], $0xD00, $0x38;
	[tilespmem:$0x1A200] =	vst v63  }
.Ltmp4:
0x108: {  	(pc) =	sbr.rel .LBB2_7-.Ltmp4, $4  }
0x109: {  	_ = 	snop  }
0x10a: {  	_ =	swait.ge [sflag:s8], $0x6800  }
0x10b: {  	[sflag:s8] =	ssyncset.done $0x0  }
0x10c: {  	[sflag:s8] =	ssyncadd.s32 $0xFFFF9800  }
.LBB2_6:
0x10d: {  	s0 =	rddreg [dreg:$0x5]  }
0x10e: {  	s0 =	sadd.s32 s31, s0  }
0x10f: {  	s0 =	smul.u32 $0x1A, s0;
	_ =	sdelay $0x1  }
0x110: {  	s0 =	sshrl.u32 s0, $0x3  }
0x111: {  	s0 =	sadd.s32 s2, s0  }
0x112: {  	[tilespmem:s3], [sflag:$0x5] =	stream.linear.gather [hbm4b:s0+s3], $0xD0, $0x38;
	[tilespmem:$0x1A200] =	vst v63  }
0x113: {  	_ =	swait.ge [sflag:s19], $0xD0  }
0x114: {  	[sflag:s19] =	ssyncset.done $0x0  }
.Ltmp5:
0x115: {  	s6 =	simm.s32 $0x200;
	[sflag:s19] =	ssyncadd.s32 $0xFFFFFF30;
	(pc) =	sbr.rel @p0 .LBB2_8-.Ltmp5, $4  }
0x116: {  	[tilespmem:s6], [sflag:$0x1] =	stream.indirect.gather [hbm4b:s4+s20], $0x80, s3, s20, $0xb8;
	[tilespmem:$0x1A200] =	vst v63  }
0x117: {  	_ =	swait.ge [sflag:s8], $0x6800  }
0x118: {  	[sflag:s8] =	ssyncset.done $0x0  }
0x119: {  	[sflag:s8] =	ssyncadd.s32 $0xFFFF9800  }
.LBB2_7:
0x11a: {  	_ =	swait.ge [sflag:s18], $0xD00  }
0x11b: {  	[sflag:s18] =	ssyncset.done $0x0  }
0x11c: {  	[sflag:s18] =	ssyncadd.s32 $0xFFFFF300  }
0x11d: {  	_ =	swait.ge [sflag:s18], $0xD00  }
0x11e: {  	[sflag:s18] =	ssyncset.done $0x0  }
0x11f: {  	[sflag:s18] =	ssyncadd.s32 $0xFFFFF300  }
0x120: {  	_ =	swait.ge [sflag:s18], $0xD00  }
0x121: {  	[sflag:s18] =	ssyncset.done $0x0  }
0x122: {  	[sflag:s18] =	ssyncadd.s32 $0xFFFFF300  }
0x123: {  	_ =	swait.ge [sflag:s18], $0xD00  }
0x124: {  	[sflag:s18] =	ssyncset.done $0x0  }
0x125: {  	[sflag:s18] =	ssyncadd.s32 $0xFFFFF300  }
0x126: {  	_ =	swait.ge [sflag:s18], $0xD00  }
0x127: {  	[sflag:s18] =	ssyncset.done $0x0  }
0x128: {  	[sflag:s18] =	ssyncadd.s32 $0xFFFFF300  }
0x129: {  	_ =	swait.ge [sflag:s18], $0xD00  }
0x12a: {  	[sflag:s18] =	ssyncset.done $0x0  }
0x12b: {  	[sflag:s18] =	ssyncadd.s32 $0xFFFFF300  }
0x12c: {  	_ =	swait.ge [sflag:s18], $0xD00  }
0x12d: {  	[sflag:s18] =	ssyncset.done $0x0  }
0x12e: {  	[sflag:s18] =	ssyncadd.s32 $0xFFFFF300  }
0x12f: {  	_ =	swait.ge [sflag:s18], $0xD00  }
0x130: {  	[sflag:s18] =	ssyncset.done $0x0  }
0x131: {  	[sflag:s18] =	ssyncadd.s32 $0xFFFFF300  }
.LBB2_8:
0x132: {  	s0 =	simm.s32 $0x6C00  }
0x133: {  	v0 =	vld [tilespmem:s0+$0xFFFFFE00];
	_ =	sdelay $0x3  }
0x134: {  	s1 =	simm.s32 $0x13C00  }
0x135: {  	[tilespmem:s1+$0xFFFFFE00] =	vst v0  }
0x136: {  	v0 =	vld [tilespmem:s0+$0xFFFFFE10];
	_ =	sdelay $0x4  }
0x137: {  	[tilespmem:s1+$0xFFFFFE10] =	vst v0  }
0x138: {  	v0 =	vld [tilespmem:s0+$0xFFFFFE20];
	_ =	sdelay $0x4  }
0x139: {  	[tilespmem:s1+$0xFFFFFE20] =	vst v0  }
0x13a: {  	v0 =	vld [tilespmem:s0+$0xFFFFFE30];
	_ =	sdelay $0x4  }
0x13b: {  	[tilespmem:s1+$0xFFFFFE30] =	vst v0  }
0x13c: {  	v0 =	vld [tilespmem:s0+$0xFFFFFE80];
	_ =	sdelay $0x4  }
0x13d: {  	[tilespmem:s1+$0xFFFFFE80] =	vst v0  }
0x13e: {  	v0 =	vld [tilespmem:s0+$0xFFFFFE90];
	_ =	sdelay $0x4  }
0x13f: {  	[tilespmem:s1+$0xFFFFFE90] =	vst v0  }
0x140: {  	v0 =	vld [tilespmem:s0+$0xFFFFFEA0];
	_ =	sdelay $0x4  }
0x141: {  	[tilespmem:s1+$0xFFFFFEA0] =	vst v0  }
0x142: {  	v0 =	vld [tilespmem:s0+$0xFFFFFEB0];
	_ =	sdelay $0x4  }
0x143: {  	[tilespmem:s1+$0xFFFFFEB0] =	vst v0  }
0x144: {  	v0 =	vld [tilespmem:s0+$0xFFFFFF00];
	_ =	sdelay $0x4  }
0x145: {  	[tilespmem:s1+$0xFFFFFF00] =	vst v0  }
0x146: {  	v0 =	vld [tilespmem:s0+$0xFFFFFF10];
	_ =	sdelay $0x4  }
0x147: {  	[tilespmem:s1+$0xFFFFFF10] =	vst v0  }
0x148: {  	v0 =	vld [tilespmem:s0+$0xFFFFFF20];
	_ =	sdelay $0x4  }
0x149: {  	[tilespmem:s1+$0xFFFFFF20] =	vst v0  }
0x14a: {  	v0 =	vld [tilespmem:s0+$0xFFFFFF30];
	_ =	sdelay $0x4  }
0x14b: {  	[tilespmem:s1+$0xFFFFFF30] =	vst v0  }
0x14c: {  	v0 =	vld [tilespmem:s0+$0xFFFFFF80];
	_ =	sdelay $0x4  }
0x14d: {  	[tilespmem:s1+$0xFFFFFF80] =	vst v0  }
0x14e: {  	v0 =	vld [tilespmem:s0+$0xFFFFFF90];
	_ =	sdelay $0x4  }
0x14f: {  	[tilespmem:s1+$0xFFFFFF90] =	vst v0  }
0x150: {  	v0 =	vld [tilespmem:s0+$0xFFFFFFA0];
	_ =	sdelay $0x4  }
0x151: {  	[tilespmem:s1+$0xFFFFFFA0] =	vst v0  }
0x152: {  	v0 =	vld [tilespmem:s0+$0xFFFFFFB0];
	_ =	sdelay $0x4  }
0x153: {  	[tilespmem:s1+$0xFFFFFFB0] =	vst v0  }
0x154: {  	v0 =	vld [tilespmem:s0+$0x0];
	_ =	sdelay $0x4  }
0x155: {  	[tilespmem:s1+$0x0] =	vst v0  }
0x156: {  	v0 =	vld [tilespmem:s0+$0x10];
	_ =	sdelay $0x4  }
0x157: {  	[tilespmem:s1+$0x10] =	vst v0  }
0x158: {  	v0 =	vld [tilespmem:s0+$0x20];
	_ =	sdelay $0x4  }
0x159: {  	[tilespmem:s1+$0x20] =	vst v0  }
0x15a: {  	v0 =	vld [tilespmem:s0+$0x30];
	_ =	sdelay $0x4  }
0x15b: {  	[tilespmem:s1+$0x30] =	vst v0  }
0x15c: {  	v0 =	vld [tilespmem:s0+$0x80];
	_ =	sdelay $0x4  }
0x15d: {  	[tilespmem:s1+$0x80] =	vst v0  }
0x15e: {  	v0 =	vld [tilespmem:s0+$0x90];
	_ =	sdelay $0x4  }
0x15f: {  	[tilespmem:s1+$0x90] =	vst v0  }
0x160: {  	v0 =	vld [tilespmem:s0+$0xA0];
	_ =	sdelay $0x4  }
0x161: {  	[tilespmem:s1+$0xA0] =	vst v0  }
0x162: {  	v0 =	vld [tilespmem:s0+$0xB0];
	_ =	sdelay $0x4  }
0x163: {  	[tilespmem:s1+$0xB0] =	vst v0  }
0x164: {  	v0 =	vld [tilespmem:s0+$0x100];
	_ =	sdelay $0x4  }
0x165: {  	[tilespmem:s1+$0x100] =	vst v0  }
0x166: {  	v0 =	vld [tilespmem:s0+$0x110];
	_ =	sdelay $0x4  }
0x167: {  	[tilespmem:s1+$0x110] =	vst v0  }
0x168: {  	v0 =	vld [tilespmem:s0+$0x120];
	_ =	sdelay $0x4  }
0x169: {  	[tilespmem:s1+$0x120] =	vst v0  }
0x16a: {  	v0 =	vld [tilespmem:s0+$0x130];
	_ =	sdelay $0x4  }
0x16b: {  	[tilespmem:s1+$0x130] =	vst v0  }
0x16c: {  	v0 =	vld [tilespmem:s0+$0x180];
	_ =	sdelay $0x4  }
0x16d: {  	[tilespmem:s1+$0x180] =	vst v0  }
0x16e: {  	v0 =	vld [tilespmem:s0+$0x190];
	_ =	sdelay $0x4  }
0x16f: {  	[tilespmem:s1+$0x190] =	vst v0  }
0x170: {  	v0 =	vld [tilespmem:s0+$0x1A0];
	_ =	sdelay $0x4  }
0x171: {  	[tilespmem:s1+$0x1A0] =	vst v0  }
0x172: {  	v0 =	vld [tilespmem:s0+$0x1B0];
	_ =	sdelay $0x4  }
0x173: {  	s6 =	simm.s32 $0x7000;
	s0 =	simm.s32 $0x0;
	[tilespmem:s1+$0x1B0] =	vst v0  }
.LBB2_9:
0x174: {  	v0 =	vld [tilespmem:s6+$0xFFFFFE00];
	s0 =	sadd.s32 $0x8, s0  }
0x175: {  	p0 =	slt.u32 s0, $0xC8;
	_ =	sdelay $0x2  }
0x176: {  	s1 =	sadd.s32 $0x400, s1  }
0x177: {  	[tilespmem:s1+$0xFFFFFE00] =	vst v0  }
0x178: {  	v0 =	vld [tilespmem:s6+$0xFFFFFE10];
	_ =	sdelay $0x4  }
0x179: {  	[tilespmem:s1+$0xFFFFFE10] =	vst v0  }
0x17a: {  	v0 =	vld [tilespmem:s6+$0xFFFFFE20];
	_ =	sdelay $0x4  }
0x17b: {  	[tilespmem:s1+$0xFFFFFE20] =	vst v0  }
0x17c: {  	v0 =	vld [tilespmem:s6+$0xFFFFFE30];
	_ =	sdelay $0x4  }
0x17d: {  	[tilespmem:s1+$0xFFFFFE30] =	vst v0  }
0x17e: {  	v0 =	vld [tilespmem:s6+$0xFFFFFE80];
	_ =	sdelay $0x4  }
0x17f: {  	[tilespmem:s1+$0xFFFFFE80] =	vst v0  }
0x180: {  	v0 =	vld [tilespmem:s6+$0xFFFFFE90];
	_ =	sdelay $0x4  }
0x181: {  	[tilespmem:s1+$0xFFFFFE90] =	vst v0  }
0x182: {  	v0 =	vld [tilespmem:s6+$0xFFFFFEA0];
	_ =	sdelay $0x4  }
0x183: {  	[tilespmem:s1+$0xFFFFFEA0] =	vst v0  }
0x184: {  	v0 =	vld [tilespmem:s6+$0xFFFFFEB0];
	_ =	sdelay $0x4  }
0x185: {  	[tilespmem:s1+$0xFFFFFEB0] =	vst v0  }
0x186: {  	v0 =	vld [tilespmem:s6+$0xFFFFFF00];
	_ =	sdelay $0x4  }
0x187: {  	[tilespmem:s1+$0xFFFFFF00] =	vst v0  }
0x188: {  	v0 =	vld [tilespmem:s6+$0xFFFFFF10];
	_ =	sdelay $0x4  }
0x189: {  	[tilespmem:s1+$0xFFFFFF10] =	vst v0  }
0x18a: {  	v0 =	vld [tilespmem:s6+$0xFFFFFF20];
	_ =	sdelay $0x4  }
0x18b: {  	[tilespmem:s1+$0xFFFFFF20] =	vst v0  }
0x18c: {  	v0 =	vld [tilespmem:s6+$0xFFFFFF30];
	_ =	sdelay $0x4  }
0x18d: {  	[tilespmem:s1+$0xFFFFFF30] =	vst v0  }
0x18e: {  	v0 =	vld [tilespmem:s6+$0xFFFFFF80];
	_ =	sdelay $0x4  }
0x18f: {  	[tilespmem:s1+$0xFFFFFF80] =	vst v0  }
0x190: {  	v0 =	vld [tilespmem:s6+$0xFFFFFF90];
	_ =	sdelay $0x4  }
0x191: {  	[tilespmem:s1+$0xFFFFFF90] =	vst v0  }
0x192: {  	v0 =	vld [tilespmem:s6+$0xFFFFFFA0];
	_ =	sdelay $0x4  }
0x193: {  	[tilespmem:s1+$0xFFFFFFA0] =	vst v0  }
0x194: {  	v0 =	vld [tilespmem:s6+$0xFFFFFFB0];
	_ =	sdelay $0x4  }
0x195: {  	[tilespmem:s1+$0xFFFFFFB0] =	vst v0  }
0x196: {  	v0 =	vld [tilespmem:s6+$0x0];
	_ =	sdelay $0x4  }
0x197: {  	[tilespmem:s1+$0x0] =	vst v0  }
0x198: {  	v0 =	vld [tilespmem:s6+$0x10];
	_ =	sdelay $0x4  }
0x199: {  	[tilespmem:s1+$0x10] =	vst v0  }
0x19a: {  	v0 =	vld [tilespmem:s6+$0x20];
	_ =	sdelay $0x4  }
0x19b: {  	[tilespmem:s1+$0x20] =	vst v0  }
0x19c: {  	v0 =	vld [tilespmem:s6+$0x30];
	_ =	sdelay $0x4  }
0x19d: {  	[tilespmem:s1+$0x30] =	vst v0  }
0x19e: {  	v0 =	vld [tilespmem:s6+$0x80];
	_ =	sdelay $0x4  }
0x19f: {  	[tilespmem:s1+$0x80] =	vst v0  }
0x1a0: {  	v0 =	vld [tilespmem:s6+$0x90];
	_ =	sdelay $0x4  }
0x1a1: {  	[tilespmem:s1+$0x90] =	vst v0  }
0x1a2: {  	v0 =	vld [tilespmem:s6+$0xA0];
	_ =	sdelay $0x4  }
0x1a3: {  	[tilespmem:s1+$0xA0] =	vst v0  }
0x1a4: {  	v0 =	vld [tilespmem:s6+$0xB0];
	_ =	sdelay $0x4  }
0x1a5: {  	[tilespmem:s1+$0xB0] =	vst v0  }
0x1a6: {  	v0 =	vld [tilespmem:s6+$0x100];
	_ =	sdelay $0x4  }
0x1a7: {  	[tilespmem:s1+$0x100] =	vst v0  }
0x1a8: {  	v0 =	vld [tilespmem:s6+$0x110];
	_ =	sdelay $0x4  }
0x1a9: {  	[tilespmem:s1+$0x110] =	vst v0  }
0x1aa: {  	v0 =	vld [tilespmem:s6+$0x120];
	_ =	sdelay $0x4  }
0x1ab: {  	[tilespmem:s1+$0x120] =	vst v0  }
0x1ac: {  	v0 =	vld [tilespmem:s6+$0x130];
	_ =	sdelay $0x4  }
0x1ad: {  	[tilespmem:s1+$0x130] =	vst v0  }
0x1ae: {  	v0 =	vld [tilespmem:s6+$0x180];
	_ =	sdelay $0x4  }
0x1af: {  	[tilespmem:s1+$0x180] =	vst v0  }
0x1b0: {  	v0 =	vld [tilespmem:s6+$0x190];
	_ =	sdelay $0x4  }
0x1b1: {  	[tilespmem:s1+$0x190] =	vst v0  }
0x1b2: {  	v0 =	vld [tilespmem:s6+$0x1A0];
	_ =	sdelay $0x4  }
0x1b3: {  	[tilespmem:s1+$0x1A0] =	vst v0  }
0x1b4: {  	v0 =	vld [tilespmem:s6+$0x1B0]  }
.Ltmp6:
0x1b5: {  	(pc) =	sbr.rel @p0 .LBB2_9-.Ltmp6, $2  }
0x1b6: {  	_ =	sdelay $0x2  }
0x1b7: {  	s6 =	sadd.s32 $0x400, s6;
	[tilespmem:s1+$0x1B0] =	vst v0  }
0x1b8: {  	s0 =	sadd.s32 s31, s7  }
0x1b9: {  	s0 =	sshll.u32 s0, $0x9  }
0x1ba: {  	s0 =	sadd.s32 $0x1000, s0  }
0x1bb: {  	s0 =	sand.u32 $0x1FFFF000, s0  }
0x1bc: {  	s6 =	simm.s32 $0x13A00;
	s1 =	sadd.s32 s5, s0  }
0x1bd: {  	[hbm4b:s1+s3] =	stream.linear.scatter [tilespmem:s6], [sflag:$0x4], $0xD00, $0x38;
	[tilespmem:$0x1A200] =	vst v63  }
0x1be: {  	s6 =	sadd.s32 s0, s9  }
0x1bf: {  	[hbm4b:s6+s3] =	stream.linear.scatter [tilespmem:s21], [sflag:$0x4], $0xD00, $0x38;
	[tilespmem:$0x1A200] =	vst v63  }
0x1c0: {  	s6 =	sadd.s32 s0, s10  }
0x1c1: {  	[hbm4b:s6+s3] =	stream.linear.scatter [tilespmem:s16], [sflag:$0x4], $0xD00, $0x38;
	[tilespmem:$0x1A200] =	vst v63  }
0x1c2: {  	s6 =	sadd.s32 s0, s11  }
0x1c3: {  	[hbm4b:s6+s3] =	stream.linear.scatter [tilespmem:s23], [sflag:$0x4], $0xD00, $0x38;
	[tilespmem:$0x1A200] =	vst v63  }
0x1c4: {  	s6 =	sadd.s32 s0, s12  }
0x1c5: {  	[hbm4b:s6+s3] =	stream.linear.scatter [tilespmem:s25], [sflag:$0x4], $0xD00, $0x38;
	[tilespmem:$0x1A200] =	vst v63  }
0x1c6: {  	p0 =	seq.s32 s30, $0x1F;
	s6 =	sadd.s32 s0, s13  }
0x1c7: {  	[hbm4b:s6+s3] =	stream.linear.scatter [tilespmem:s26], [sflag:$0x4], $0xD00, $0x38;
	[tilespmem:$0x1A200] =	vst v63  }
.Ltmp7:
0x1c8: {  	_ = 	snop;
	(pc) =	sbr.rel @p0 .LBB2_12-.Ltmp7, $4  }
0x1c9: {  	s6 =	sadd.s32 s0, s14  }
0x1ca: {  	[hbm4b:s6+s3] =	stream.linear.scatter [tilespmem:s28], [sflag:$0x4], $0xD00, $0x38;
	[tilespmem:$0x1A200] =	vst v63  }
0x1cb: {  	s0 =	sadd.s32 s0, s15  }
0x1cc: {  	[hbm4b:s0+s3] =	stream.linear.scatter [tilespmem:s29], [sflag:$0x4], $0xD00, $0x38;
	[tilespmem:$0x1A200] =	vst v63  }
0x1cd: {  	s0 =	sadd.s32 s31, s17  }
0x1ce: {  	s0 =	smul.u32 $0x1A, s0;
	_ =	sdelay $0x1  }
0x1cf: {  	s0 =	sshrl.u32 s0, $0x3  }
0x1d0: {  	s0 =	sadd.s32 s2, s0  }
0x1d1: {  	[tilespmem:s22], [sflag:$0x5] =	stream.linear.gather [hbm4b:s0+s3], $0xD0, $0x38;
	[tilespmem:$0x1A200] =	vst v63  }
.Ltmp8:
0x1d2: {  	_ = 	snop;
	(pc) =	sbr.rel .LBB2_2-.Ltmp8, $4  }
0x1d3: {  	_ =	swait.ge [sflag:s19], $0xD0  }
0x1d4: {  	[sflag:s19] =	ssyncset.done $0x0  }
0x1d5: {  	s31 =	simm.s32 $0x6A00;
	s30 =	sadd.s32 $0x1, s30;
	[sflag:s19] =	ssyncadd.s32 $0xFFFFFF30  }
0x1d6: {  	[tilespmem:s31], [sflag:$0x2] =	stream.indirect.gather [hbm4b:s4+s20], $0x80, s22, s20, $0xb8;
	[tilespmem:$0x1A200] =	vst v63  }
.LBB2_13:
0x1d7: {  	_ =	sfence.sel $0x180000  }
0x1d8: {  	[bflag:$0x0] =	sbarrier.arrive $0xFFFF  }
0x1d9: {  	_ =	strace $0x9000004A  }
0x1da: {  	s0 =	stileid.u32;
	[bflag:$0x2] =	sbarrier.arrive $0xFFFF  }
0x1db: {  	p0 =	sne.s32 s0, $0x0;
	s0 =	rddreg [dreg:$0x2]  }
0x1dc: {  	s0 =	sadd.s32 @!p0 $0x100000, s0  }
0x1dd: {  	[sflag:s0] =	ssyncadd.tile.s32 @!p0 $0x1;
	_ =	shalt  }
.Lfunc_end2:
_tile_overlayer_lowered:
.L_overlay_start_2:
0x1de: {  	(tag) =	ssettag $0x2  }
0x1df: {  	s0 =	rddreg [dreg:$0x0];
	s2 =	stileid.u32  }
0x1e0: {  	s1 =	rddreg [dreg:$0x1];
	p0 =	sne.s32 s2, $0x0  }
0x1e1: {  	s3 =	rddreg [dreg:$0x2];
	[bflag:$0x3] =	sbarrier.arrive $0xFFFF;
	s2 =	simm.s32 @!p0 $0x1C05  }
0x1e2: {  	[timem:s3], [sflag:s2] =	dma.local @!p0 [hbm:s0], s1  }
0x1e3: {  	s0 =	simm.s32 @!p0 $0x5  }
0x1e4: {  	_ =	swait.ge @!p0 [sflag:s0], s1  }
0x1e5: {  	s1 =	ssub.s32 @!p0 $0x0, s1;
	[sflag:s0] =	ssyncset.done @!p0 $0x0  }
0x1e6: {  	[sflag:s0] =	ssyncadd.s32 @!p0 s1  }
0x1e7: {  	[bflag:$0x3] =	sbarrier.arrive $0xFFFF  }
0x1e8: {  	_ =	shalt  }

// kernel: sparse-core-data-format-call.1.cloned.1.call-start
scs
called_computation.1_lowered:
.L_overlay_start_0:
0x0: {  	s2 =	sld [smem:$0x3FD9]  }
0x1: {  	s3 =	sld [smem:$0x3FFE];
	_ =	sdelay $0x1  }
0x2: {  	s1 =	srdreg.scid  }
0x3: {  	s0 =	sand.u32 $0x1, s1  }
0x4: {  	s18 =	sshll.u32 s0, $0xA;
	s2 =	sadd.s32 s3, s2  }
0x5: {  	s2 =	sadd.s32 s2, s18  }
0x6: {  	[smem:$0x3FC6] =	sst s2  }
0x7: {  	_ = 	snop  }
0x8: {  	s2 =	sld [smem:$0x3FC8];
	(tm) =	ssettm $0x1  }
0x9: {  	s19 =	sld [smem:$0x3FFB];
	_ =	sdelay $0x3  }
0xa: {  	_ =	strace s19  }
0xb: {  	s3 =	sld [smem:$0x3FFC];
	_ =	sdelay $0x3  }
0xc: {  	_ =	strace s3  }
0xd: {  	s3 =	sld [smem:$0x3FFD];
	_ =	sdelay $0x3  }
0xe: {  	_ =	strace s3  }
0xf: {  	_ =	strace $0x8FFFFFFF  }
0x10: {  	s20 =	sld [smem:$0x3FDB];
	_ =	sdelay $0x1  }
0x11: {  	s4 =	simm.s32 $_scs_section_size  }
0x12: {  	s5 =	simm.s32 $_size__tile_overlayer_lowered;
	s6 =	simm.s32 $_tile_overlayer_lowered  }
0x13: {  	s23 =	simm.s32 $0x1BFF;
	s22 =	sshll.u32 s6, $0x1;
	s3 =	sadd.s32 s4, s20  }
0x14: {  	s7 =	simm.s32 $0x0;
	s21 =	sshll.u32 s5, $0x1;
	s5 =	sadd.s32 s22, s3  }
0x15: {  	[timem:s7], [sflag:s23] =	dma.local [hbm:s5], s21  }
0x16: {  	_ =	swait.ge [sflag:s23], s21  }
0x17: {  	s4 =	ssub.s32 $0x0, s21;
	[sflag:s23] =	ssyncset.done $0x0  }
0x18: {  	[sflag:s23] =	ssyncadd.s32 s4;
	_ =	sdelay $0x1  }
0x19: {  	s24 =	simm.s32 $0x1B8B  }
0x1a: {  	_ =	swait.ge [sflag:s24], $0x1  }
0x1b: {  	[sflag:s24] =	ssyncset.done $0x0  }
0x1c: {  	s26 =	simm.s32 $0x1B8E;
	s25 =	sld [smem:$0x3FFE];
	[sflag:s24] =	ssyncadd.s32 $0xFFFFFFFF  }
0x1d: {  	s27 =	simm.s32 $execute0_lowered;
	[smem:$0x3FD2] =	sst s26  }
0x1e: {  	s5 =	sshll.u32 s27, $0x1;
	_ =	strace $0x80000046;
	[dreg:$0x1] =	wrdreg $0xFFFFFFFF  }
0x1f: {  	s28 =	simm.s32 $_size_execute0_lowered;
	s3 =	sadd.s32 s3, s5;
	[dreg:$0x0] =	wrdreg $0x0  }
0x20: {  	s5 =	sshll.u32 s28, $0x1;
	[dreg:$0x2] =	wrdreg s3  }
0x21: {  	[dreg:$0x3] =	wrdreg s5  }
0x22: {  	[dreg:$0x4] =	wrdreg $0xC0  }
0x23: {  	_ =	task [dreg:s7], $0x5FFFF  }
0x24: {  	[dreg:$0x1] =	wrdreg $0xFFFFFFFF  }
0x25: {  	[dreg:$0x0] =	wrdreg $0x60  }
0x26: {  	[dreg:$0x2] =	wrdreg s2  }
0x27: {  	[dreg:$0x3] =	wrdreg s25  }
0x28: {  	[dreg:$0x4] =	wrdreg $0x9  }
0x29: {  	_ =	task.clear_ibuf [dreg:s7], $0x5FFFF;
	_ =	strace $0x90000046  }
0x2a: {  	s29 =	simm.s32 $0x9;
	_ =	strace $0x80000048  }
0x2b: {  	_ =	swait.ge [sflag:s29], $0x1  }
0x2c: {  	[sflag:s29] =	ssyncadd.s32 $0xFFFFFFFF  }
0x2d: {  	_ =	strace $0x90000048  }
0x2e: {  	_ =	sfence  }
0x2f: {  	s30 =	sld [smem:$0x0];
	_ =	sdelay $0x2  }
0x30: {  	s31 =	sshll.u32 s1, $0xD;
	s1 =	sshrl.u32 s1, $0x2  }
0x31: {  	s3 =	sand.u32 $0x4000, s31;
	s1 =	sadd.s32 s1, s30  }
0x32: {  	s0 =	sor.u32 s3, s0;
	s1 =	sshll.u32 s1, $0x11  }
0x33: {  	s0 =	sor.u32 s1, s0  }
0x34: {  	s0 =	sadd.s32 $0x8F2B, s0  }
0x35: {  	[sflag:s0] =	ssyncadd.remote.s32 $0x1  }
0x36: {  	_ =	sfence.sel $0xFFFF  }
0x37: {  	[dreg:$0x0] =	wrdreg $0xFFFFFFFF;
	(pc) =	sbr.abs _section_cstart, $3  }
0x38: {  	[dreg:$0x1] =	wrdreg $0xFFFFFFFF  }
0x39: {  	_ =	task.clear_ibuf [dreg:s7], $0x2FFFF;
	_ =	strace $0x9FFFFFFF  }
0x3a: {  	(tm) =	ssettm $0x7FFFFFFF  }
0x3b: {  	_ =	shalt  }
tec
execute0_lowered:
.L_overlay_start_1:
0x0: {  	(tag) =	ssettag $0x1  }
0x1: {  	s0 =	srdreg.scid;
	s2 =	rddreg [dreg:$0x0]  }
0x2: {  	s5 =	rddreg [dreg:$0x1];
	s1 =	stileid.u32  }
0x3: {  	s4 =	simm.s32 $0x1;
	s6 =	simm.s32 $0x2;
	s15 =	simm.s32 $0x0  }
0x4: {  	p0 =	por $0x0, $0x0;
	s8 =	simm.s32 $0x80;
	s0 =	sshll.u32 s0, $0x4  }
0x5: {  	s14 =	simm.s32 $0x0;
	s9 =	simm.s32 $0x0;
	s3 =	sand.u32 $0x10, s0  }
.Ltmp0:
0x6: {  	s10 =	simm.s32 $0x0;
	s3 =	sor.u32 s1, s3;
	(pc) =	sbr.rel .LBB1_1-.Ltmp0, $4  }
0x7: {  	s0 =	rddreg [dreg:$0x2];
	_ =	strace $0x80000047;
	s3 =	sshll.u32 s3, $0x7  }
0x8: {  	s12 =	simm.s32 $0x0;
	[sflag:s4] =	ssyncpa.u1 $0x0;
	s7 =	ssub.s32 $0xF4200, s3  }
0x9: {  	s13 =	simm.s32 $0x0;
	[sflag:s6] =	ssyncpa.u1 $0x0;
	s6 =	sshrl.u32 s7, $0xC  }
0xa: {  	s5 =	sadd.s32 $0xE00, s5;
	s11 =	smov.u32 s3;
	s7 =	sadd.s32 $0x2, s6  }
.LBB1_5:
0xb: {  	p1 =	slt.u32 s13, $0x2  }
0xc: {  	s17 =	smov.u32 s15;
	p2 =	sgt.s32 @!p1 s15, $0xF41C0;
	s16 =	sshra.s32 @!p1 s15, $0x1F  }
0xd: {  	p3 =	sgt.s32 @!p1 s14, $0x40;
	s18 =	sshra.s32 @!p1 s14, $0x1F;
	p2 =	por !p2, p1  }
0xe: {  	s15 =	sand.u32 @!p1 s16, s15;
	p3 =	por !p3, p1;
	s16 =	smov.u32 s14  }
0xf: {  	s14 =	sand.u32 @!p1 s18, s14;
	s17 =	simm.s32 @p2 $0xF41C0;
	s16 =	simm.s32 @p3 $0x40  }
0x10: {  	s15 =	ssub.s32 @!p1 s17, s15;
	s14 =	ssub.s32 @!p1 s16, s14  }
0x11: {  	s18 =	smov.u32 s12;
	s16 =	sadd.s32 @!p1 $0xFFF0BE40, s15;
	s17 =	sadd.s32 @!p1 $0xFFFFFFC0, s14  }
0x12: {  	s15 =	ssub.s32 @!p1 $0xF4240, s15;
	p2 =	sgt.s32 @!p1 s16, $0x7F;
	p3 =	sgt.s32 @!p1 s17, $0x3F  }
0x13: {  	s14 =	ssub.s32 @!p1 $0x80, s14;
	p2 =	por !p2, p1;
	p3 =	por !p3, p1  }
0x14: {  	s16 =	sadd.s32 $0x1000, s11;
	s15 =	simm.s32 @!p2 $0x0;
	s14 =	simm.s32 @!p3 $0x0  }
0x15: {  	p2 =	sgt.s32 s16, $0xF423F;
	s14 =	smul.u32 @!p1 s14, s15;
	s15 =	sadd.s32 $0x40, s12  }
0x16: {  	s18 =	smov.u32 @p2 s15  }
0x17: {  	s16 =	smov.u32 @p2 s3;
	p2 =	sgt.s32 s18, $0x3F  }
0x18: {  	s18 =	simm.s32 @p2 $0x0;
	p2 =	sne.s32 s13, s7  }
.Ltmp1:
0x19: {  	p0 =	por !p0, !p0;
	s17 =	simm.s32 @!p1 $0x2;
	(pc) =	sbr.rel @!p2 .LBB1_6-.Ltmp1, $4  }
0x1a: {  	s15 =	smov.u32 s9;
	s9 =	smov.u32 s11;
	s14 =	sand.u32 @!p1 $0x3FFFFFFF, s14  }
0x1b: {  	s11 =	smov.u32 s16;
	_ =	swait.ge @!p1 [sflag:s17], s14;
	s19 =	ssub.s32 @!p1 $0x0, s14  }
0x1c: {  	s14 =	smov.u32 s10;
	s13 =	sadd.s32 $0x1, s13;
	[sflag:s17] =	ssyncset.done @!p1 $0x0  }
0x1d: {  	s10 =	smov.u32 s12;
	s12 =	smov.u32 s18;
	[sflag:s17] =	ssyncadd.s32 @!p1 s19  }
.LBB1_1:
0x1e: {  	p1 =	sgt.u32 s13, s6  }
0x1f: {  	s16 =	sshrl.u32 @!p1 s12, $0x3  }
0x20: {  	s17 =	sshll.u32 @!p1 s11, $0x3;
	s16 =	smul.u32 @!p1 $0x7A1400, s16  }
0x21: {  	s18 =	sshll.u32 @!p1 s12, $0x7;
	s17 =	sand.u32 @!p1 $0xFFFFFC00, s17  }
0x22: {  	s16 =	sadd.s32 @!p1 s16, s17;
	s17 =	sand.u32 @!p1 $0x380, s18  }
0x23: {  	s18 =	sand.u32 @!p1 $0x7F, s11;
	s16 =	sor.u32 @!p1 s17, s16  }
0x24: {  	s17 =	sor.u32 @!p1 s18, s16  }
0x25: {  	s18 =	smulhi.u32 @!p1 $0x218D6287, s17;
	_ =	sdelay $0x1  }
0x26: {  	s16 =	smulhi.u32 @!p1 $0x218D6287, s16;
	s18 =	sshrl.u32 @!p1 s18, $0x11  }
0x27: {  	s18 =	smul.u32 @!p1 $0xF4280, s18  }
0x28: {  	s19 =	sxor.u32 @!p1 $0xFFFFFFFF, s13;
	s16 =	sshrl.u32 @!p1 s16, $0x11  }
0x29: {  	s19 =	sshll.u32 @!p1 s19, $0xD;
	s16 =	sand.u32 @!p1 $0x3F, s16;
	s17 =	ssub.s32 @!p1 s17, s18  }
0x2a: {  	s16 =	smul.u32 @!p1 $0x1E850, s16;
	s18 =	sshrl.u32 @!p1 s17, $0x3;
	s17 =	sand.u32 @!p1 $0x7, s17  }
0x2b: {  	s19 =	sand.u32 @!p1 $0x2000, s19;
	s18 =	sadd.s32 @!p1 s2, s18;
	s17 =	sshll.u32 @!p1 s17, $0x12  }
0x2c: {  	s16 =	sadd.s32 @!p1 s16, s18;
	s17 =	sor.u32 @!p1 $0x400, s17;
	s18 =	simm.s32 @!p1 $0x7A1400  }
0x2d: {  	[tilespmem:s19], [sflag:$0x1] =	stream.strided.gather @!p1 [hbm4b:s16+s17], $0x2000, s18, s17, $0x38;
	[tilespmem:$0x8100] =	vst v63  }
0x2e: {  	p1 =	seq.s32 s13, $0x0  }
0x2f: {  	p2 =	sge.u32 @!p1 s13, s7  }
0x30: {  	p1 =	por p1, p2  }
.Ltmp2:
0x31: {  	_ = 	snop;
	(pc) =	sbr.rel @p1 .LBB1_5-.Ltmp2, $1  }
0x32: {  	_ =	sdelay $0x3  }
0x33: {  	s16 =	simm.s32 $0x1  }
0x34: {  	_ =	swait.ge [sflag:s4], $0x2000;
	s16 =	simm.s32 @!p0 $0x0  }
0x35: {  	[sflag:s4] =	ssyncset.done $0x0;
	s17 =	sshll.u32 s16, $0xD  }
0x36: {  	[sflag:s4] =	ssyncadd.s32 $0xFFFFE000;
	s17 =	sor.u32 $0x40, s17  }
0x37: {  	s16 =	smul.u32 $0x8200, s16;
	v0 =	vld [tilespmem:s17+$0x30]  }
0x38: {  	v1 =	vld [tilespmem:s17+$0xFFFFFFD0]  }
0x39: {  	s16 =	sshrl.u32 s16, $0x2;
	v5 =	vld [tilespmem:s17+$0xFFFFFFE0]  }
0x3a: {  	v6 =	vld [tilespmem:s17+$0xFFFFFFF0];
	s19 =	sor.u32 $0x4000, s16  }
0x3b: {  	s31 =	sand.u32 $0x1, s13;
	v4 =	vld [tilespmem:s17+$0x0];
	s18 =	sadd.s32 $0x0, s19  }
0x3c: {  	v3 =	vld [tilespmem:s17+$0x10];
	s16 =	smul.u32 $0x8200, s31;
	[tilespmem:s18+$0x1C70 ss:$0x41] =	vst.msk $0xffff, v0  }
0x3d: {  	v2 =	vld [tilespmem:s17+$0x20];
	[tilespmem:s18+$0x410 ss:$0x41] =	vst.msk $0xffff, v1  }
0x3e: {  	s16 =	sshrl.u32 s16, $0x2;
	v1 =	vld [tilespmem:s17+$0xFFFFFFC0];
	[tilespmem:s18+$0x820 ss:$0x41] =	vst.msk $0xffff, v5;
	s17 =	sadd.s32 $0x80, s17  }
0x3f: {  	s20 =	simm.s32 $0x4;
	s21 =	simm.s32 $0x8;
	s16 =	sor.u32 $0x4000, s16;
	[tilespmem:s18+$0xC30 ss:$0x41] =	vst.msk $0xffff, v6;
	v0 =	vld [tilespmem:s17+$0x30]  }
.LBB1_3:
0x40: {  	p1 =	sne.s32 s21, $0xFC;
	v5 =	vld [tilespmem:s17+$0xFFFFFFD0];
	[tilespmem:s18+$0x1040 ss:$0x41] =	vst.msk $0xffff, v4  }
0x41: {  	v6 =	vld [tilespmem:s17+$0xFFFFFFE0];
	[tilespmem:s18+$0x1450 ss:$0x41] =	vst.msk $0xffff, v3  }
0x42: {  	s22 =	sshra.s32 s20, $0x2;
	s20 =	smov.u32 s21;
	v7 =	vld [tilespmem:s17+$0xFFFFFFF0];
	[tilespmem:s18+$0x1860 ss:$0x41] =	vst.msk $0xffff, v2  }
.Ltmp3:
0x43: {  	v4 =	vld [tilespmem:s17+$0x0];
	[tilespmem:s18+$0x0 ss:$0x41] =	vst.msk $0xffff, v1;
	s18 =	sadd.s32 s22, s19;
	(pc) =	sbr.rel @p1 .LBB1_3-.Ltmp3, $4  }
0x44: {  	v3 =	vld [tilespmem:s17+$0x10];
	[tilespmem:s18+$0x1C70 ss:$0x41] =	vst.msk $0xffff, v0  }
0x45: {  	[tilespmem:s18+$0x410 ss:$0x41] =	vst.msk $0xffff, v5;
	v2 =	vld [tilespmem:s17+$0x20]  }
0x46: {  	v1 =	vld [tilespmem:s17+$0xFFFFFFC0];
	[tilespmem:s18+$0x820 ss:$0x41] =	vst.msk $0xffff, v6;
	s17 =	sadd.s32 $0x80, s17  }
0x47: {  	s21 =	sadd.s32 $0x4, s21;
	v0 =	vld [tilespmem:s17+$0x30];
	[tilespmem:s18+$0xC30 ss:$0x41] =	vst.msk $0xffff, v7  }
0x48: {  	s21 =	sshll.u32 s9, $0x7;
	s22 =	sshll.u32 s10, $0x3;
	s20 =	sshra.s32 s20, $0x2  }
0x49: {  	p1 =	sgt.s32 s9, $0xF41C0;
	s30 =	sshra.s32 s9, $0x1F;
	s25 =	sshra.s32 s10, $0x1F  }
0x4a: {  	v5 =	vld [tilespmem:s17+$0xFFFFFFD0];
	s28 =	sshrl.u32 s10, $0x3;
	s23 =	sand.u32 $0xFFFFFC00, s21;
	s22 =	sand.u32 $0xFFFFFC00, s22  }
0x4b: {  	[tilespmem:s18+$0x1040 ss:$0x41] =	vst.msk $0xffff, v4;
	v58 =	vld [tilespmem:s17+$0xFFFFFFE0];
	s21 =	sand.u32 $0x380, s21;
	s19 =	sadd.s32 s20, s19;
	s22 =	sadd.s32 s22, s23  }
0x4c: {  	v59 =	vld [tilespmem:s17+$0xFFFFFFF0];
	[tilespmem:s18+$0x1450 ss:$0x41] =	vst.msk $0xffff, v3;
	s29 =	sor.u32 s21, s22;
	s21 =	smov.u32 s9;
	s22 =	sand.u32 s30, s9  }
0x4d: {  	v60 =	vld [tilespmem:s17+$0x0];
	[tilespmem:s18+$0x1860 ss:$0x41] =	vst.msk $0xffff, v2;
	s30 =	sand.u32 $0x7, s10;
	s20 =	sshrl.u32 s29, $0x7;
	s21 =	simm.s32 @!p1 $0xF41C0  }
0x4e: {  	v61 =	vld [tilespmem:s17+$0x10];
	[tilespmem:s18+$0x0 ss:$0x41] =	vst.msk $0xffff, v1;
	p1 =	sgt.s32 s10, $0x40;
	s24 =	ssub.s32 s21, s22;
	s21 =	smov.u32 s10  }
0x4f: {  	v62 =	vld [tilespmem:s17+$0x20];
	[tilespmem:s19+$0x1C70 ss:$0x41] =	vst.msk $0xffff, v0;
	s31 =	smulhi.u32 $0x218DEF5, s20;
	s22 =	sand.u32 s25, s10;
	s21 =	simm.s32 @!p1 $0x40  }
0x50: {  	v63 =	vld [tilespmem:s17+$0xFFFFFFC0];
	[tilespmem:s19+$0x410 ss:$0x41] =	vst.msk $0xffff, v5;
	s26 =	sadd.s32 $0xFFF0BE40, s24;
	s17 =	ssub.s32 $0xF4240, s24;
	s21 =	ssub.s32 s21, s22  }
0x51: {  	[tilespmem:s19+$0x820 ss:$0x41] =	vst.msk $0xffff, v58;
	s23 =	sshrl.u32 s31, $0xD;
	p1 =	sgt.s32 s26, $0x7F;
	s27 =	sadd.s32 $0xFFFFFFC0, s21  }
0x52: {  	[tilespmem:s19+$0xC30 ss:$0x41] =	vst.msk $0xffff, v59;
	s23 =	smul.u32 $0xF4240, s23;
	s18 =	ssub.s32 $0x80, s21;
	p2 =	sgt.s32 s27, $0x3F  }
.Ltmp4:
0x53: {  	[tilespmem:s19+$0x1040 ss:$0x41] =	vst.msk $0xffff, v60;
	s17 =	simm.s32 @p1 $0x0;
	s18 =	simm.s32 @p2 $0x0;
	(pc) =	sbr.rel .LBB1_5-.Ltmp4, $4  }
0x54: {  	s29 =	sand.u32 $0xF, s28;
	[tilespmem:s19+$0x1450 ss:$0x41] =	vst.msk $0xffff, v61;
	s20 =	ssub.s32 s20, s23;
	s17 =	smul.u32 s18, s17  }
0x55: {  	[tilespmem:s19+$0x1860 ss:$0x41] =	vst.msk $0xffff, v62;
	s21 =	sshll.u32 s30, $0x12;
	s20 =	sshll.u32 s20, $0x4;
	s18 =	sadd.s32 s5, s29  }
0x56: {  	[tilespmem:s19+$0x0 ss:$0x41] =	vst.msk $0xffff, v63;
	s31 =	sor.u32 $0x40, s21;
	s18 =	sadd.s32 s20, s18;
	s17 =	sand.u32 $0x3FFFFFFF, s17  }
0x57: {  	[hbm4b:s18+s31] =	stream.strided.scatter [tilespmem:s16], [sflag:$0x2], s17, s8, s31, $0x18;
	[tilespmem:$0x8100] =	vst v63  }
.LBB1_6:
0x58: {  	_ =	sfence.sel $0x180000  }
0x59: {  	s2 =	simm.s32 $0x1;
	[bflag:$0x0] =	sbarrier.arrive $0xFFFF  }
0x5a: {  	s31 =	simm.s32 $0x2;
	[sflag:s2] =	ssyncpa.u1 $0x1  }
0x5b: {  	[sflag:s31] =	ssyncpa.u1 $0x1  }
0x5c: {  	p0 =	sne.s32 s1, $0x0;
	_ =	strace $0x90000047  }
0x5d: {  	s0 =	sadd.s32 @!p0 $0x100000, s0;
	[bflag:$0x2] =	sbarrier.arrive $0xFFFF  }
0x5e: {  	[sflag:s0] =	ssyncadd.tile.s32 @!p0 $0x1;
	_ =	shalt  }
.Lfunc_end1:
_tile_overlayer_lowered:
.L_overlay_start_2:
0x5f: {  	(tag) =	ssettag $0x2  }
0x60: {  	s0 =	rddreg [dreg:$0x0];
	s2 =	stileid.u32  }
0x61: {  	s1 =	rddreg [dreg:$0x1];
	p0 =	sne.s32 s2, $0x0  }
0x62: {  	s3 =	rddreg [dreg:$0x2];
	[bflag:$0x3] =	sbarrier.arrive $0xFFFF;
	s2 =	simm.s32 @!p0 $0x1C01  }
0x63: {  	[timem:s3], [sflag:s2] =	dma.local @!p0 [hbm:s0], s1  }
0x64: {  	s0 =	simm.s32 @!p0 $0x1  }
0x65: {  	_ =	swait.ge @!p0 [sflag:s0], s1  }
0x66: {  	s1 =	ssub.s32 @!p0 $0x0, s1;
	[sflag:s0] =	ssyncset.done @!p0 $0x0  }
0x67: {  	[sflag:s0] =	ssyncadd.s32 @!p0 s1  }
0x68: {  	[bflag:$0x3] =	sbarrier.arrive $0xFFFF  }
0x69: {  	_ =	shalt  }

// kernel: sparse-core-data-format-call.cloned.1.call-start
scs
called_computation_lowered:
.L_overlay_start_0:
0x0: {  	s2 =	sld [smem:$0x3FD9]  }
0x1: {  	s3 =	sld [smem:$0x3FFE];
	_ =	sdelay $0x1  }
0x2: {  	s1 =	srdreg.scid  }
0x3: {  	s0 =	sand.u32 $0x1, s1  }
0x4: {  	s18 =	sshll.u32 s0, $0xA;
	s2 =	sadd.s32 s3, s2  }
0x5: {  	s2 =	sadd.s32 s2, s18  }
0x6: {  	[smem:$0x3FC6] =	sst s2  }
0x7: {  	_ = 	snop  }
0x8: {  	s2 =	sld [smem:$0x3FD0];
	(tm) =	ssettm $0x1  }
0x9: {  	s19 =	sld [smem:$0x3FFB];
	_ =	sdelay $0x3  }
0xa: {  	_ =	strace s19  }
0xb: {  	s3 =	sld [smem:$0x3FFC];
	_ =	sdelay $0x3  }
0xc: {  	_ =	strace s3  }
0xd: {  	s3 =	sld [smem:$0x3FFD];
	_ =	sdelay $0x3  }
0xe: {  	_ =	strace s3  }
0xf: {  	_ =	strace $0x8FFFFFFF  }
0x10: {  	s20 =	sld [smem:$0x3FDB];
	_ =	sdelay $0x1  }
0x11: {  	s4 =	simm.s32 $_scs_section_size  }
0x12: {  	s5 =	simm.s32 $_size__tile_overlayer_lowered;
	s6 =	simm.s32 $_tile_overlayer_lowered  }
0x13: {  	s23 =	simm.s32 $0x1BFF;
	s22 =	sshll.u32 s6, $0x1;
	s3 =	sadd.s32 s4, s20  }
0x14: {  	s7 =	simm.s32 $0x0;
	s21 =	sshll.u32 s5, $0x1;
	s5 =	sadd.s32 s22, s3  }
0x15: {  	[timem:s7], [sflag:s23] =	dma.local [hbm:s5], s21  }
0x16: {  	_ =	swait.ge [sflag:s23], s21  }
0x17: {  	s4 =	ssub.s32 $0x0, s21;
	[sflag:s23] =	ssyncset.done $0x0  }
0x18: {  	[sflag:s23] =	ssyncadd.s32 s4;
	_ =	sdelay $0x1  }
0x19: {  	s24 =	simm.s32 $0x1B8B  }
0x1a: {  	_ =	swait.ge [sflag:s24], $0x1  }
0x1b: {  	[sflag:s24] =	ssyncset.done $0x0  }
0x1c: {  	s26 =	simm.s32 $0x1B8E;
	s25 =	sld [smem:$0x3FFE];
	[sflag:s24] =	ssyncadd.s32 $0xFFFFFFFF  }
0x1d: {  	s27 =	simm.s32 $execute0_lowered;
	[smem:$0x3FD2] =	sst s26  }
0x1e: {  	s5 =	sshll.u32 s27, $0x1;
	_ =	strace $0x8000004C;
	[dreg:$0x1] =	wrdreg $0xFFFFFFFF  }
0x1f: {  	s28 =	simm.s32 $_size_execute0_lowered;
	s3 =	sadd.s32 s3, s5;
	[dreg:$0x0] =	wrdreg $0x0  }
0x20: {  	s5 =	sshll.u32 s28, $0x1;
	[dreg:$0x2] =	wrdreg s3  }
0x21: {  	[dreg:$0x3] =	wrdreg s5  }
0x22: {  	[dreg:$0x4] =	wrdreg $0xC0  }
0x23: {  	_ =	task [dreg:s7], $0x5FFFF  }
0x24: {  	[dreg:$0x1] =	wrdreg $0xFFFFFFFF  }
0x25: {  	[dreg:$0x0] =	wrdreg $0x60  }
0x26: {  	[dreg:$0x2] =	wrdreg s25  }
0x27: {  	[dreg:$0x3] =	wrdreg s2  }
0x28: {  	[dreg:$0x4] =	wrdreg $0x9  }
0x29: {  	_ =	task.clear_ibuf [dreg:s7], $0x5FFFF;
	_ =	strace $0x9000004C  }
0x2a: {  	s29 =	simm.s32 $0x9;
	_ =	strace $0x8000004E  }
0x2b: {  	_ =	swait.ge [sflag:s29], $0x1  }
0x2c: {  	[sflag:s29] =	ssyncadd.s32 $0xFFFFFFFF  }
0x2d: {  	_ =	strace $0x9000004E  }
0x2e: {  	_ =	sfence  }
0x2f: {  	s30 =	sld [smem:$0x0];
	_ =	sdelay $0x2  }
0x30: {  	s31 =	sshll.u32 s1, $0xD;
	s1 =	sshrl.u32 s1, $0x2  }
0x31: {  	s3 =	sand.u32 $0x4000, s31;
	s1 =	sadd.s32 s1, s30  }
0x32: {  	s0 =	sor.u32 s3, s0;
	s1 =	sshll.u32 s1, $0x11  }
0x33: {  	s0 =	sor.u32 s1, s0  }
0x34: {  	s0 =	sadd.s32 $0x8F2B, s0  }
0x35: {  	[sflag:s0] =	ssyncadd.remote.s32 $0x1  }
0x36: {  	_ =	sfence.sel $0xFFFF  }
0x37: {  	[dreg:$0x0] =	wrdreg $0xFFFFFFFF;
	(pc) =	sbr.abs _section_cstart, $3  }
0x38: {  	[dreg:$0x1] =	wrdreg $0xFFFFFFFF  }
0x39: {  	_ =	task.clear_ibuf [dreg:s7], $0x2FFFF;
	_ =	strace $0x9FFFFFFF  }
0x3a: {  	(tm) =	ssettm $0x7FFFFFFF  }
0x3b: {  	_ =	shalt  }
tec
execute0_lowered:
.L_overlay_start_1:
0x0: {  	(tag) =	ssettag $0x1  }
0x1: {  	s0 =	srdreg.scid  }
0x2: {  	s1 =	sshll.u32 s0, $0x4  }
0x3: {  	s0 =	stileid.u32;
	s1 =	sand.u32 $0x10, s1  }
0x4: {  	s1 =	sor.u32 s0, s1  }
0x5: {  	s6 =	rddreg [dreg:$0x0];
	s4 =	simm.s32 $0x1;
	s2 =	sshll.u32 s1, $0x7  }
0x6: {  	s7 =	simm.s32 $0x2;
	s12 =	simm.s32 $0x0;
	s1 =	ssub.s32 $0x4000, s2  }
0x7: {  	s8 =	simm.s32 $0x20000;
	s13 =	simm.s32 $0x0;
	s3 =	sand.u32 $0xF80, s1  }
0x8: {  	s9 =	simm.s32 $0x0;
	s5 =	sshrl.u32 s1, $0xC;
	p0 =	sne.s32 s3, $0x0  }
.Ltmp0:
0x9: {  	s1 =	rddreg [dreg:$0x2];
	s4 =	simm.s32 @!p0 $0x0;
	(pc) =	sbr.rel .LBB1_1-.Ltmp0, $4  }
0xa: {  	s11 =	simm.s32 $0x0;
	s3 =	rddreg [dreg:$0x1];
	s5 =	sadd.s32 s4, s5  }
0xb: {  	_ =	strace $0x8000004D;
	s4 =	simm.s32 $0x1;
	s5 =	smul.u32 $0x1A, s5  }
0xc: {  	s6 =	sadd.s32 $0xE00, s6;
	s10 =	smov.u32 s2;
	[sflag:s4] =	ssyncpa.u1 $0x0  }
0xd: {  	p0 =	por $0x0, $0x0;
	[sflag:s7] =	ssyncpa.u1 $0x0;
	s7 =	sor.u32 $0x1, s5  }
.LBB1_4:
0xe: {  	s16 =	sshll.u32 s13, $0x3;
	s17 =	sand.u32 $0x78, s13  }
0xf: {  	s30 =	sand.u32 $0x1F800, s13;
	s12 =	sshll.u32 s12, $0x11;
	s16 =	sand.u32 $0x3C00, s16  }
0x10: {  	[tilespmem:s15+$0x810 ss:$0x81] =	vst.msk $0xffff, v2;
	s31 =	sand.u32 $0x7, s13;
	s16 =	sor.u32 s17, s16;
	s17 =	sadd.s32 s3, s30  }
0x11: {  	[tilespmem:s15+$0x1020 ss:$0x81] =	vst.msk $0xffff, v0;
	s13 =	sshll.u32 s31, $0x12;
	s12 =	sadd.s32 s12, s17;
	s16 =	sshrl.u32 s16, $0x3  }
0x12: {  	[tilespmem:s15+$0x0 ss:$0x81] =	vst.msk $0xffff, v1;
	s13 =	sor.u32 $0x400, s13;
	s12 =	sadd.s32 s16, s12  }
0x13: {  	[hbm4b:s12+s13] =	stream.strided.scatter [tilespmem:s14], [sflag:$0x2], $0x2000, s8, s13, $0x20;
	[tilespmem:$0x8080] =	vst v63  }
.LBB1_5:
0x14: {  	s14 =	sadd.s32 $0x1, s9  }
0x15: {  	s12 =	sadd.s32 $0x1000, s10;
	s16 =	smov.u32 s10;
	p2 =	sgt.s32 s14, $0x19  }
0x16: {  	s16 =	smov.u32 @p2 s12  }
0x17: {  	s14 =	simm.s32 @p2 $0x0;
	p2 =	sgt.s32 s16, $0x3FFF  }
0x18: {  	s16 =	smov.u32 @p2 s2;
	p2 =	sne.s32 s11, s7  }
.Ltmp1:
0x19: {  	p1 =	slt.u32 s11, $0x2;
	(pc) =	sbr.rel @!p2 .LBB1_6-.Ltmp1, $4  }
0x1a: {  	s15 =	simm.s32 @!p1 $0x2  }
0x1b: {  	s13 =	smov.u32 s10;
	p0 =	por !p0, !p0;
	_ =	swait.ge @!p1 [sflag:s15], $0x2000  }
0x1c: {  	s12 =	smov.u32 s9;
	[sflag:s15] =	ssyncset.done @!p1 $0x0;
	s9 =	smov.u32 s14  }
0x1d: {  	s11 =	sadd.s32 $0x1, s11;
	[sflag:s15] =	ssyncadd.s32 @!p1 $0xFFFFE000;
	s10 =	smov.u32 s16  }
.LBB1_1:
0x1e: {  	p1 =	sge.u32 s11, s5  }
0x1f: {  	s31 =	sadd.s32 $0xFFFFFFFF, s11;
	s14 =	sxor.u32 @!p1 $0xFFFFFFFF, s11  }
0x20: {  	s15 =	sshll.u32 @!p1 s10, $0x9;
	s16 =	sshll.u32 @!p1 s9, $0x4;
	s17 =	simm.s32 @!p1 $0x1000  }
0x21: {  	s14 =	sshll.u32 @!p1 s14, $0xD;
	s16 =	sand.u32 @!p1 $0x1F0, s16;
	s15 =	sadd.s32 @!p1 s6, s15  }
0x22: {  	s14 =	sand.u32 @!p1 $0x2000, s14;
	s15 =	sadd.s32 @!p1 s16, s15;
	s16 =	simm.s32 @!p1 $0x40  }
0x23: {  	[tilespmem:s14], [sflag:$0x1] =	stream.strided.gather @!p1 [hbm4b:s15+s16], $0x2000, s17, s16, $0x38;
	[tilespmem:$0x8080] =	vst v63  }
0x24: {  	p1 =	sge.u32 s31, s5  }
.Ltmp2:
0x25: {  	_ = 	snop;
	(pc) =	sbr.rel @p1 .LBB1_5-.Ltmp2, $1  }
0x26: {  	_ =	sdelay $0x3  }
0x27: {  	s14 =	simm.s32 $0x1  }
0x28: {  	_ =	swait.ge [sflag:s4], $0x2000;
	s14 =	simm.s32 @!p0 $0x0  }
0x29: {  	[sflag:s4] =	ssyncset.done $0x0;
	s15 =	sshll.u32 s14, $0xD  }
0x2a: {  	[sflag:s4] =	ssyncadd.s32 $0xFFFFE000;
	s18 =	sor.u32 $0x20, s15  }
0x2b: {  	s14 =	smul.u32 $0x8100, s14;
	v3 =	vld [tilespmem:s18+$0x10]  }
0x2c: {  	s30 =	sand.u32 $0x1, s11;
	v2 =	vld [tilespmem:s18+$0xFFFFFFF0]  }
0x2d: {  	s15 =	smul.u32 $0x8100, s30;
	s14 =	sshrl.u32 s14, $0x2;
	v0 =	vld [tilespmem:s18+$0x0]  }
0x2e: {  	v1 =	vld [tilespmem:s18+$0xFFFFFFE0];
	s16 =	sor.u32 $0x4000, s14  }
0x2f: {  	s31 =	sshrl.u32 s15, $0x2;
	s15 =	sadd.s32 $0x0, s16  }
0x30: {  	s17 =	simm.s32 $0x4;
	s18 =	sadd.s32 $0x40, s18;
	s14 =	sor.u32 $0x4000, s31;
	[tilespmem:s15+$0x1830 ss:$0x81] =	vst.msk $0xffff, v3  }
.LBB1_3:
0x31: {  	v3 =	vld [tilespmem:s18+$0x10];
	p1 =	sne.s32 s17, $0x1FC;
	[tilespmem:s15+$0x810 ss:$0x81] =	vst.msk $0xffff, v2;
	s19 =	smov.u32 s17;
	s17 =	sadd.s32 $0x4, s17  }
.Ltmp3:
0x32: {  	v2 =	vld [tilespmem:s18+$0xFFFFFFF0];
	[tilespmem:s15+$0x1020 ss:$0x81] =	vst.msk $0xffff, v0;
	(pc) =	sbr.rel @p1 .LBB1_3-.Ltmp3, $4  }
0x33: {  	v0 =	vld [tilespmem:s18+$0x0];
	[tilespmem:s15+$0x0 ss:$0x81] =	vst.msk $0xffff, v1  }
0x34: {  	s15 =	sshra.s32 s19, $0x2;
	v1 =	vld [tilespmem:s18+$0xFFFFFFE0]  }
0x35: {  	s15 =	sadd.s32 s15, s16  }
0x36: {  	s18 =	sadd.s32 $0x40, s18;
	[tilespmem:s15+$0x1830 ss:$0x81] =	vst.msk $0xffff, v3  }
.Ltmp4:
0x37: {  	_ = 	snop;
	(pc) =	sbr.rel .LBB1_4-.Ltmp4, $1  }
0x38: {  	_ =	sdelay $0x3  }
.LBB1_6:
0x39: {  	_ =	sfence.sel $0x180000  }
0x3a: {  	s2 =	simm.s32 $0x1;
	[bflag:$0x0] =	sbarrier.arrive $0xFFFF  }
0x3b: {  	s31 =	simm.s32 $0x2;
	[sflag:s2] =	ssyncpa.u1 $0x1  }
0x3c: {  	[sflag:s31] =	ssyncpa.u1 $0x1  }
0x3d: {  	p0 =	sne.s32 s0, $0x0;
	_ =	strace $0x9000004D  }
0x3e: {  	s0 =	sadd.s32 @!p0 $0x100000, s1;
	[bflag:$0x2] =	sbarrier.arrive $0xFFFF  }
0x3f: {  	[sflag:s0] =	ssyncadd.tile.s32 @!p0 $0x1;
	_ =	shalt  }
.Lfunc_end1:
_tile_overlayer_lowered:
.L_overlay_start_2:
0x40: {  	(tag) =	ssettag $0x2  }
0x41: {  	s0 =	rddreg [dreg:$0x0];
	s2 =	stileid.u32  }
0x42: {  	s1 =	rddreg [dreg:$0x1];
	p0 =	sne.s32 s2, $0x0  }
0x43: {  	s3 =	rddreg [dreg:$0x2];
	[bflag:$0x3] =	sbarrier.arrive $0xFFFF;
	s2 =	simm.s32 @!p0 $0x1C01  }
0x44: {  	[timem:s3], [sflag:s2] =	dma.local @!p0 [hbm:s0], s1  }
0x45: {  	s0 =	simm.s32 @!p0 $0x1  }
0x46: {  	_ =	swait.ge @!p0 [sflag:s0], s1  }
0x47: {  	s1 =	ssub.s32 @!p0 $0x0, s1;
	[sflag:s0] =	ssyncset.done @!p0 $0x0  }
0x48: {  	[sflag:s0] =	ssyncadd.s32 @!p0 s1  }
0x49: {  	[bflag:$0x3] =	sbarrier.arrive $0xFFFF  }
0x4a: {  	_ =	shalt  }

</sc_bundles>
